<compile_context>
chip_gen: v7x
topology: tpu7x:2x2x1
jax: 0.10.2.dev20260603
libtpu: 0.0.44.dev20260713+nightly
codegen_flags: <defaults>
</compile_context>

<pallas_src>
import jax
import jax.numpy as jnp
from jax import lax
from jax.experimental import pallas as pl
from jax.experimental.pallas import tpu as pltpu
from jax.experimental.pallas import tpu_sc as plsc

B = 16384
EMB = 128
LAT = 64

NC, NS = 2, 16
NW = NC * NS
CHUNK = 128
UNIT = NW * CHUNK
NUNITS = B // UNIT

SPLITS = (12288, 4096)
BM = 2048


def _make_gather_body(off, nch, s1, window):
    total = 3 * nch
    u0 = off // UNIT

    def body(gidx, bidx, pidx, gt, bt, pt, o1, o2, o3,
             idx_v, rows_v, *sems):
        gsems, wsems = sems[:s1], sems[s1:]
        wid = lax.axis_index("s") * NC + lax.axis_index("c")
        tbls = (gt, bt, pt)
        outs = (o1, o2, o3)

        sdescs = []
        for t, ih in enumerate((gidx, bidx, pidx)):
            for uu in range(nch):
                c = t * nch + uu
                sdescs.append(pltpu.async_copy(
                    ih.at[u0 + uu, wid], idx_v.at[pl.ds(c, 1)],
                    wsems[c % s1]))
        for d in sdescs:
            d.wait()

        gdescs = [None] * total
        wdescs = [None] * total
        waited = [False] * total

        def fire(c):
            gdescs[c] = pltpu.async_copy(
                tbls[c // nch].at[idx_v.at[c]], rows_v.at[c % s1],
                gsems[c % s1])

        for c in range(min(window, total)):
            fire(c)
        for c in range(total):
            gdescs[c].wait()
            t, uu = divmod(c, nch)
            wdescs[c] = pltpu.async_copy(
                rows_v.at[c % s1],
                outs[t].at[pl.ds(uu * UNIT + wid * CHUNK, CHUNK)],
                wsems[c % s1])
            n = c + window
            if n < total:
                if n >= s1:
                    wdescs[n - s1].wait()
                    waited[n - s1] = True
                fire(n)
        for c in range(total):
            if not waited[c]:
                wdescs[c].wait()

    return body


def _mlp_math(g, bw, p, wp, bp, wf, bfc, o):
    wfv = wf[...]
    m1 = jnp.dot(wp[0 * EMB:1 * EMB, :], wfv,
                 preferred_element_type=jnp.float32)
    m2 = jnp.dot(wp[1 * EMB:2 * EMB, :], wfv,
                 preferred_element_type=jnp.float32)
    m3 = jnp.dot(wp[2 * EMB:3 * EMB, :], wfv,
                 preferred_element_type=jnp.float32)
    dn = (((0,), (1,)), ((), ()))
    r = lax.dot_general(m1, g[...], dn, preferred_element_type=jnp.float32)
    r += lax.dot_general(m2, bw[...], dn, preferred_element_type=jnp.float32)
    r += lax.dot_general(m3, p[...], dn, preferred_element_type=jnp.float32)
    ct = lax.dot_general(wfv, bp[...], dn,
                         preferred_element_type=jnp.float32)
    o[...] = r + (ct + bfc[...].reshape(LAT, 1))


def _mlp_first(g, bw, p, wp, bp, wf, bfc, o):
    _mlp_math(g, bw, p, wp, bp, wf, bfc, o)


def _mlp_acc(acc, g, bw, p, wp, bp, wf, bfc, o):
    _mlp_math(g, bw, p, wp, bp, wf, bfc, o)


def kernel(gains, bws, pms, gain_table, bw_table, pm_table,
           W_proj, b_proj, W_fc, b_fc):
    gi = gains.astype(jnp.int32).reshape(NUNITS, NW, 1, CHUNK)
    bi = bws.astype(jnp.int32).reshape(NUNITS, NW, 1, CHUNK)
    pi = pms.astype(jnp.int32).reshape(NUNITS, NW, 1, CHUNK)

    bp2 = b_proj.reshape(1, EMB)
    bf2 = b_fc.reshape(1, LAT)
    row_spec = pl.BlockSpec((BM, EMB), lambda i: (i, 0))
    w_specs = [
        pl.BlockSpec((3 * EMB, EMB), lambda i: (0, 0)),
        pl.BlockSpec((1, EMB), lambda i: (0, 0)),
        pl.BlockSpec((EMB, LAT), lambda i: (0, 0)),
        pl.BlockSpec((1, LAT), lambda i: (0, 0)),
    ]
    mesh = plsc.VectorSubcoreMesh(core_axis_name="c", subcore_axis_name="s")

    out_t = None
    off = 0
    for bs in SPLITS:
        nch = bs // UNIT
        total = 3 * nch
        s1 = min(total, 6)
        window = min(total, 5)
        gather = pl.kernel(
            _make_gather_body(off, nch, s1, window),
            mesh=mesh,
            compiler_params=pltpu.CompilerParams(needs_layout_passes=False),
            out_type=[jax.ShapeDtypeStruct((bs, EMB), jnp.float32)] * 3,
            scratch_types=[
                pltpu.VMEM((total, CHUNK), jnp.int32),
                pltpu.VMEM((s1, CHUNK, EMB), jnp.float32),
            ] + [pltpu.SemaphoreType.DMA] * (2 * s1),
        )
        ge, be, pe = gather(gi, bi, pi, gain_table, bw_table, pm_table)

        nb = bs // BM
        nb_off = off // BM
        if out_t is None:
            acc_ops, acc_specs, alias = [], [], {}
            body = _mlp_first
        else:
            acc_ops = [out_t]
            acc_specs = [pl.BlockSpec((LAT, BM), lambda i: (0, 0))]
            alias = {0: 0}
            body = _mlp_acc
        out_t = pl.pallas_call(
            body,
            grid=(nb,),
            in_specs=acc_specs + [row_spec, row_spec, row_spec] + w_specs,
            out_specs=pl.BlockSpec((LAT, BM),
                                   lambda i, o=nb_off: (0, o + i)),
            out_shape=jax.ShapeDtypeStruct((LAT, B), jnp.float32),
            input_output_aliases=alias,
        )(*acc_ops, ge, be, pe, W_proj, bp2, W_fc, bf2)
        off += bs
    return out_t.T

# --- scband reference (transcript-rebuilt; emitter-appended) ---
"""Pipeline reference for scband-spec-embedder-17867063951408 (READ-ONLY COPY).

The authoritative reference and input builder live on the scoring server;
editing this copy changes nothing except your own understanding.
"""

import jax, jax.numpy as jnp
import numpy as np

B = 16384
V = 100000
EMB = 128
LAT = 64

def setup_inputs(seed: int = 0) -> dict:
    key = jax.random.key(seed)
    ks = jax.random.split(key, 10)
    return {
        "gains": jax.random.randint(ks[0], (B,), 0, V),
        "bws": jax.random.randint(ks[1], (B,), 0, V),
        "pms": jax.random.randint(ks[2], (B,), 0, V),
        "gain_table": jax.random.normal(ks[3], (V, EMB), dtype=jnp.float32) * 0.02,
        "bw_table": jax.random.normal(ks[4], (V, EMB), dtype=jnp.float32) * 0.02,
        "pm_table": jax.random.normal(ks[5], (V, EMB), dtype=jnp.float32) * 0.02,
        "W_proj": jax.random.normal(ks[6], (EMB * 3, EMB), dtype=jnp.float32) * 0.02,
        "b_proj": jnp.zeros((EMB,), dtype=jnp.float32),
        "W_fc": jax.random.normal(ks[7], (EMB, LAT), dtype=jnp.float32) * 0.02,
        "b_fc": jnp.zeros((LAT,), dtype=jnp.float32),
    }

def reference(gains, bws, pms, gain_table, bw_table, pm_table, W_proj, b_proj, W_fc, b_fc):
    # Embedding lookups (gather rows)
    gain_embs = jnp.take(gain_table, gains, axis=0)
    bw_embs = jnp.take(bw_table, bws, axis=0)
    pm_embs = jnp.take(pm_table, pms, axis=0)
    # Concatenate in the same order as the torch module: [gain, bw, pm]
    conditions = jnp.concatenate([gain_embs, bw_embs, pm_embs], axis=-1)
    # cond_proj linear
    conditions = conditions @ W_proj + b_proj
    # fc_embs linear
    spec_embs = conditions @ W_fc + b_fc
    return spec_embs

if __name__ == "__main__":
    import jax
    _d = setup_inputs()
    print(jax.jit(kernel)(*tuple(_d.values())))

</pallas_src>

<mosaic_0001>
#map = affine_map<(d0, d1) -> (0, 0, 0, 0)>
#map1 = affine_map<(d0, d1) -> (0, 0)>
module attributes {stable_mosaic.version = 14 : i64} {
  func.func @body(%arg0: i32, %arg1: i32, %arg2: memref<4x32x1x128xi32, #tpu.memory_space<hbm>>, %arg3: memref<4x32x1x128xi32, #tpu.memory_space<hbm>>, %arg4: memref<4x32x1x128xi32, #tpu.memory_space<hbm>>, %arg5: memref<100000x128xf32, #tpu.memory_space<hbm>>, %arg6: memref<100000x128xf32, #tpu.memory_space<hbm>>, %arg7: memref<100000x128xf32, #tpu.memory_space<hbm>>, %arg8: memref<12288x128xf32, #tpu.memory_space<hbm>>, %arg9: memref<12288x128xf32, #tpu.memory_space<hbm>>, %arg10: memref<12288x128xf32, #tpu.memory_space<hbm>>, %arg11: memref<9x128xi32, #tpu.memory_space<vmem>>, %arg12: memref<6x128x128xf32, #tpu.memory_space<vmem>>, %arg13: memref<!tpu.dma_semaphore, #tpu.memory_space<semaphore_mem>>, %arg14: memref<!tpu.dma_semaphore, #tpu.memory_space<semaphore_mem>>, %arg15: memref<!tpu.dma_semaphore, #tpu.memory_space<semaphore_mem>>, %arg16: memref<!tpu.dma_semaphore, #tpu.memory_space<semaphore_mem>>, %arg17: memref<!tpu.dma_semaphore, #tpu.memory_space<semaphore_mem>>, %arg18: memref<!tpu.dma_semaphore, #tpu.memory_space<semaphore_mem>>, %arg19: memref<!tpu.dma_semaphore, #tpu.memory_space<semaphore_mem>>, %arg20: memref<!tpu.dma_semaphore, #tpu.memory_space<semaphore_mem>>, %arg21: memref<!tpu.dma_semaphore, #tpu.memory_space<semaphore_mem>>, %arg22: memref<!tpu.dma_semaphore, #tpu.memory_space<semaphore_mem>>, %arg23: memref<!tpu.dma_semaphore, #tpu.memory_space<semaphore_mem>>, %arg24: memref<!tpu.dma_semaphore, #tpu.memory_space<semaphore_mem>>) attributes {dimension_semantics = [#tpu.dimension_semantics<core_parallel>, #tpu.dimension_semantics<subcore_parallel>], iteration_bounds = array<i64: 2, 16>, scalar_prefetch = 0 : i64, scratch_operands = 14 : i64, tpu.core_type = #tpu.core_type<sc_vector_subcore>, window_params = [{transform_indices = #map}, {transform_indices = #map}, {transform_indices = #map}, {transform_indices = #map1}, {transform_indices = #map1}, {transform_indices = #map1}, {transform_indices = #map1}, {transform_indices = #map1}, {transform_indices = #map1}]} {
    %mul3A = arith.constant 2 : i32
    %mul3A_0 = arith.muli %arg1, %mul3A : i32
    %add3A = arith.addi %mul3A_0, %arg0 : i32
    %dma_start3A = arith.constant 0 : i32
    %dma_start3A_1 = arith.constant 0 : i32
    %dma_start3A_2 = arith.constant 0 : i32
    %dma_start3A_3 = tpu.memref_slice %arg11[%dma_start3A_1, %dma_start3A_2] : memref<9x128xi32, #tpu.memory_space<vmem>> -> memref<1x128xi32, #tpu.memory_space<vmem>>
    %dma_start3A_4 = arith.constant 0 : i32
    %dma_start3A_5 = arith.constant 0 : i32
    %dma_start3A_6 = tpu.memref_slice %arg2[%dma_start3A, %add3A, %dma_start3A_4, %dma_start3A_5] : memref<4x32x1x128xi32, #tpu.memory_space<hbm>> -> memref<1x1x1x128xi32, #tpu.memory_space<hbm>>
    %dma_start3A_7 = tpu.memref_squeeze %dma_start3A_6 : memref<1x1x1x128xi32, #tpu.memory_space<hbm>> -> memref<1x128xi32, #tpu.memory_space<hbm>>
    %dma_start3A_8 = arith.constant 0 : i32
    %dma_start3A_9 = arith.constant 0 : i32
    %dma_start3A_10 = tpu.memref_slice %arg11[%dma_start3A_8, %dma_start3A_9] : memref<9x128xi32, #tpu.memory_space<vmem>> -> memref<1x128xi32, #tpu.memory_space<vmem>>
    %dma_start3A_11 = arith.constant 0 : i32
    %dma_start3A_12 = arith.constant 0 : i32
    %dma_start3A_13 = tpu.memref_slice %arg2[%dma_start3A, %add3A, %dma_start3A_11, %dma_start3A_12] : memref<4x32x1x128xi32, #tpu.memory_space<hbm>> -> memref<1x1x1x128xi32, #tpu.memory_space<hbm>>
    %dma_start3A_14 = tpu.memref_squeeze %dma_start3A_13 : memref<1x1x1x128xi32, #tpu.memory_space<hbm>> -> memref<1x128xi32, #tpu.memory_space<hbm>>
    tpu.enqueue_dma source(%dma_start3A_14 : memref<1x128xi32, #tpu.memory_space<hbm>>) target(%dma_start3A_10 : memref<1x128xi32, #tpu.memory_space<vmem>>) target_semaphore(%arg19 : memref<!tpu.dma_semaphore, #tpu.memory_space<semaphore_mem>>)
    %dma_start3A_15 = arith.constant 1 : i32
    %dma_start3A_16 = arith.constant 1 : i32
    %dma_start3A_17 = arith.constant 0 : i32
    %dma_start3A_18 = tpu.memref_slice %arg11[%dma_start3A_16, %dma_start3A_17] : memref<9x128xi32, #tpu.memory_space<vmem>> -> memref<1x128xi32, #tpu.memory_space<vmem>>
    %dma_start3A_19 = arith.constant 0 : i32
    %dma_start3A_20 = arith.constant 0 : i32
    %dma_start3A_21 = tpu.memref_slice %arg2[%dma_start3A_15, %add3A, %dma_start3A_19, %dma_start3A_20] : memref<4x32x1x128xi32, #tpu.memory_space<hbm>> -> memref<1x1x1x128xi32, #tpu.memory_space<hbm>>
    %dma_start3A_22 = tpu.memref_squeeze %dma_start3A_21 : memref<1x1x1x128xi32, #tpu.memory_space<hbm>> -> memref<1x128xi32, #tpu.memory_space<hbm>>
    %dma_start3A_23 = arith.constant 1 : i32
    %dma_start3A_24 = arith.constant 0 : i32
    %dma_start3A_25 = tpu.memref_slice %arg11[%dma_start3A_23, %dma_start3A_24] : memref<9x128xi32, #tpu.memory_space<vmem>> -> memref<1x128xi32, #tpu.memory_space<vmem>>
    %dma_start3A_26 = arith.constant 0 : i32
    %dma_start3A_27 = arith.constant 0 : i32
    %dma_start3A_28 = tpu.memref_slice %arg2[%dma_start3A_15, %add3A, %dma_start3A_26, %dma_start3A_27] : memref<4x32x1x128xi32, #tpu.memory_space<hbm>> -> memref<1x1x1x128xi32, #tpu.memory_space<hbm>>
    %dma_start3A_29 = tpu.memref_squeeze %dma_start3A_28 : memref<1x1x1x128xi32, #tpu.memory_space<hbm>> -> memref<1x128xi32, #tpu.memory_space<hbm>>
    tpu.enqueue_dma source(%dma_start3A_29 : memref<1x128xi32, #tpu.memory_space<hbm>>) target(%dma_start3A_25 : memref<1x128xi32, #tpu.memory_space<vmem>>) target_semaphore(%arg20 : memref<!tpu.dma_semaphore, #tpu.memory_space<semaphore_mem>>)
    %dma_start3A_30 = arith.constant 2 : i32
    %dma_start3A_31 = arith.constant 2 : i32
    %dma_start3A_32 = arith.constant 0 : i32
    %dma_start3A_33 = tpu.memref_slice %arg11[%dma_start3A_31, %dma_start3A_32] : memref<9x128xi32, #tpu.memory_space<vmem>> -> memref<1x128xi32, #tpu.memory_space<vmem>>
    %dma_start3A_34 = arith.constant 0 : i32
    %dma_start3A_35 = arith.constant 0 : i32
    %dma_start3A_36 = tpu.memref_slice %arg2[%dma_start3A_30, %add3A, %dma_start3A_34, %dma_start3A_35] : memref<4x32x1x128xi32, #tpu.memory_space<hbm>> -> memref<1x1x1x128xi32, #tpu.memory_space<hbm>>
    %dma_start3A_37 = tpu.memref_squeeze %dma_start3A_36 : memref<1x1x1x128xi32, #tpu.memory_space<hbm>> -> memref<1x128xi32, #tpu.memory_space<hbm>>
    %dma_start3A_38 = arith.constant 2 : i32
    %dma_start3A_39 = arith.constant 0 : i32
    %dma_start3A_40 = tpu.memref_slice %arg11[%dma_start3A_38, %dma_start3A_39] : memref<9x128xi32, #tpu.memory_space<vmem>> -> memref<1x128xi32, #tpu.memory_space<vmem>>
    %dma_start3A_41 = arith.constant 0 : i32
    %dma_start3A_42 = arith.constant 0 : i32
    %dma_start3A_43 = tpu.memref_slice %arg2[%dma_start3A_30, %add3A, %dma_start3A_41, %dma_start3A_42] : memref<4x32x1x128xi32, #tpu.memory_space<hbm>> -> memref<1x1x1x128xi32, #tpu.memory_space<hbm>>
    %dma_start3A_44 = tpu.memref_squeeze %dma_start3A_43 : memref<1x1x1x128xi32, #tpu.memory_space<hbm>> -> memref<1x128xi32, #tpu.memory_space<hbm>>
    tpu.enqueue_dma source(%dma_start3A_44 : memref<1x128xi32, #tpu.memory_space<hbm>>) target(%dma_start3A_40 : memref<1x128xi32, #tpu.memory_space<vmem>>) target_semaphore(%arg21 : memref<!tpu.dma_semaphore, #tpu.memory_space<semaphore_mem>>)
    %dma_start3A_45 = arith.constant 0 : i32
    %dma_start3A_46 = arith.constant 3 : i32
    %dma_start3A_47 = arith.constant 0 : i32
    %dma_start3A_48 = tpu.memref_slice %arg11[%dma_start3A_46, %dma_start3A_47] : memref<9x128xi32, #tpu.memory_space<vmem>> -> memref<1x128xi32, #tpu.memory_space<vmem>>
    %dma_start3A_49 = arith.constant 0 : i32
    %dma_start3A_50 = arith.constant 0 : i32
    %dma_start3A_51 = tpu.memref_slice %arg3[%dma_start3A_45, %add3A, %dma_start3A_49, %dma_start3A_50] : memref<4x32x1x128xi32, #tpu.memory_space<hbm>> -> memref<1x1x1x128xi32, #tpu.memory_space<hbm>>
    %dma_start3A_52 = tpu.memref_squeeze %dma_start3A_51 : memref<1x1x1x128xi32, #tpu.memory_space<hbm>> -> memref<1x128xi32, #tpu.memory_space<hbm>>
    %dma_start3A_53 = arith.constant 3 : i32
    %dma_start3A_54 = arith.constant 0 : i32
    %dma_start3A_55 = tpu.memref_slice %arg11[%dma_start3A_53, %dma_start3A_54] : memref<9x128xi32, #tpu.memory_space<vmem>> -> memref<1x128xi32, #tpu.memory_space<vmem>>
    %dma_start3A_56 = arith.constant 0 : i32
    %dma_start3A_57 = arith.constant 0 : i32
    %dma_start3A_58 = tpu.memref_slice %arg3[%dma_start3A_45, %add3A, %dma_start3A_56, %dma_start3A_57] : memref<4x32x1x128xi32, #tpu.memory_space<hbm>> -> memref<1x1x1x128xi32, #tpu.memory_space<hbm>>
    %dma_start3A_59 = tpu.memref_squeeze %dma_start3A_58 : memref<1x1x1x128xi32, #tpu.memory_space<hbm>> -> memref<1x128xi32, #tpu.memory_space<hbm>>
    tpu.enqueue_dma source(%dma_start3A_59 : memref<1x128xi32, #tpu.memory_space<hbm>>) target(%dma_start3A_55 : memref<1x128xi32, #tpu.memory_space<vmem>>) target_semaphore(%arg22 : memref<!tpu.dma_semaphore, #tpu.memory_space<semaphore_mem>>)
    %dma_start3A_60 = arith.constant 1 : i32
    %dma_start3A_61 = arith.constant 4 : i32
    %dma_start3A_62 = arith.constant 0 : i32
    %dma_start3A_63 = tpu.memref_slice %arg11[%dma_start3A_61, %dma_start3A_62] : memref<9x128xi32, #tpu.memory_space<vmem>> -> memref<1x128xi32, #tpu.memory_space<vmem>>
    %dma_start3A_64 = arith.constant 0 : i32
    %dma_start3A_65 = arith.constant 0 : i32
    %dma_start3A_66 = tpu.memref_slice %arg3[%dma_start3A_60, %add3A, %dma_start3A_64, %dma_start3A_65] : memref<4x32x1x128xi32, #tpu.memory_space<hbm>> -> memref<1x1x1x128xi32, #tpu.memory_space<hbm>>
    %dma_start3A_67 = tpu.memref_squeeze %dma_start3A_66 : memref<1x1x1x128xi32, #tpu.memory_space<hbm>> -> memref<1x128xi32, #tpu.memory_space<hbm>>
    %dma_start3A_68 = arith.constant 4 : i32
    %dma_start3A_69 = arith.constant 0 : i32
    %dma_start3A_70 = tpu.memref_slice %arg11[%dma_start3A_68, %dma_start3A_69] : memref<9x128xi32, #tpu.memory_space<vmem>> -> memref<1x128xi32, #tpu.memory_space<vmem>>
    %dma_start3A_71 = arith.constant 0 : i32
    %dma_start3A_72 = arith.constant 0 : i32
    %dma_start3A_73 = tpu.memref_slice %arg3[%dma_start3A_60, %add3A, %dma_start3A_71, %dma_start3A_72] : memref<4x32x1x128xi32, #tpu.memory_space<hbm>> -> memref<1x1x1x128xi32, #tpu.memory_space<hbm>>
    %dma_start3A_74 = tpu.memref_squeeze %dma_start3A_73 : memref<1x1x1x128xi32, #tpu.memory_space<hbm>> -> memref<1x128xi32, #tpu.memory_space<hbm>>
    tpu.enqueue_dma source(%dma_start3A_74 : memref<1x128xi32, #tpu.memory_space<hbm>>) target(%dma_start3A_70 : memref<1x128xi32, #tpu.memory_space<vmem>>) target_semaphore(%arg23 : memref<!tpu.dma_semaphore, #tpu.memory_space<semaphore_mem>>)
    %dma_start3A_75 = arith.constant 2 : i32
    %dma_start3A_76 = arith.constant 5 : i32
    %dma_start3A_77 = arith.constant 0 : i32
    %dma_start3A_78 = tpu.memref_slice %arg11[%dma_start3A_76, %dma_start3A_77] : memref<9x128xi32, #tpu.memory_space<vmem>> -> memref<1x128xi32, #tpu.memory_space<vmem>>
    %dma_start3A_79 = arith.constant 0 : i32
    %dma_start3A_80 = arith.constant 0 : i32
    %dma_start3A_81 = tpu.memref_slice %arg3[%dma_start3A_75, %add3A, %dma_start3A_79, %dma_start3A_80] : memref<4x32x1x128xi32, #tpu.memory_space<hbm>> -> memref<1x1x1x128xi32, #tpu.memory_space<hbm>>
    %dma_start3A_82 = tpu.memref_squeeze %dma_start3A_81 : memref<1x1x1x128xi32, #tpu.memory_space<hbm>> -> memref<1x128xi32, #tpu.memory_space<hbm>>
    %dma_start3A_83 = arith.constant 5 : i32
    %dma_start3A_84 = arith.constant 0 : i32
    %dma_start3A_85 = tpu.memref_slice %arg11[%dma_start3A_83, %dma_start3A_84] : memref<9x128xi32, #tpu.memory_space<vmem>> -> memref<1x128xi32, #tpu.memory_space<vmem>>
    %dma_start3A_86 = arith.constant 0 : i32
    %dma_start3A_87 = arith.constant 0 : i32
    %dma_start3A_88 = tpu.memref_slice %arg3[%dma_start3A_75, %add3A, %dma_start3A_86, %dma_start3A_87] : memref<4x32x1x128xi32, #tpu.memory_space<hbm>> -> memref<1x1x1x128xi32, #tpu.memory_space<hbm>>
    %dma_start3A_89 = tpu.memref_squeeze %dma_start3A_88 : memref<1x1x1x128xi32, #tpu.memory_space<hbm>> -> memref<1x128xi32, #tpu.memory_space<hbm>>
    tpu.enqueue_dma source(%dma_start3A_89 : memref<1x128xi32, #tpu.memory_space<hbm>>) target(%dma_start3A_85 : memref<1x128xi32, #tpu.memory_space<vmem>>) target_semaphore(%arg24 : memref<!tpu.dma_semaphore, #tpu.memory_space<semaphore_mem>>)
    %dma_start3A_90 = arith.constant 0 : i32
    %dma_start3A_91 = arith.constant 6 : i32
    %dma_start3A_92 = arith.constant 0 : i32
    %dma_start3A_93 = tpu.memref_slice %arg11[%dma_start3A_91, %dma_start3A_92] : memref<9x128xi32, #tpu.memory_space<vmem>> -> memref<1x128xi32, #tpu.memory_space<vmem>>
    %dma_start3A_94 = arith.constant 0 : i32
    %dma_start3A_95 = arith.constant 0 : i32
    %dma_start3A_96 = tpu.memref_slice %arg4[%dma_start3A_90, %add3A, %dma_start3A_94, %dma_start3A_95] : memref<4x32x1x128xi32, #tpu.memory_space<hbm>> -> memref<1x1x1x128xi32, #tpu.memory_space<hbm>>
    %dma_start3A_97 = tpu.memref_squeeze %dma_start3A_96 : memref<1x1x1x128xi32, #tpu.memory_space<hbm>> -> memref<1x128xi32, #tpu.memory_space<hbm>>
    %dma_start3A_98 = arith.constant 6 : i32
    %dma_start3A_99 = arith.constant 0 : i32
    %dma_start3A_100 = tpu.memref_slice %arg11[%dma_start3A_98, %dma_start3A_99] : memref<9x128xi32, #tpu.memory_space<vmem>> -> memref<1x128xi32, #tpu.memory_space<vmem>>
    %dma_start3A_101 = arith.constant 0 : i32
    %dma_start3A_102 = arith.constant 0 : i32
    %dma_start3A_103 = tpu.memref_slice %arg4[%dma_start3A_90, %add3A, %dma_start3A_101, %dma_start3A_102] : memref<4x32x1x128xi32, #tpu.memory_space<hbm>> -> memref<1x1x1x128xi32, #tpu.memory_space<hbm>>
    %dma_start3A_104 = tpu.memref_squeeze %dma_start3A_103 : memref<1x1x1x128xi32, #tpu.memory_space<hbm>> -> memref<1x128xi32, #tpu.memory_space<hbm>>
    tpu.enqueue_dma source(%dma_start3A_104 : memref<1x128xi32, #tpu.memory_space<hbm>>) target(%dma_start3A_100 : memref<1x128xi32, #tpu.memory_space<vmem>>) target_semaphore(%arg19 : memref<!tpu.dma_semaphore, #tpu.memory_space<semaphore_mem>>)
    %dma_start3A_105 = arith.constant 1 : i32
    %dma_start3A_106 = arith.constant 7 : i32
    %dma_start3A_107 = arith.constant 0 : i32
    %dma_start3A_108 = tpu.memref_slice %arg11[%dma_start3A_106, %dma_start3A_107] : memref<9x128xi32, #tpu.memory_space<vmem>> -> memref<1x128xi32, #tpu.memory_space<vmem>>
    %dma_start3A_109 = arith.constant 0 : i32
    %dma_start3A_110 = arith.constant 0 : i32
    %dma_start3A_111 = tpu.memref_slice %arg4[%dma_start3A_105, %add3A, %dma_start3A_109, %dma_start3A_110] : memref<4x32x1x128xi32, #tpu.memory_space<hbm>> -> memref<1x1x1x128xi32, #tpu.memory_space<hbm>>
    %dma_start3A_112 = tpu.memref_squeeze %dma_start3A_111 : memref<1x1x1x128xi32, #tpu.memory_space<hbm>> -> memref<1x128xi32, #tpu.memory_space<hbm>>
    %dma_start3A_113 = arith.constant 7 : i32
    %dma_start3A_114 = arith.constant 0 : i32
    %dma_start3A_115 = tpu.memref_slice %arg11[%dma_start3A_113, %dma_start3A_114] : memref<9x128xi32, #tpu.memory_space<vmem>> -> memref<1x128xi32, #tpu.memory_space<vmem>>
    %dma_start3A_116 = arith.constant 0 : i32
    %dma_start3A_117 = arith.constant 0 : i32
    %dma_start3A_118 = tpu.memref_slice %arg4[%dma_start3A_105, %add3A, %dma_start3A_116, %dma_start3A_117] : memref<4x32x1x128xi32, #tpu.memory_space<hbm>> -> memref<1x1x1x128xi32, #tpu.memory_space<hbm>>
    %dma_start3A_119 = tpu.memref_squeeze %dma_start3A_118 : memref<1x1x1x128xi32, #tpu.memory_space<hbm>> -> memref<1x128xi32, #tpu.memory_space<hbm>>
    tpu.enqueue_dma source(%dma_start3A_119 : memref<1x128xi32, #tpu.memory_space<hbm>>) target(%dma_start3A_115 : memref<1x128xi32, #tpu.memory_space<vmem>>) target_semaphore(%arg20 : memref<!tpu.dma_semaphore, #tpu.memory_space<semaphore_mem>>)
    %dma_start3A_120 = arith.constant 2 : i32
    %dma_start3A_121 = arith.constant 8 : i32
    %dma_start3A_122 = arith.constant 0 : i32
    %dma_start3A_123 = tpu.memref_slice %arg11[%dma_start3A_121, %dma_start3A_122] : memref<9x128xi32, #tpu.memory_space<vmem>> -> memref<1x128xi32, #tpu.memory_space<vmem>>
    %dma_start3A_124 = arith.constant 0 : i32
    %dma_start3A_125 = arith.constant 0 : i32
    %dma_start3A_126 = tpu.memref_slice %arg4[%dma_start3A_120, %add3A, %dma_start3A_124, %dma_start3A_125] : memref<4x32x1x128xi32, #tpu.memory_space<hbm>> -> memref<1x1x1x128xi32, #tpu.memory_space<hbm>>
    %dma_start3A_127 = tpu.memref_squeeze %dma_start3A_126 : memref<1x1x1x128xi32, #tpu.memory_space<hbm>> -> memref<1x128xi32, #tpu.memory_space<hbm>>
    %dma_start3A_128 = arith.constant 8 : i32
    %dma_start3A_129 = arith.constant 0 : i32
    %dma_start3A_130 = tpu.memref_slice %arg11[%dma_start3A_128, %dma_start3A_129] : memref<9x128xi32, #tpu.memory_space<vmem>> -> memref<1x128xi32, #tpu.memory_space<vmem>>
    %dma_start3A_131 = arith.constant 0 : i32
    %dma_start3A_132 = arith.constant 0 : i32
    %dma_start3A_133 = tpu.memref_slice %arg4[%dma_start3A_120, %add3A, %dma_start3A_131, %dma_start3A_132] : memref<4x32x1x128xi32, #tpu.memory_space<hbm>> -> memref<1x1x1x128xi32, #tpu.memory_space<hbm>>
    %dma_start3A_134 = tpu.memref_squeeze %dma_start3A_133 : memref<1x1x1x128xi32, #tpu.memory_space<hbm>> -> memref<1x128xi32, #tpu.memory_space<hbm>>
    tpu.enqueue_dma source(%dma_start3A_134 : memref<1x128xi32, #tpu.memory_space<hbm>>) target(%dma_start3A_130 : memref<1x128xi32, #tpu.memory_space<vmem>>) target_semaphore(%arg21 : memref<!tpu.dma_semaphore, #tpu.memory_space<semaphore_mem>>)
    %dma_wait3A = arith.constant 0 : i32
    %dma_wait3A_135 = arith.constant 0 : i32
    %dma_wait3A_136 = arith.constant 0 : i32
    %dma_wait3A_137 = tpu.memref_slice %arg11[%dma_wait3A_135, %dma_wait3A_136] : memref<9x128xi32, #tpu.memory_space<vmem>> -> memref<1x128xi32, #tpu.memory_space<vmem>>
    %dma_wait3A_138 = arith.constant 0 : i32
    %dma_wait3A_139 = arith.constant 0 : i32
    %dma_wait3A_140 = tpu.memref_slice %arg2[%dma_wait3A, %add3A, %dma_wait3A_138, %dma_wait3A_139] : memref<4x32x1x128xi32, #tpu.memory_space<hbm>> -> memref<1x1x1x128xi32, #tpu.memory_space<hbm>>
    %dma_wait3A_141 = tpu.memref_squeeze %dma_wait3A_140 : memref<1x1x1x128xi32, #tpu.memory_space<hbm>> -> memref<1x128xi32, #tpu.memory_space<hbm>>
    %dma_wait3A_142 = arith.constant 0 : i32
    %dma_wait3A_143 = arith.constant 0 : i32
    %dma_wait3A_144 = tpu.memref_slice %arg11[%dma_wait3A_142, %dma_wait3A_143] : memref<9x128xi32, #tpu.memory_space<vmem>> -> memref<1x128xi32, #tpu.memory_space<vmem>>
    %dma_wait3A_145 = arith.constant 0 : i32
    %dma_wait3A_146 = arith.constant 0 : i32
    %dma_wait3A_147 = tpu.memref_slice %arg2[%dma_wait3A, %add3A, %dma_wait3A_145, %dma_wait3A_146] : memref<4x32x1x128xi32, #tpu.memory_space<hbm>> -> memref<1x1x1x128xi32, #tpu.memory_space<hbm>>
    %dma_wait3A_148 = tpu.memref_squeeze %dma_wait3A_147 : memref<1x1x1x128xi32, #tpu.memory_space<hbm>> -> memref<1x128xi32, #tpu.memory_space<hbm>>
    tpu.wait_dma2 semaphore(%arg19 : memref<!tpu.dma_semaphore, #tpu.memory_space<semaphore_mem>>) src(%dma_wait3A_148 : memref<1x128xi32, #tpu.memory_space<hbm>>) dst(%dma_wait3A_144 : memref<1x128xi32, #tpu.memory_space<vmem>>)
    %dma_wait3A_149 = arith.constant 1 : i32
    %dma_wait3A_150 = arith.constant 1 : i32
    %dma_wait3A_151 = arith.constant 0 : i32
    %dma_wait3A_152 = tpu.memref_slice %arg11[%dma_wait3A_150, %dma_wait3A_151] : memref<9x128xi32, #tpu.memory_space<vmem>> -> memref<1x128xi32, #tpu.memory_space<vmem>>
    %dma_wait3A_153 = arith.constant 0 : i32
    %dma_wait3A_154 = arith.constant 0 : i32
    %dma_wait3A_155 = tpu.memref_slice %arg2[%dma_wait3A_149, %add3A, %dma_wait3A_153, %dma_wait3A_154] : memref<4x32x1x128xi32, #tpu.memory_space<hbm>> -> memref<1x1x1x128xi32, #tpu.memory_space<hbm>>
    %dma_wait3A_156 = tpu.memref_squeeze %dma_wait3A_155 : memref<1x1x1x128xi32, #tpu.memory_space<hbm>> -> memref<1x128xi32, #tpu.memory_space<hbm>>
    %dma_wait3A_157 = arith.constant 1 : i32
    %dma_wait3A_158 = arith.constant 0 : i32
    %dma_wait3A_159 = tpu.memref_slice %arg11[%dma_wait3A_157, %dma_wait3A_158] : memref<9x128xi32, #tpu.memory_space<vmem>> -> memref<1x128xi32, #tpu.memory_space<vmem>>
    %dma_wait3A_160 = arith.constant 0 : i32
    %dma_wait3A_161 = arith.constant 0 : i32
    %dma_wait3A_162 = tpu.memref_slice %arg2[%dma_wait3A_149, %add3A, %dma_wait3A_160, %dma_wait3A_161] : memref<4x32x1x128xi32, #tpu.memory_space<hbm>> -> memref<1x1x1x128xi32, #tpu.memory_space<hbm>>
    %dma_wait3A_163 = tpu.memref_squeeze %dma_wait3A_162 : memref<1x1x1x128xi32, #tpu.memory_space<hbm>> -> memref<1x128xi32, #tpu.memory_space<hbm>>
    tpu.wait_dma2 semaphore(%arg20 : memref<!tpu.dma_semaphore, #tpu.memory_space<semaphore_mem>>) src(%dma_wait3A_163 : memref<1x128xi32, #tpu.memory_space<hbm>>) dst(%dma_wait3A_159 : memref<1x128xi32, #tpu.memory_space<vmem>>)
    %dma_wait3A_164 = arith.constant 2 : i32
    %dma_wait3A_165 = arith.constant 2 : i32
    %dma_wait3A_166 = arith.constant 0 : i32
    %dma_wait3A_167 = tpu.memref_slice %arg11[%dma_wait3A_165, %dma_wait3A_166] : memref<9x128xi32, #tpu.memory_space<vmem>> -> memref<1x128xi32, #tpu.memory_space<vmem>>
    %dma_wait3A_168 = arith.constant 0 : i32
    %dma_wait3A_169 = arith.constant 0 : i32
    %dma_wait3A_170 = tpu.memref_slice %arg2[%dma_wait3A_164, %add3A, %dma_wait3A_168, %dma_wait3A_169] : memref<4x32x1x128xi32, #tpu.memory_space<hbm>> -> memref<1x1x1x128xi32, #tpu.memory_space<hbm>>
    %dma_wait3A_171 = tpu.memref_squeeze %dma_wait3A_170 : memref<1x1x1x128xi32, #tpu.memory_space<hbm>> -> memref<1x128xi32, #tpu.memory_space<hbm>>
    %dma_wait3A_172 = arith.constant 2 : i32
    %dma_wait3A_173 = arith.constant 0 : i32
    %dma_wait3A_174 = tpu.memref_slice %arg11[%dma_wait3A_172, %dma_wait3A_173] : memref<9x128xi32, #tpu.memory_space<vmem>> -> memref<1x128xi32, #tpu.memory_space<vmem>>
    %dma_wait3A_175 = arith.constant 0 : i32
    %dma_wait3A_176 = arith.constant 0 : i32
    %dma_wait3A_177 = tpu.memref_slice %arg2[%dma_wait3A_164, %add3A, %dma_wait3A_175, %dma_wait3A_176] : memref<4x32x1x128xi32, #tpu.memory_space<hbm>> -> memref<1x1x1x128xi32, #tpu.memory_space<hbm>>
    %dma_wait3A_178 = tpu.memref_squeeze %dma_wait3A_177 : memref<1x1x1x128xi32, #tpu.memory_space<hbm>> -> memref<1x128xi32, #tpu.memory_space<hbm>>
    tpu.wait_dma2 semaphore(%arg21 : memref<!tpu.dma_semaphore, #tpu.memory_space<semaphore_mem>>) src(%dma_wait3A_178 : memref<1x128xi32, #tpu.memory_space<hbm>>) dst(%dma_wait3A_174 : memref<1x128xi32, #tpu.memory_space<vmem>>)
    %dma_wait3A_179 = arith.constant 0 : i32
    %dma_wait3A_180 = arith.constant 3 : i32
    %dma_wait3A_181 = arith.constant 0 : i32
    %dma_wait3A_182 = tpu.memref_slice %arg11[%dma_wait3A_180, %dma_wait3A_181] : memref<9x128xi32, #tpu.memory_space<vmem>> -> memref<1x128xi32, #tpu.memory_space<vmem>>
    %dma_wait3A_183 = arith.constant 0 : i32
    %dma_wait3A_184 = arith.constant 0 : i32
    %dma_wait3A_185 = tpu.memref_slice %arg3[%dma_wait3A_179, %add3A, %dma_wait3A_183, %dma_wait3A_184] : memref<4x32x1x128xi32, #tpu.memory_space<hbm>> -> memref<1x1x1x128xi32, #tpu.memory_space<hbm>>
    %dma_wait3A_186 = tpu.memref_squeeze %dma_wait3A_185 : memref<1x1x1x128xi32, #tpu.memory_space<hbm>> -> memref<1x128xi32, #tpu.memory_space<hbm>>
    %dma_wait3A_187 = arith.constant 3 : i32
    %dma_wait3A_188 = arith.constant 0 : i32
    %dma_wait3A_189 = tpu.memref_slice %arg11[%dma_wait3A_187, %dma_wait3A_188] : memref<9x128xi32, #tpu.memory_space<vmem>> -> memref<1x128xi32, #tpu.memory_space<vmem>>
    %dma_wait3A_190 = arith.constant 0 : i32
    %dma_wait3A_191 = arith.constant 0 : i32
    %dma_wait3A_192 = tpu.memref_slice %arg3[%dma_wait3A_179, %add3A, %dma_wait3A_190, %dma_wait3A_191] : memref<4x32x1x128xi32, #tpu.memory_space<hbm>> -> memref<1x1x1x128xi32, #tpu.memory_space<hbm>>
    %dma_wait3A_193 = tpu.memref_squeeze %dma_wait3A_192 : memref<1x1x1x128xi32, #tpu.memory_space<hbm>> -> memref<1x128xi32, #tpu.memory_space<hbm>>
    tpu.wait_dma2 semaphore(%arg22 : memref<!tpu.dma_semaphore, #tpu.memory_space<semaphore_mem>>) src(%dma_wait3A_193 : memref<1x128xi32, #tpu.memory_space<hbm>>) dst(%dma_wait3A_189 : memref<1x128xi32, #tpu.memory_space<vmem>>)
    %dma_wait3A_194 = arith.constant 1 : i32
    %dma_wait3A_195 = arith.constant 4 : i32
    %dma_wait3A_196 = arith.constant 0 : i32
    %dma_wait3A_197 = tpu.memref_slice %arg11[%dma_wait3A_195, %dma_wait3A_196] : memref<9x128xi32, #tpu.memory_space<vmem>> -> memref<1x128xi32, #tpu.memory_space<vmem>>
    %dma_wait3A_198 = arith.constant 0 : i32
    %dma_wait3A_199 = arith.constant 0 : i32
    %dma_wait3A_200 = tpu.memref_slice %arg3[%dma_wait3A_194, %add3A, %dma_wait3A_198, %dma_wait3A_199] : memref<4x32x1x128xi32, #tpu.memory_space<hbm>> -> memref<1x1x1x128xi32, #tpu.memory_space<hbm>>
    %dma_wait3A_201 = tpu.memref_squeeze %dma_wait3A_200 : memref<1x1x1x128xi32, #tpu.memory_space<hbm>> -> memref<1x128xi32, #tpu.memory_space<hbm>>
    %dma_wait3A_202 = arith.constant 4 : i32
    %dma_wait3A_203 = arith.constant 0 : i32
    %dma_wait3A_204 = tpu.memref_slice %arg11[%dma_wait3A_202, %dma_wait3A_203] : memref<9x128xi32, #tpu.memory_space<vmem>> -> memref<1x128xi32, #tpu.memory_space<vmem>>
    %dma_wait3A_205 = arith.constant 0 : i32
    %dma_wait3A_206 = arith.constant 0 : i32
    %dma_wait3A_207 = tpu.memref_slice %arg3[%dma_wait3A_194, %add3A, %dma_wait3A_205, %dma_wait3A_206] : memref<4x32x1x128xi32, #tpu.memory_space<hbm>> -> memref<1x1x1x128xi32, #tpu.memory_space<hbm>>
    %dma_wait3A_208 = tpu.memref_squeeze %dma_wait3A_207 : memref<1x1x1x128xi32, #tpu.memory_space<hbm>> -> memref<1x128xi32, #tpu.memory_space<hbm>>
    tpu.wait_dma2 semaphore(%arg23 : memref<!tpu.dma_semaphore, #tpu.memory_space<semaphore_mem>>) src(%dma_wait3A_208 : memref<1x128xi32, #tpu.memory_space<hbm>>) dst(%dma_wait3A_204 : memref<1x128xi32, #tpu.memory_space<vmem>>)
    %dma_wait3A_209 = arith.constant 2 : i32
    %dma_wait3A_210 = arith.constant 5 : i32
    %dma_wait3A_211 = arith.constant 0 : i32
    %dma_wait3A_212 = tpu.memref_slice %arg11[%dma_wait3A_210, %dma_wait3A_211] : memref<9x128xi32, #tpu.memory_space<vmem>> -> memref<1x128xi32, #tpu.memory_space<vmem>>
    %dma_wait3A_213 = arith.constant 0 : i32
    %dma_wait3A_214 = arith.constant 0 : i32
    %dma_wait3A_215 = tpu.memref_slice %arg3[%dma_wait3A_209, %add3A, %dma_wait3A_213, %dma_wait3A_214] : memref<4x32x1x128xi32, #tpu.memory_space<hbm>> -> memref<1x1x1x128xi32, #tpu.memory_space<hbm>>
    %dma_wait3A_216 = tpu.memref_squeeze %dma_wait3A_215 : memref<1x1x1x128xi32, #tpu.memory_space<hbm>> -> memref<1x128xi32, #tpu.memory_space<hbm>>
    %dma_wait3A_217 = arith.constant 5 : i32
    %dma_wait3A_218 = arith.constant 0 : i32
    %dma_wait3A_219 = tpu.memref_slice %arg11[%dma_wait3A_217, %dma_wait3A_218] : memref<9x128xi32, #tpu.memory_space<vmem>> -> memref<1x128xi32, #tpu.memory_space<vmem>>
    %dma_wait3A_220 = arith.constant 0 : i32
    %dma_wait3A_221 = arith.constant 0 : i32
    %dma_wait3A_222 = tpu.memref_slice %arg3[%dma_wait3A_209, %add3A, %dma_wait3A_220, %dma_wait3A_221] : memref<4x32x1x128xi32, #tpu.memory_space<hbm>> -> memref<1x1x1x128xi32, #tpu.memory_space<hbm>>
    %dma_wait3A_223 = tpu.memref_squeeze %dma_wait3A_222 : memref<1x1x1x128xi32, #tpu.memory_space<hbm>> -> memref<1x128xi32, #tpu.memory_space<hbm>>
    tpu.wait_dma2 semaphore(%arg24 : memref<!tpu.dma_semaphore, #tpu.memory_space<semaphore_mem>>) src(%dma_wait3A_223 : memref<1x128xi32, #tpu.memory_space<hbm>>) dst(%dma_wait3A_219 : memref<1x128xi32, #tpu.memory_space<vmem>>)
    %dma_wait3A_224 = arith.constant 0 : i32
    %dma_wait3A_225 = arith.constant 6 : i32
    %dma_wait3A_226 = arith.constant 0 : i32
    %dma_wait3A_227 = tpu.memref_slice %arg11[%dma_wait3A_225, %dma_wait3A_226] : memref<9x128xi32, #tpu.memory_space<vmem>> -> memref<1x128xi32, #tpu.memory_space<vmem>>
    %dma_wait3A_228 = arith.constant 0 : i32
    %dma_wait3A_229 = arith.constant 0 : i32
    %dma_wait3A_230 = tpu.memref_slice %arg4[%dma_wait3A_224, %add3A, %dma_wait3A_228, %dma_wait3A_229] : memref<4x32x1x128xi32, #tpu.memory_space<hbm>> -> memref<1x1x1x128xi32, #tpu.memory_space<hbm>>
    %dma_wait3A_231 = tpu.memref_squeeze %dma_wait3A_230 : memref<1x1x1x128xi32, #tpu.memory_space<hbm>> -> memref<1x128xi32, #tpu.memory_space<hbm>>
    %dma_wait3A_232 = arith.constant 6 : i32
    %dma_wait3A_233 = arith.constant 0 : i32
    %dma_wait3A_234 = tpu.memref_slice %arg11[%dma_wait3A_232, %dma_wait3A_233] : memref<9x128xi32, #tpu.memory_space<vmem>> -> memref<1x128xi32, #tpu.memory_space<vmem>>
    %dma_wait3A_235 = arith.constant 0 : i32
    %dma_wait3A_236 = arith.constant 0 : i32
    %dma_wait3A_237 = tpu.memref_slice %arg4[%dma_wait3A_224, %add3A, %dma_wait3A_235, %dma_wait3A_236] : memref<4x32x1x128xi32, #tpu.memory_space<hbm>> -> memref<1x1x1x128xi32, #tpu.memory_space<hbm>>
    %dma_wait3A_238 = tpu.memref_squeeze %dma_wait3A_237 : memref<1x1x1x128xi32, #tpu.memory_space<hbm>> -> memref<1x128xi32, #tpu.memory_space<hbm>>
    tpu.wait_dma2 semaphore(%arg19 : memref<!tpu.dma_semaphore, #tpu.memory_space<semaphore_mem>>) src(%dma_wait3A_238 : memref<1x128xi32, #tpu.memory_space<hbm>>) dst(%dma_wait3A_234 : memref<1x128xi32, #tpu.memory_space<vmem>>)
    %dma_wait3A_239 = arith.constant 1 : i32
    %dma_wait3A_240 = arith.constant 7 : i32
    %dma_wait3A_241 = arith.constant 0 : i32
    %dma_wait3A_242 = tpu.memref_slice %arg11[%dma_wait3A_240, %dma_wait3A_241] : memref<9x128xi32, #tpu.memory_space<vmem>> -> memref<1x128xi32, #tpu.memory_space<vmem>>
    %dma_wait3A_243 = arith.constant 0 : i32
    %dma_wait3A_244 = arith.constant 0 : i32
    %dma_wait3A_245 = tpu.memref_slice %arg4[%dma_wait3A_239, %add3A, %dma_wait3A_243, %dma_wait3A_244] : memref<4x32x1x128xi32, #tpu.memory_space<hbm>> -> memref<1x1x1x128xi32, #tpu.memory_space<hbm>>
    %dma_wait3A_246 = tpu.memref_squeeze %dma_wait3A_245 : memref<1x1x1x128xi32, #tpu.memory_space<hbm>> -> memref<1x128xi32, #tpu.memory_space<hbm>>
    %dma_wait3A_247 = arith.constant 7 : i32
    %dma_wait3A_248 = arith.constant 0 : i32
    %dma_wait3A_249 = tpu.memref_slice %arg11[%dma_wait3A_247, %dma_wait3A_248] : memref<9x128xi32, #tpu.memory_space<vmem>> -> memref<1x128xi32, #tpu.memory_space<vmem>>
    %dma_wait3A_250 = arith.constant 0 : i32
    %dma_wait3A_251 = arith.constant 0 : i32
    %dma_wait3A_252 = tpu.memref_slice %arg4[%dma_wait3A_239, %add3A, %dma_wait3A_250, %dma_wait3A_251] : memref<4x32x1x128xi32, #tpu.memory_space<hbm>> -> memref<1x1x1x128xi32, #tpu.memory_space<hbm>>
    %dma_wait3A_253 = tpu.memref_squeeze %dma_wait3A_252 : memref<1x1x1x128xi32, #tpu.memory_space<hbm>> -> memref<1x128xi32, #tpu.memory_space<hbm>>
    tpu.wait_dma2 semaphore(%arg20 : memref<!tpu.dma_semaphore, #tpu.memory_space<semaphore_mem>>) src(%dma_wait3A_253 : memref<1x128xi32, #tpu.memory_space<hbm>>) dst(%dma_wait3A_249 : memref<1x128xi32, #tpu.memory_space<vmem>>)
    %dma_wait3A_254 = arith.constant 2 : i32
    %dma_wait3A_255 = arith.constant 8 : i32
    %dma_wait3A_256 = arith.constant 0 : i32
    %dma_wait3A_257 = tpu.memref_slice %arg11[%dma_wait3A_255, %dma_wait3A_256] : memref<9x128xi32, #tpu.memory_space<vmem>> -> memref<1x128xi32, #tpu.memory_space<vmem>>
    %dma_wait3A_258 = arith.constant 0 : i32
    %dma_wait3A_259 = arith.constant 0 : i32
    %dma_wait3A_260 = tpu.memref_slice %arg4[%dma_wait3A_254, %add3A, %dma_wait3A_258, %dma_wait3A_259] : memref<4x32x1x128xi32, #tpu.memory_space<hbm>> -> memref<1x1x1x128xi32, #tpu.memory_space<hbm>>
    %dma_wait3A_261 = tpu.memref_squeeze %dma_wait3A_260 : memref<1x1x1x128xi32, #tpu.memory_space<hbm>> -> memref<1x128xi32, #tpu.memory_space<hbm>>
    %dma_wait3A_262 = arith.constant 8 : i32
    %dma_wait3A_263 = arith.constant 0 : i32
    %dma_wait3A_264 = tpu.memref_slice %arg11[%dma_wait3A_262, %dma_wait3A_263] : memref<9x128xi32, #tpu.memory_space<vmem>> -> memref<1x128xi32, #tpu.memory_space<vmem>>
    %dma_wait3A_265 = arith.constant 0 : i32
    %dma_wait3A_266 = arith.constant 0 : i32
    %dma_wait3A_267 = tpu.memref_slice %arg4[%dma_wait3A_254, %add3A, %dma_wait3A_265, %dma_wait3A_266] : memref<4x32x1x128xi32, #tpu.memory_space<hbm>> -> memref<1x1x1x128xi32, #tpu.memory_space<hbm>>
    %dma_wait3A_268 = tpu.memref_squeeze %dma_wait3A_267 : memref<1x1x1x128xi32, #tpu.memory_space<hbm>> -> memref<1x128xi32, #tpu.memory_space<hbm>>
    tpu.wait_dma2 semaphore(%arg21 : memref<!tpu.dma_semaphore, #tpu.memory_space<semaphore_mem>>) src(%dma_wait3A_268 : memref<1x128xi32, #tpu.memory_space<hbm>>) dst(%dma_wait3A_264 : memref<1x128xi32, #tpu.memory_space<vmem>>)
    %dma_start3A_269 = arith.constant 0 : i32
    %dma_start3A_270 = arith.constant 0 : i32
    %dma_start3A_271 = arith.constant 0 : i32
    %dma_start3A_272 = arith.constant 0 : i32
    %dma_start3A_273 = tpu.memref_slice %arg12[%dma_start3A_270, %dma_start3A_271, %dma_start3A_272] : memref<6x128x128xf32, #tpu.memory_space<vmem>> -> memref<1x128x128xf32, #tpu.memory_space<vmem>>
    %dma_start3A_274 = tpu.memref_squeeze %dma_start3A_273 : memref<1x128x128xf32, #tpu.memory_space<vmem>> -> memref<128x128xf32, #tpu.memory_space<vmem>>
    %dma_start3A_275 = arith.constant 0 : i32
    %dma_start3A_276 = tpu.memref_slice %arg11[%dma_start3A_269, %dma_start3A_275] : memref<9x128xi32, #tpu.memory_space<vmem>> -> memref<1x128xi32, #tpu.memory_space<vmem>>
    %dma_start3A_277 = tpu.memref_squeeze %dma_start3A_276 : memref<1x128xi32, #tpu.memory_space<vmem>> -> memref<128xi32, #tpu.memory_space<vmem>>
    %dma_start3A_278 = arith.constant 0 : i32
    %dma_start3A_279 = arith.constant 0 : i32
    %dma_start3A_280 = tpu.memref_slice %arg5[%dma_start3A_278, %dma_start3A_279] : memref<100000x128xf32, #tpu.memory_space<hbm>> -> memref<100000x128xf32, #tpu.memory_space<hbm>>
    tpu.enqueue_indirect_dma source(%dma_start3A_280 : memref<100000x128xf32, #tpu.memory_space<hbm>>) target(%dma_start3A_274 : memref<128x128xf32, #tpu.memory_space<vmem>>) offsets(%dma_start3A_277 : memref<128xi32, #tpu.memory_space<vmem>>) semaphore(%arg13 : memref<!tpu.dma_semaphore, #tpu.memory_space<semaphore_mem>>)
    %dma_start3A_281 = arith.constant 1 : i32
    %dma_start3A_282 = arith.constant 1 : i32
    %dma_start3A_283 = arith.constant 0 : i32
    %dma_start3A_284 = arith.constant 0 : i32
    %dma_start3A_285 = tpu.memref_slice %arg12[%dma_start3A_282, %dma_start3A_283, %dma_start3A_284] : memref<6x128x128xf32, #tpu.memory_space<vmem>> -> memref<1x128x128xf32, #tpu.memory_space<vmem>>
    %dma_start3A_286 = tpu.memref_squeeze %dma_start3A_285 : memref<1x128x128xf32, #tpu.memory_space<vmem>> -> memref<128x128xf32, #tpu.memory_space<vmem>>
    %dma_start3A_287 = arith.constant 0 : i32
    %dma_start3A_288 = tpu.memref_slice %arg11[%dma_start3A_281, %dma_start3A_287] : memref<9x128xi32, #tpu.memory_space<vmem>> -> memref<1x128xi32, #tpu.memory_space<vmem>>
    %dma_start3A_289 = tpu.memref_squeeze %dma_start3A_288 : memref<1x128xi32, #tpu.memory_space<vmem>> -> memref<128xi32, #tpu.memory_space<vmem>>
    %dma_start3A_290 = arith.constant 0 : i32
    %dma_start3A_291 = arith.constant 0 : i32
    %dma_start3A_292 = tpu.memref_slice %arg5[%dma_start3A_290, %dma_start3A_291] : memref<100000x128xf32, #tpu.memory_space<hbm>> -> memref<100000x128xf32, #tpu.memory_space<hbm>>
    tpu.enqueue_indirect_dma source(%dma_start3A_292 : memref<100000x128xf32, #tpu.memory_space<hbm>>) target(%dma_start3A_286 : memref<128x128xf32, #tpu.memory_space<vmem>>) offsets(%dma_start3A_289 : memref<128xi32, #tpu.memory_space<vmem>>) semaphore(%arg14 : memref<!tpu.dma_semaphore, #tpu.memory_space<semaphore_mem>>)
    %dma_start3A_293 = arith.constant 2 : i32
    %dma_start3A_294 = arith.constant 2 : i32
    %dma_start3A_295 = arith.constant 0 : i32
    %dma_start3A_296 = arith.constant 0 : i32
    %dma_start3A_297 = tpu.memref_slice %arg12[%dma_start3A_294, %dma_start3A_295, %dma_start3A_296] : memref<6x128x128xf32, #tpu.memory_space<vmem>> -> memref<1x128x128xf32, #tpu.memory_space<vmem>>
    %dma_start3A_298 = tpu.memref_squeeze %dma_start3A_297 : memref<1x128x128xf32, #tpu.memory_space<vmem>> -> memref<128x128xf32, #tpu.memory_space<vmem>>
    %dma_start3A_299 = arith.constant 0 : i32
    %dma_start3A_300 = tpu.memref_slice %arg11[%dma_start3A_293, %dma_start3A_299] : memref<9x128xi32, #tpu.memory_space<vmem>> -> memref<1x128xi32, #tpu.memory_space<vmem>>
    %dma_start3A_301 = tpu.memref_squeeze %dma_start3A_300 : memref<1x128xi32, #tpu.memory_space<vmem>> -> memref<128xi32, #tpu.memory_space<vmem>>
    %dma_start3A_302 = arith.constant 0 : i32
    %dma_start3A_303 = arith.constant 0 : i32
    %dma_start3A_304 = tpu.memref_slice %arg5[%dma_start3A_302, %dma_start3A_303] : memref<100000x128xf32, #tpu.memory_space<hbm>> -> memref<100000x128xf32, #tpu.memory_space<hbm>>
    tpu.enqueue_indirect_dma source(%dma_start3A_304 : memref<100000x128xf32, #tpu.memory_space<hbm>>) target(%dma_start3A_298 : memref<128x128xf32, #tpu.memory_space<vmem>>) offsets(%dma_start3A_301 : memref<128xi32, #tpu.memory_space<vmem>>) semaphore(%arg15 : memref<!tpu.dma_semaphore, #tpu.memory_space<semaphore_mem>>)
    %dma_start3A_305 = arith.constant 3 : i32
    %dma_start3A_306 = arith.constant 3 : i32
    %dma_start3A_307 = arith.constant 0 : i32
    %dma_start3A_308 = arith.constant 0 : i32
    %dma_start3A_309 = tpu.memref_slice %arg12[%dma_start3A_306, %dma_start3A_307, %dma_start3A_308] : memref<6x128x128xf32, #tpu.memory_space<vmem>> -> memref<1x128x128xf32, #tpu.memory_space<vmem>>
    %dma_start3A_310 = tpu.memref_squeeze %dma_start3A_309 : memref<1x128x128xf32, #tpu.memory_space<vmem>> -> memref<128x128xf32, #tpu.memory_space<vmem>>
    %dma_start3A_311 = arith.constant 0 : i32
    %dma_start3A_312 = tpu.memref_slice %arg11[%dma_start3A_305, %dma_start3A_311] : memref<9x128xi32, #tpu.memory_space<vmem>> -> memref<1x128xi32, #tpu.memory_space<vmem>>
    %dma_start3A_313 = tpu.memref_squeeze %dma_start3A_312 : memref<1x128xi32, #tpu.memory_space<vmem>> -> memref<128xi32, #tpu.memory_space<vmem>>
    %dma_start3A_314 = arith.constant 0 : i32
    %dma_start3A_315 = arith.constant 0 : i32
    %dma_start3A_316 = tpu.memref_slice %arg6[%dma_start3A_314, %dma_start3A_315] : memref<100000x128xf32, #tpu.memory_space<hbm>> -> memref<100000x128xf32, #tpu.memory_space<hbm>>
    tpu.enqueue_indirect_dma source(%dma_start3A_316 : memref<100000x128xf32, #tpu.memory_space<hbm>>) target(%dma_start3A_310 : memref<128x128xf32, #tpu.memory_space<vmem>>) offsets(%dma_start3A_313 : memref<128xi32, #tpu.memory_space<vmem>>) semaphore(%arg16 : memref<!tpu.dma_semaphore, #tpu.memory_space<semaphore_mem>>)
    %dma_start3A_317 = arith.constant 4 : i32
    %dma_start3A_318 = arith.constant 4 : i32
    %dma_start3A_319 = arith.constant 0 : i32
    %dma_start3A_320 = arith.constant 0 : i32
    %dma_start3A_321 = tpu.memref_slice %arg12[%dma_start3A_318, %dma_start3A_319, %dma_start3A_320] : memref<6x128x128xf32, #tpu.memory_space<vmem>> -> memref<1x128x128xf32, #tpu.memory_space<vmem>>
    %dma_start3A_322 = tpu.memref_squeeze %dma_start3A_321 : memref<1x128x128xf32, #tpu.memory_space<vmem>> -> memref<128x128xf32, #tpu.memory_space<vmem>>
    %dma_start3A_323 = arith.constant 0 : i32
    %dma_start3A_324 = tpu.memref_slice %arg11[%dma_start3A_317, %dma_start3A_323] : memref<9x128xi32, #tpu.memory_space<vmem>> -> memref<1x128xi32, #tpu.memory_space<vmem>>
    %dma_start3A_325 = tpu.memref_squeeze %dma_start3A_324 : memref<1x128xi32, #tpu.memory_space<vmem>> -> memref<128xi32, #tpu.memory_space<vmem>>
    %dma_start3A_326 = arith.constant 0 : i32
    %dma_start3A_327 = arith.constant 0 : i32
    %dma_start3A_328 = tpu.memref_slice %arg6[%dma_start3A_326, %dma_start3A_327] : memref<100000x128xf32, #tpu.memory_space<hbm>> -> memref<100000x128xf32, #tpu.memory_space<hbm>>
    tpu.enqueue_indirect_dma source(%dma_start3A_328 : memref<100000x128xf32, #tpu.memory_space<hbm>>) target(%dma_start3A_322 : memref<128x128xf32, #tpu.memory_space<vmem>>) offsets(%dma_start3A_325 : memref<128xi32, #tpu.memory_space<vmem>>) semaphore(%arg17 : memref<!tpu.dma_semaphore, #tpu.memory_space<semaphore_mem>>)
    %dma_wait3A_329 = arith.constant 0 : i32
    %dma_wait3A_330 = arith.constant 0 : i32
    %dma_wait3A_331 = arith.constant 0 : i32
    %dma_wait3A_332 = arith.constant 0 : i32
    %dma_wait3A_333 = tpu.memref_slice %arg12[%dma_wait3A_330, %dma_wait3A_331, %dma_wait3A_332] : memref<6x128x128xf32, #tpu.memory_space<vmem>> -> memref<1x128x128xf32, #tpu.memory_space<vmem>>
    %dma_wait3A_334 = tpu.memref_squeeze %dma_wait3A_333 : memref<1x128x128xf32, #tpu.memory_space<vmem>> -> memref<128x128xf32, #tpu.memory_space<vmem>>
    %dma_wait3A_335 = arith.constant 0 : i32
    %dma_wait3A_336 = tpu.memref_slice %arg11[%dma_wait3A_329, %dma_wait3A_335] : memref<9x128xi32, #tpu.memory_space<vmem>> -> memref<1x128xi32, #tpu.memory_space<vmem>>
    %dma_wait3A_337 = tpu.memref_squeeze %dma_wait3A_336 : memref<1x128xi32, #tpu.memory_space<vmem>> -> memref<128xi32, #tpu.memory_space<vmem>>
    %dma_wait3A_338 = arith.constant 0 : i32
    %dma_wait3A_339 = arith.constant 0 : i32
    %dma_wait3A_340 = tpu.memref_slice %arg5[%dma_wait3A_338, %dma_wait3A_339] : memref<100000x128xf32, #tpu.memory_space<hbm>> -> memref<100000x128xf32, #tpu.memory_space<hbm>>
    tpu.wait_indirect_dma semaphore(%arg13 : memref<!tpu.dma_semaphore, #tpu.memory_space<semaphore_mem>>) src(%dma_wait3A_340 : memref<100000x128xf32, #tpu.memory_space<hbm>>) dst(%dma_wait3A_334 : memref<128x128xf32, #tpu.memory_space<vmem>>)
    %mul3A_341 = arith.constant 128 : i32
    %mul3A_342 = arith.muli %add3A, %mul3A_341 : i32
    %add3A_343 = arith.constant 0 : i32
    %add3A_344 = arith.addi %add3A_343, %mul3A_342 : i32
    %dma_start3A_345 = arith.constant 0 : i32
    %dma_start3A_346 = arith.constant 0 : i32
    %dma_start3A_347 = arith.constant 0 : i32
    %dma_start3A_348 = tpu.memref_slice %arg12[%dma_start3A_345, %dma_start3A_346, %dma_start3A_347] : memref<6x128x128xf32, #tpu.memory_space<vmem>> -> memref<1x128x128xf32, #tpu.memory_space<vmem>>
    %dma_start3A_349 = tpu.memref_squeeze %dma_start3A_348 : memref<1x128x128xf32, #tpu.memory_space<vmem>> -> memref<128x128xf32, #tpu.memory_space<vmem>>
    %dma_start3A_350 = arith.constant 0 : i32
    %dma_start3A_351 = tpu.memref_slice %arg8[%add3A_344, %dma_start3A_350] : memref<12288x128xf32, #tpu.memory_space<hbm>> -> memref<128x128xf32, #tpu.memory_space<hbm>>
    %dma_start3A_352 = arith.constant 0 : i32
    %dma_start3A_353 = tpu.memref_slice %arg8[%add3A_344, %dma_start3A_352] : memref<12288x128xf32, #tpu.memory_space<hbm>> -> memref<128x128xf32, #tpu.memory_space<hbm>>
    %dma_start3A_354 = arith.constant 0 : i32
    %dma_start3A_355 = arith.constant 0 : i32
    %dma_start3A_356 = tpu.memref_slice %arg12[%dma_start3A_345, %dma_start3A_354, %dma_start3A_355] : memref<6x128x128xf32, #tpu.memory_space<vmem>> -> memref<1x128x128xf32, #tpu.memory_space<vmem>>
    %dma_start3A_357 = tpu.memref_squeeze %dma_start3A_356 : memref<1x128x128xf32, #tpu.memory_space<vmem>> -> memref<128x128xf32, #tpu.memory_space<vmem>>
    tpu.enqueue_dma source(%dma_start3A_357 : memref<128x128xf32, #tpu.memory_space<vmem>>) target(%dma_start3A_353 : memref<128x128xf32, #tpu.memory_space<hbm>>) target_semaphore(%arg19 : memref<!tpu.dma_semaphore, #tpu.memory_space<semaphore_mem>>)
    %dma_start3A_358 = arith.constant 5 : i32
    %dma_start3A_359 = arith.constant 5 : i32
    %dma_start3A_360 = arith.constant 0 : i32
    %dma_start3A_361 = arith.constant 0 : i32
    %dma_start3A_362 = tpu.memref_slice %arg12[%dma_start3A_359, %dma_start3A_360, %dma_start3A_361] : memref<6x128x128xf32, #tpu.memory_space<vmem>> -> memref<1x128x128xf32, #tpu.memory_space<vmem>>
    %dma_start3A_363 = tpu.memref_squeeze %dma_start3A_362 : memref<1x128x128xf32, #tpu.memory_space<vmem>> -> memref<128x128xf32, #tpu.memory_space<vmem>>
    %dma_start3A_364 = arith.constant 0 : i32
    %dma_start3A_365 = tpu.memref_slice %arg11[%dma_start3A_358, %dma_start3A_364] : memref<9x128xi32, #tpu.memory_space<vmem>> -> memref<1x128xi32, #tpu.memory_space<vmem>>
    %dma_start3A_366 = tpu.memref_squeeze %dma_start3A_365 : memref<1x128xi32, #tpu.memory_space<vmem>> -> memref<128xi32, #tpu.memory_space<vmem>>
    %dma_start3A_367 = arith.constant 0 : i32
    %dma_start3A_368 = arith.constant 0 : i32
    %dma_start3A_369 = tpu.memref_slice %arg6[%dma_start3A_367, %dma_start3A_368] : memref<100000x128xf32, #tpu.memory_space<hbm>> -> memref<100000x128xf32, #tpu.memory_space<hbm>>
    tpu.enqueue_indirect_dma source(%dma_start3A_369 : memref<100000x128xf32, #tpu.memory_space<hbm>>) target(%dma_start3A_363 : memref<128x128xf32, #tpu.memory_space<vmem>>) offsets(%dma_start3A_366 : memref<128xi32, #tpu.memory_space<vmem>>) semaphore(%arg18 : memref<!tpu.dma_semaphore, #tpu.memory_space<semaphore_mem>>)
    %dma_wait3A_370 = arith.constant 1 : i32
    %dma_wait3A_371 = arith.constant 1 : i32
    %dma_wait3A_372 = arith.constant 0 : i32
    %dma_wait3A_373 = arith.constant 0 : i32
    %dma_wait3A_374 = tpu.memref_slice %arg12[%dma_wait3A_371, %dma_wait3A_372, %dma_wait3A_373] : memref<6x128x128xf32, #tpu.memory_space<vmem>> -> memref<1x128x128xf32, #tpu.memory_space<vmem>>
    %dma_wait3A_375 = tpu.memref_squeeze %dma_wait3A_374 : memref<1x128x128xf32, #tpu.memory_space<vmem>> -> memref<128x128xf32, #tpu.memory_space<vmem>>
    %dma_wait3A_376 = arith.constant 0 : i32
    %dma_wait3A_377 = tpu.memref_slice %arg11[%dma_wait3A_370, %dma_wait3A_376] : memref<9x128xi32, #tpu.memory_space<vmem>> -> memref<1x128xi32, #tpu.memory_space<vmem>>
    %dma_wait3A_378 = tpu.memref_squeeze %dma_wait3A_377 : memref<1x128xi32, #tpu.memory_space<vmem>> -> memref<128xi32, #tpu.memory_space<vmem>>
    %dma_wait3A_379 = arith.constant 0 : i32
    %dma_wait3A_380 = arith.constant 0 : i32
    %dma_wait3A_381 = tpu.memref_slice %arg5[%dma_wait3A_379, %dma_wait3A_380] : memref<100000x128xf32, #tpu.memory_space<hbm>> -> memref<100000x128xf32, #tpu.memory_space<hbm>>
    tpu.wait_indirect_dma semaphore(%arg14 : memref<!tpu.dma_semaphore, #tpu.memory_space<semaphore_mem>>) src(%dma_wait3A_381 : memref<100000x128xf32, #tpu.memory_space<hbm>>) dst(%dma_wait3A_375 : memref<128x128xf32, #tpu.memory_space<vmem>>)
    %mul3A_382 = arith.constant 128 : i32
    %mul3A_383 = arith.muli %add3A, %mul3A_382 : i32
    %add3A_384 = arith.constant 4096 : i32
    %add3A_385 = arith.addi %add3A_384, %mul3A_383 : i32
    %dma_start3A_386 = arith.constant 1 : i32
    %dma_start3A_387 = arith.constant 0 : i32
    %dma_start3A_388 = arith.constant 0 : i32
    %dma_start3A_389 = tpu.memref_slice %arg12[%dma_start3A_386, %dma_start3A_387, %dma_start3A_388] : memref<6x128x128xf32, #tpu.memory_space<vmem>> -> memref<1x128x128xf32, #tpu.memory_space<vmem>>
    %dma_start3A_390 = tpu.memref_squeeze %dma_start3A_389 : memref<1x128x128xf32, #tpu.memory_space<vmem>> -> memref<128x128xf32, #tpu.memory_space<vmem>>
    %dma_start3A_391 = arith.constant 0 : i32
    %dma_start3A_392 = tpu.memref_slice %arg8[%add3A_385, %dma_start3A_391] : memref<12288x128xf32, #tpu.memory_space<hbm>> -> memref<128x128xf32, #tpu.memory_space<hbm>>
    %dma_start3A_393 = arith.constant 0 : i32
    %dma_start3A_394 = tpu.memref_slice %arg8[%add3A_385, %dma_start3A_393] : memref<12288x128xf32, #tpu.memory_space<hbm>> -> memref<128x128xf32, #tpu.memory_space<hbm>>
    %dma_start3A_395 = arith.constant 0 : i32
    %dma_start3A_396 = arith.constant 0 : i32
    %dma_start3A_397 = tpu.memref_slice %arg12[%dma_start3A_386, %dma_start3A_395, %dma_start3A_396] : memref<6x128x128xf32, #tpu.memory_space<vmem>> -> memref<1x128x128xf32, #tpu.memory_space<vmem>>
    %dma_start3A_398 = tpu.memref_squeeze %dma_start3A_397 : memref<1x128x128xf32, #tpu.memory_space<vmem>> -> memref<128x128xf32, #tpu.memory_space<vmem>>
    tpu.enqueue_dma source(%dma_start3A_398 : memref<128x128xf32, #tpu.memory_space<vmem>>) target(%dma_start3A_394 : memref<128x128xf32, #tpu.memory_space<hbm>>) target_semaphore(%arg20 : memref<!tpu.dma_semaphore, #tpu.memory_space<semaphore_mem>>)
    %dma_wait3A_399 = arith.constant 0 : i32
    %dma_wait3A_400 = arith.constant 0 : i32
    %dma_wait3A_401 = arith.constant 0 : i32
    %dma_wait3A_402 = tpu.memref_slice %arg12[%dma_wait3A_399, %dma_wait3A_400, %dma_wait3A_401] : memref<6x128x128xf32, #tpu.memory_space<vmem>> -> memref<1x128x128xf32, #tpu.memory_space<vmem>>
    %dma_wait3A_403 = tpu.memref_squeeze %dma_wait3A_402 : memref<1x128x128xf32, #tpu.memory_space<vmem>> -> memref<128x128xf32, #tpu.memory_space<vmem>>
    %dma_wait3A_404 = arith.constant 0 : i32
    %dma_wait3A_405 = tpu.memref_slice %arg8[%add3A_344, %dma_wait3A_404] : memref<12288x128xf32, #tpu.memory_space<hbm>> -> memref<128x128xf32, #tpu.memory_space<hbm>>
    %dma_wait3A_406 = arith.constant 0 : i32
    %dma_wait3A_407 = tpu.memref_slice %arg8[%add3A_344, %dma_wait3A_406] : memref<12288x128xf32, #tpu.memory_space<hbm>> -> memref<128x128xf32, #tpu.memory_space<hbm>>
    %dma_wait3A_408 = arith.constant 0 : i32
    %dma_wait3A_409 = arith.constant 0 : i32
    %dma_wait3A_410 = tpu.memref_slice %arg12[%dma_wait3A_399, %dma_wait3A_408, %dma_wait3A_409] : memref<6x128x128xf32, #tpu.memory_space<vmem>> -> memref<1x128x128xf32, #tpu.memory_space<vmem>>
    %dma_wait3A_411 = tpu.memref_squeeze %dma_wait3A_410 : memref<1x128x128xf32, #tpu.memory_space<vmem>> -> memref<128x128xf32, #tpu.memory_space<vmem>>
    tpu.wait_dma2 semaphore(%arg19 : memref<!tpu.dma_semaphore, #tpu.memory_space<semaphore_mem>>) src(%dma_wait3A_411 : memref<128x128xf32, #tpu.memory_space<vmem>>) dst(%dma_wait3A_407 : memref<128x128xf32, #tpu.memory_space<hbm>>)
    %dma_start3A_412 = arith.constant 6 : i32
    %dma_start3A_413 = arith.constant 0 : i32
    %dma_start3A_414 = arith.constant 0 : i32
    %dma_start3A_415 = arith.constant 0 : i32
    %dma_start3A_416 = tpu.memref_slice %arg12[%dma_start3A_413, %dma_start3A_414, %dma_start3A_415] : memref<6x128x128xf32, #tpu.memory_space<vmem>> -> memref<1x128x128xf32, #tpu.memory_space<vmem>>
    %dma_start3A_417 = tpu.memref_squeeze %dma_start3A_416 : memref<1x128x128xf32, #tpu.memory_space<vmem>> -> memref<128x128xf32, #tpu.memory_space<vmem>>
    %dma_start3A_418 = arith.constant 0 : i32
    %dma_start3A_419 = tpu.memref_slice %arg11[%dma_start3A_412, %dma_start3A_418] : memref<9x128xi32, #tpu.memory_space<vmem>> -> memref<1x128xi32, #tpu.memory_space<vmem>>
    %dma_start3A_420 = tpu.memref_squeeze %dma_start3A_419 : memref<1x128xi32, #tpu.memory_space<vmem>> -> memref<128xi32, #tpu.memory_space<vmem>>
    %dma_start3A_421 = arith.constant 0 : i32
    %dma_start3A_422 = arith.constant 0 : i32
    %dma_start3A_423 = tpu.memref_slice %arg7[%dma_start3A_421, %dma_start3A_422] : memref<100000x128xf32, #tpu.memory_space<hbm>> -> memref<100000x128xf32, #tpu.memory_space<hbm>>
    tpu.enqueue_indirect_dma source(%dma_start3A_423 : memref<100000x128xf32, #tpu.memory_space<hbm>>) target(%dma_start3A_417 : memref<128x128xf32, #tpu.memory_space<vmem>>) offsets(%dma_start3A_420 : memref<128xi32, #tpu.memory_space<vmem>>) semaphore(%arg13 : memref<!tpu.dma_semaphore, #tpu.memory_space<semaphore_mem>>)
    %dma_wait3A_424 = arith.constant 2 : i32
    %dma_wait3A_425 = arith.constant 2 : i32
    %dma_wait3A_426 = arith.constant 0 : i32
    %dma_wait3A_427 = arith.constant 0 : i32
    %dma_wait3A_428 = tpu.memref_slice %arg12[%dma_wait3A_425, %dma_wait3A_426, %dma_wait3A_427] : memref<6x128x128xf32, #tpu.memory_space<vmem>> -> memref<1x128x128xf32, #tpu.memory_space<vmem>>
    %dma_wait3A_429 = tpu.memref_squeeze %dma_wait3A_428 : memref<1x128x128xf32, #tpu.memory_space<vmem>> -> memref<128x128xf32, #tpu.memory_space<vmem>>
    %dma_wait3A_430 = arith.constant 0 : i32
    %dma_wait3A_431 = tpu.memref_slice %arg11[%dma_wait3A_424, %dma_wait3A_430] : memref<9x128xi32, #tpu.memory_space<vmem>> -> memref<1x128xi32, #tpu.memory_space<vmem>>
    %dma_wait3A_432 = tpu.memref_squeeze %dma_wait3A_431 : memref<1x128xi32, #tpu.memory_space<vmem>> -> memref<128xi32, #tpu.memory_space<vmem>>
    %dma_wait3A_433 = arith.constant 0 : i32
    %dma_wait3A_434 = arith.constant 0 : i32
    %dma_wait3A_435 = tpu.memref_slice %arg5[%dma_wait3A_433, %dma_wait3A_434] : memref<100000x128xf32, #tpu.memory_space<hbm>> -> memref<100000x128xf32, #tpu.memory_space<hbm>>
    tpu.wait_indirect_dma semaphore(%arg15 : memref<!tpu.dma_semaphore, #tpu.memory_space<semaphore_mem>>) src(%dma_wait3A_435 : memref<100000x128xf32, #tpu.memory_space<hbm>>) dst(%dma_wait3A_429 : memref<128x128xf32, #tpu.memory_space<vmem>>)
    %mul3A_436 = arith.constant 128 : i32
    %mul3A_437 = arith.muli %add3A, %mul3A_436 : i32
    %add3A_438 = arith.constant 8192 : i32
    %add3A_439 = arith.addi %add3A_438, %mul3A_437 : i32
    %dma_start3A_440 = arith.constant 2 : i32
    %dma_start3A_441 = arith.constant 0 : i32
    %dma_start3A_442 = arith.constant 0 : i32
    %dma_start3A_443 = tpu.memref_slice %arg12[%dma_start3A_440, %dma_start3A_441, %dma_start3A_442] : memref<6x128x128xf32, #tpu.memory_space<vmem>> -> memref<1x128x128xf32, #tpu.memory_space<vmem>>
    %dma_start3A_444 = tpu.memref_squeeze %dma_start3A_443 : memref<1x128x128xf32, #tpu.memory_space<vmem>> -> memref<128x128xf32, #tpu.memory_space<vmem>>
    %dma_start3A_445 = arith.constant 0 : i32
    %dma_start3A_446 = tpu.memref_slice %arg8[%add3A_439, %dma_start3A_445] : memref<12288x128xf32, #tpu.memory_space<hbm>> -> memref<128x128xf32, #tpu.memory_space<hbm>>
    %dma_start3A_447 = arith.constant 0 : i32
    %dma_start3A_448 = tpu.memref_slice %arg8[%add3A_439, %dma_start3A_447] : memref<12288x128xf32, #tpu.memory_space<hbm>> -> memref<128x128xf32, #tpu.memory_space<hbm>>
    %dma_start3A_449 = arith.constant 0 : i32
    %dma_start3A_450 = arith.constant 0 : i32
    %dma_start3A_451 = tpu.memref_slice %arg12[%dma_start3A_440, %dma_start3A_449, %dma_start3A_450] : memref<6x128x128xf32, #tpu.memory_space<vmem>> -> memref<1x128x128xf32, #tpu.memory_space<vmem>>
    %dma_start3A_452 = tpu.memref_squeeze %dma_start3A_451 : memref<1x128x128xf32, #tpu.memory_space<vmem>> -> memref<128x128xf32, #tpu.memory_space<vmem>>
    tpu.enqueue_dma source(%dma_start3A_452 : memref<128x128xf32, #tpu.memory_space<vmem>>) target(%dma_start3A_448 : memref<128x128xf32, #tpu.memory_space<hbm>>) target_semaphore(%arg21 : memref<!tpu.dma_semaphore, #tpu.memory_space<semaphore_mem>>)
    %dma_wait3A_453 = arith.constant 1 : i32
    %dma_wait3A_454 = arith.constant 0 : i32
    %dma_wait3A_455 = arith.constant 0 : i32
    %dma_wait3A_456 = tpu.memref_slice %arg12[%dma_wait3A_453, %dma_wait3A_454, %dma_wait3A_455] : memref<6x128x128xf32, #tpu.memory_space<vmem>> -> memref<1x128x128xf32, #tpu.memory_space<vmem>>
    %dma_wait3A_457 = tpu.memref_squeeze %dma_wait3A_456 : memref<1x128x128xf32, #tpu.memory_space<vmem>> -> memref<128x128xf32, #tpu.memory_space<vmem>>
    %dma_wait3A_458 = arith.constant 0 : i32
    %dma_wait3A_459 = tpu.memref_slice %arg8[%add3A_385, %dma_wait3A_458] : memref<12288x128xf32, #tpu.memory_space<hbm>> -> memref<128x128xf32, #tpu.memory_space<hbm>>
    %dma_wait3A_460 = arith.constant 0 : i32
    %dma_wait3A_461 = tpu.memref_slice %arg8[%add3A_385, %dma_wait3A_460] : memref<12288x128xf32, #tpu.memory_space<hbm>> -> memref<128x128xf32, #tpu.memory_space<hbm>>
    %dma_wait3A_462 = arith.constant 0 : i32
    %dma_wait3A_463 = arith.constant 0 : i32
    %dma_wait3A_464 = tpu.memref_slice %arg12[%dma_wait3A_453, %dma_wait3A_462, %dma_wait3A_463] : memref<6x128x128xf32, #tpu.memory_space<vmem>> -> memref<1x128x128xf32, #tpu.memory_space<vmem>>
    %dma_wait3A_465 = tpu.memref_squeeze %dma_wait3A_464 : memref<1x128x128xf32, #tpu.memory_space<vmem>> -> memref<128x128xf32, #tpu.memory_space<vmem>>
    tpu.wait_dma2 semaphore(%arg20 : memref<!tpu.dma_semaphore, #tpu.memory_space<semaphore_mem>>) src(%dma_wait3A_465 : memref<128x128xf32, #tpu.memory_space<vmem>>) dst(%dma_wait3A_461 : memref<128x128xf32, #tpu.memory_space<hbm>>)
    %dma_start3A_466 = arith.constant 7 : i32
    %dma_start3A_467 = arith.constant 1 : i32
    %dma_start3A_468 = arith.constant 0 : i32
    %dma_start3A_469 = arith.constant 0 : i32
    %dma_start3A_470 = tpu.memref_slice %arg12[%dma_start3A_467, %dma_start3A_468, %dma_start3A_469] : memref<6x128x128xf32, #tpu.memory_space<vmem>> -> memref<1x128x128xf32, #tpu.memory_space<vmem>>
    %dma_start3A_471 = tpu.memref_squeeze %dma_start3A_470 : memref<1x128x128xf32, #tpu.memory_space<vmem>> -> memref<128x128xf32, #tpu.memory_space<vmem>>
    %dma_start3A_472 = arith.constant 0 : i32
    %dma_start3A_473 = tpu.memref_slice %arg11[%dma_start3A_466, %dma_start3A_472] : memref<9x128xi32, #tpu.memory_space<vmem>> -> memref<1x128xi32, #tpu.memory_space<vmem>>
    %dma_start3A_474 = tpu.memref_squeeze %dma_start3A_473 : memref<1x128xi32, #tpu.memory_space<vmem>> -> memref<128xi32, #tpu.memory_space<vmem>>
    %dma_start3A_475 = arith.constant 0 : i32
    %dma_start3A_476 = arith.constant 0 : i32
    %dma_start3A_477 = tpu.memref_slice %arg7[%dma_start3A_475, %dma_start3A_476] : memref<100000x128xf32, #tpu.memory_space<hbm>> -> memref<100000x128xf32, #tpu.memory_space<hbm>>
    tpu.enqueue_indirect_dma source(%dma_start3A_477 : memref<100000x128xf32, #tpu.memory_space<hbm>>) target(%dma_start3A_471 : memref<128x128xf32, #tpu.memory_space<vmem>>) offsets(%dma_start3A_474 : memref<128xi32, #tpu.memory_space<vmem>>) semaphore(%arg14 : memref<!tpu.dma_semaphore, #tpu.memory_space<semaphore_mem>>)
    %dma_wait3A_478 = arith.constant 3 : i32
    %dma_wait3A_479 = arith.constant 3 : i32
    %dma_wait3A_480 = arith.constant 0 : i32
    %dma_wait3A_481 = arith.constant 0 : i32
    %dma_wait3A_482 = tpu.memref_slice %arg12[%dma_wait3A_479, %dma_wait3A_480, %dma_wait3A_481] : memref<6x128x128xf32, #tpu.memory_space<vmem>> -> memref<1x128x128xf32, #tpu.memory_space<vmem>>
    %dma_wait3A_483 = tpu.memref_squeeze %dma_wait3A_482 : memref<1x128x128xf32, #tpu.memory_space<vmem>> -> memref<128x128xf32, #tpu.memory_space<vmem>>
    %dma_wait3A_484 = arith.constant 0 : i32
    %dma_wait3A_485 = tpu.memref_slice %arg11[%dma_wait3A_478, %dma_wait3A_484] : memref<9x128xi32, #tpu.memory_space<vmem>> -> memref<1x128xi32, #tpu.memory_space<vmem>>
    %dma_wait3A_486 = tpu.memref_squeeze %dma_wait3A_485 : memref<1x128xi32, #tpu.memory_space<vmem>> -> memref<128xi32, #tpu.memory_space<vmem>>
    %dma_wait3A_487 = arith.constant 0 : i32
    %dma_wait3A_488 = arith.constant 0 : i32
    %dma_wait3A_489 = tpu.memref_slice %arg6[%dma_wait3A_487, %dma_wait3A_488] : memref<100000x128xf32, #tpu.memory_space<hbm>> -> memref<100000x128xf32, #tpu.memory_space<hbm>>
    tpu.wait_indirect_dma semaphore(%arg16 : memref<!tpu.dma_semaphore, #tpu.memory_space<semaphore_mem>>) src(%dma_wait3A_489 : memref<100000x128xf32, #tpu.memory_space<hbm>>) dst(%dma_wait3A_483 : memref<128x128xf32, #tpu.memory_space<vmem>>)
    %mul3A_490 = arith.constant 128 : i32
    %mul3A_491 = arith.muli %add3A, %mul3A_490 : i32
    %add3A_492 = arith.constant 0 : i32
    %add3A_493 = arith.addi %add3A_492, %mul3A_491 : i32
    %dma_start3A_494 = arith.constant 3 : i32
    %dma_start3A_495 = arith.constant 0 : i32
    %dma_start3A_496 = arith.constant 0 : i32
    %dma_start3A_497 = tpu.memref_slice %arg12[%dma_start3A_494, %dma_start3A_495, %dma_start3A_496] : memref<6x128x128xf32, #tpu.memory_space<vmem>> -> memref<1x128x128xf32, #tpu.memory_space<vmem>>
    %dma_start3A_498 = tpu.memref_squeeze %dma_start3A_497 : memref<1x128x128xf32, #tpu.memory_space<vmem>> -> memref<128x128xf32, #tpu.memory_space<vmem>>
    %dma_start3A_499 = arith.constant 0 : i32
    %dma_start3A_500 = tpu.memref_slice %arg9[%add3A_493, %dma_start3A_499] : memref<12288x128xf32, #tpu.memory_space<hbm>> -> memref<128x128xf32, #tpu.memory_space<hbm>>
    %dma_start3A_501 = arith.constant 0 : i32
    %dma_start3A_502 = tpu.memref_slice %arg9[%add3A_493, %dma_start3A_501] : memref<12288x128xf32, #tpu.memory_space<hbm>> -> memref<128x128xf32, #tpu.memory_space<hbm>>
    %dma_start3A_503 = arith.constant 0 : i32
    %dma_start3A_504 = arith.constant 0 : i32
    %dma_start3A_505 = tpu.memref_slice %arg12[%dma_start3A_494, %dma_start3A_503, %dma_start3A_504] : memref<6x128x128xf32, #tpu.memory_space<vmem>> -> memref<1x128x128xf32, #tpu.memory_space<vmem>>
    %dma_start3A_506 = tpu.memref_squeeze %dma_start3A_505 : memref<1x128x128xf32, #tpu.memory_space<vmem>> -> memref<128x128xf32, #tpu.memory_space<vmem>>
    tpu.enqueue_dma source(%dma_start3A_506 : memref<128x128xf32, #tpu.memory_space<vmem>>) target(%dma_start3A_502 : memref<128x128xf32, #tpu.memory_space<hbm>>) target_semaphore(%arg22 : memref<!tpu.dma_semaphore, #tpu.memory_space<semaphore_mem>>)
    %dma_wait3A_507 = arith.constant 2 : i32
    %dma_wait3A_508 = arith.constant 0 : i32
    %dma_wait3A_509 = arith.constant 0 : i32
    %dma_wait3A_510 = tpu.memref_slice %arg12[%dma_wait3A_507, %dma_wait3A_508, %dma_wait3A_509] : memref<6x128x128xf32, #tpu.memory_space<vmem>> -> memref<1x128x128xf32, #tpu.memory_space<vmem>>
    %dma_wait3A_511 = tpu.memref_squeeze %dma_wait3A_510 : memref<1x128x128xf32, #tpu.memory_space<vmem>> -> memref<128x128xf32, #tpu.memory_space<vmem>>
    %dma_wait3A_512 = arith.constant 0 : i32
    %dma_wait3A_513 = tpu.memref_slice %arg8[%add3A_439, %dma_wait3A_512] : memref<12288x128xf32, #tpu.memory_space<hbm>> -> memref<128x128xf32, #tpu.memory_space<hbm>>
    %dma_wait3A_514 = arith.constant 0 : i32
    %dma_wait3A_515 = tpu.memref_slice %arg8[%add3A_439, %dma_wait3A_514] : memref<12288x128xf32, #tpu.memory_space<hbm>> -> memref<128x128xf32, #tpu.memory_space<hbm>>
    %dma_wait3A_516 = arith.constant 0 : i32
    %dma_wait3A_517 = arith.constant 0 : i32
    %dma_wait3A_518 = tpu.memref_slice %arg12[%dma_wait3A_507, %dma_wait3A_516, %dma_wait3A_517] : memref<6x128x128xf32, #tpu.memory_space<vmem>> -> memref<1x128x128xf32, #tpu.memory_space<vmem>>
    %dma_wait3A_519 = tpu.memref_squeeze %dma_wait3A_518 : memref<1x128x128xf32, #tpu.memory_space<vmem>> -> memref<128x128xf32, #tpu.memory_space<vmem>>
    tpu.wait_dma2 semaphore(%arg21 : memref<!tpu.dma_semaphore, #tpu.memory_space<semaphore_mem>>) src(%dma_wait3A_519 : memref<128x128xf32, #tpu.memory_space<vmem>>) dst(%dma_wait3A_515 : memref<128x128xf32, #tpu.memory_space<hbm>>)
    %dma_start3A_520 = arith.constant 8 : i32
    %dma_start3A_521 = arith.constant 2 : i32
    %dma_start3A_522 = arith.constant 0 : i32
    %dma_start3A_523 = arith.constant 0 : i32
    %dma_start3A_524 = tpu.memref_slice %arg12[%dma_start3A_521, %dma_start3A_522, %dma_start3A_523] : memref<6x128x128xf32, #tpu.memory_space<vmem>> -> memref<1x128x128xf32, #tpu.memory_space<vmem>>
    %dma_start3A_525 = tpu.memref_squeeze %dma_start3A_524 : memref<1x128x128xf32, #tpu.memory_space<vmem>> -> memref<128x128xf32, #tpu.memory_space<vmem>>
    %dma_start3A_526 = arith.constant 0 : i32
    %dma_start3A_527 = tpu.memref_slice %arg11[%dma_start3A_520, %dma_start3A_526] : memref<9x128xi32, #tpu.memory_space<vmem>> -> memref<1x128xi32, #tpu.memory_space<vmem>>
    %dma_start3A_528 = tpu.memref_squeeze %dma_start3A_527 : memref<1x128xi32, #tpu.memory_space<vmem>> -> memref<128xi32, #tpu.memory_space<vmem>>
    %dma_start3A_529 = arith.constant 0 : i32
    %dma_start3A_530 = arith.constant 0 : i32
    %dma_start3A_531 = tpu.memref_slice %arg7[%dma_start3A_529, %dma_start3A_530] : memref<100000x128xf32, #tpu.memory_space<hbm>> -> memref<100000x128xf32, #tpu.memory_space<hbm>>
    tpu.enqueue_indirect_dma source(%dma_start3A_531 : memref<100000x128xf32, #tpu.memory_space<hbm>>) target(%dma_start3A_525 : memref<128x128xf32, #tpu.memory_space<vmem>>) offsets(%dma_start3A_528 : memref<128xi32, #tpu.memory_space<vmem>>) semaphore(%arg15 : memref<!tpu.dma_semaphore, #tpu.memory_space<semaphore_mem>>)
    %dma_wait3A_532 = arith.constant 4 : i32
    %dma_wait3A_533 = arith.constant 4 : i32
    %dma_wait3A_534 = arith.constant 0 : i32
    %dma_wait3A_535 = arith.constant 0 : i32
    %dma_wait3A_536 = tpu.memref_slice %arg12[%dma_wait3A_533, %dma_wait3A_534, %dma_wait3A_535] : memref<6x128x128xf32, #tpu.memory_space<vmem>> -> memref<1x128x128xf32, #tpu.memory_space<vmem>>
    %dma_wait3A_537 = tpu.memref_squeeze %dma_wait3A_536 : memref<1x128x128xf32, #tpu.memory_space<vmem>> -> memref<128x128xf32, #tpu.memory_space<vmem>>
    %dma_wait3A_538 = arith.constant 0 : i32
    %dma_wait3A_539 = tpu.memref_slice %arg11[%dma_wait3A_532, %dma_wait3A_538] : memref<9x128xi32, #tpu.memory_space<vmem>> -> memref<1x128xi32, #tpu.memory_space<vmem>>
    %dma_wait3A_540 = tpu.memref_squeeze %dma_wait3A_539 : memref<1x128xi32, #tpu.memory_space<vmem>> -> memref<128xi32, #tpu.memory_space<vmem>>
    %dma_wait3A_541 = arith.constant 0 : i32
    %dma_wait3A_542 = arith.constant 0 : i32
    %dma_wait3A_543 = tpu.memref_slice %arg6[%dma_wait3A_541, %dma_wait3A_542] : memref<100000x128xf32, #tpu.memory_space<hbm>> -> memref<100000x128xf32, #tpu.memory_space<hbm>>
    tpu.wait_indirect_dma semaphore(%arg17 : memref<!tpu.dma_semaphore, #tpu.memory_space<semaphore_mem>>) src(%dma_wait3A_543 : memref<100000x128xf32, #tpu.memory_space<hbm>>) dst(%dma_wait3A_537 : memref<128x128xf32, #tpu.memory_space<vmem>>)
    %mul3A_544 = arith.constant 128 : i32
    %mul3A_545 = arith.muli %add3A, %mul3A_544 : i32
    %add3A_546 = arith.constant 4096 : i32
    %add3A_547 = arith.addi %add3A_546, %mul3A_545 : i32
    %dma_start3A_548 = arith.constant 4 : i32
    %dma_start3A_549 = arith.constant 0 : i32
    %dma_start3A_550 = arith.constant 0 : i32
    %dma_start3A_551 = tpu.memref_slice %arg12[%dma_start3A_548, %dma_start3A_549, %dma_start3A_550] : memref<6x128x128xf32, #tpu.memory_space<vmem>> -> memref<1x128x128xf32, #tpu.memory_space<vmem>>
    %dma_start3A_552 = tpu.memref_squeeze %dma_start3A_551 : memref<1x128x128xf32, #tpu.memory_space<vmem>> -> memref<128x128xf32, #tpu.memory_space<vmem>>
    %dma_start3A_553 = arith.constant 0 : i32
    %dma_start3A_554 = tpu.memref_slice %arg9[%add3A_547, %dma_start3A_553] : memref<12288x128xf32, #tpu.memory_space<hbm>> -> memref<128x128xf32, #tpu.memory_space<hbm>>
    %dma_start3A_555 = arith.constant 0 : i32
    %dma_start3A_556 = tpu.memref_slice %arg9[%add3A_547, %dma_start3A_555] : memref<12288x128xf32, #tpu.memory_space<hbm>> -> memref<128x128xf32, #tpu.memory_space<hbm>>
    %dma_start3A_557 = arith.constant 0 : i32
    %dma_start3A_558 = arith.constant 0 : i32
    %dma_start3A_559 = tpu.memref_slice %arg12[%dma_start3A_548, %dma_start3A_557, %dma_start3A_558] : memref<6x128x128xf32, #tpu.memory_space<vmem>> -> memref<1x128x128xf32, #tpu.memory_space<vmem>>
    %dma_start3A_560 = tpu.memref_squeeze %dma_start3A_559 : memref<1x128x128xf32, #tpu.memory_space<vmem>> -> memref<128x128xf32, #tpu.memory_space<vmem>>
    tpu.enqueue_dma source(%dma_start3A_560 : memref<128x128xf32, #tpu.memory_space<vmem>>) target(%dma_start3A_556 : memref<128x128xf32, #tpu.memory_space<hbm>>) target_semaphore(%arg23 : memref<!tpu.dma_semaphore, #tpu.memory_space<semaphore_mem>>)
    %dma_wait3A_561 = arith.constant 5 : i32
    %dma_wait3A_562 = arith.constant 5 : i32
    %dma_wait3A_563 = arith.constant 0 : i32
    %dma_wait3A_564 = arith.constant 0 : i32
    %dma_wait3A_565 = tpu.memref_slice %arg12[%dma_wait3A_562, %dma_wait3A_563, %dma_wait3A_564] : memref<6x128x128xf32, #tpu.memory_space<vmem>> -> memref<1x128x128xf32, #tpu.memory_space<vmem>>
    %dma_wait3A_566 = tpu.memref_squeeze %dma_wait3A_565 : memref<1x128x128xf32, #tpu.memory_space<vmem>> -> memref<128x128xf32, #tpu.memory_space<vmem>>
    %dma_wait3A_567 = arith.constant 0 : i32
    %dma_wait3A_568 = tpu.memref_slice %arg11[%dma_wait3A_561, %dma_wait3A_567] : memref<9x128xi32, #tpu.memory_space<vmem>> -> memref<1x128xi32, #tpu.memory_space<vmem>>
    %dma_wait3A_569 = tpu.memref_squeeze %dma_wait3A_568 : memref<1x128xi32, #tpu.memory_space<vmem>> -> memref<128xi32, #tpu.memory_space<vmem>>
    %dma_wait3A_570 = arith.constant 0 : i32
    %dma_wait3A_571 = arith.constant 0 : i32
    %dma_wait3A_572 = tpu.memref_slice %arg6[%dma_wait3A_570, %dma_wait3A_571] : memref<100000x128xf32, #tpu.memory_space<hbm>> -> memref<100000x128xf32, #tpu.memory_space<hbm>>
    tpu.wait_indirect_dma semaphore(%arg18 : memref<!tpu.dma_semaphore, #tpu.memory_space<semaphore_mem>>) src(%dma_wait3A_572 : memref<100000x128xf32, #tpu.memory_space<hbm>>) dst(%dma_wait3A_566 : memref<128x128xf32, #tpu.memory_space<vmem>>)
    %mul3A_573 = arith.constant 128 : i32
    %mul3A_574 = arith.muli %add3A, %mul3A_573 : i32
    %add3A_575 = arith.constant 8192 : i32
    %add3A_576 = arith.addi %add3A_575, %mul3A_574 : i32
    %dma_start3A_577 = arith.constant 5 : i32
    %dma_start3A_578 = arith.constant 0 : i32
    %dma_start3A_579 = arith.constant 0 : i32
    %dma_start3A_580 = tpu.memref_slice %arg12[%dma_start3A_577, %dma_start3A_578, %dma_start3A_579] : memref<6x128x128xf32, #tpu.memory_space<vmem>> -> memref<1x128x128xf32, #tpu.memory_space<vmem>>
    %dma_start3A_581 = tpu.memref_squeeze %dma_start3A_580 : memref<1x128x128xf32, #tpu.memory_space<vmem>> -> memref<128x128xf32, #tpu.memory_space<vmem>>
    %dma_start3A_582 = arith.constant 0 : i32
    %dma_start3A_583 = tpu.memref_slice %arg9[%add3A_576, %dma_start3A_582] : memref<12288x128xf32, #tpu.memory_space<hbm>> -> memref<128x128xf32, #tpu.memory_space<hbm>>
    %dma_start3A_584 = arith.constant 0 : i32
    %dma_start3A_585 = tpu.memref_slice %arg9[%add3A_576, %dma_start3A_584] : memref<12288x128xf32, #tpu.memory_space<hbm>> -> memref<128x128xf32, #tpu.memory_space<hbm>>
    %dma_start3A_586 = arith.constant 0 : i32
    %dma_start3A_587 = arith.constant 0 : i32
    %dma_start3A_588 = tpu.memref_slice %arg12[%dma_start3A_577, %dma_start3A_586, %dma_start3A_587] : memref<6x128x128xf32, #tpu.memory_space<vmem>> -> memref<1x128x128xf32, #tpu.memory_space<vmem>>
    %dma_start3A_589 = tpu.memref_squeeze %dma_start3A_588 : memref<1x128x128xf32, #tpu.memory_space<vmem>> -> memref<128x128xf32, #tpu.memory_space<vmem>>
    tpu.enqueue_dma source(%dma_start3A_589 : memref<128x128xf32, #tpu.memory_space<vmem>>) target(%dma_start3A_585 : memref<128x128xf32, #tpu.memory_space<hbm>>) target_semaphore(%arg24 : memref<!tpu.dma_semaphore, #tpu.memory_space<semaphore_mem>>)
    %dma_wait3A_590 = arith.constant 6 : i32
    %dma_wait3A_591 = arith.constant 0 : i32
    %dma_wait3A_592 = arith.constant 0 : i32
    %dma_wait3A_593 = arith.constant 0 : i32
    %dma_wait3A_594 = tpu.memref_slice %arg12[%dma_wait3A_591, %dma_wait3A_592, %dma_wait3A_593] : memref<6x128x128xf32, #tpu.memory_space<vmem>> -> memref<1x128x128xf32, #tpu.memory_space<vmem>>
    %dma_wait3A_595 = tpu.memref_squeeze %dma_wait3A_594 : memref<1x128x128xf32, #tpu.memory_space<vmem>> -> memref<128x128xf32, #tpu.memory_space<vmem>>
    %dma_wait3A_596 = arith.constant 0 : i32
    %dma_wait3A_597 = tpu.memref_slice %arg11[%dma_wait3A_590, %dma_wait3A_596] : memref<9x128xi32, #tpu.memory_space<vmem>> -> memref<1x128xi32, #tpu.memory_space<vmem>>
    %dma_wait3A_598 = tpu.memref_squeeze %dma_wait3A_597 : memref<1x128xi32, #tpu.memory_space<vmem>> -> memref<128xi32, #tpu.memory_space<vmem>>
    %dma_wait3A_599 = arith.constant 0 : i32
    %dma_wait3A_600 = arith.constant 0 : i32
    %dma_wait3A_601 = tpu.memref_slice %arg7[%dma_wait3A_599, %dma_wait3A_600] : memref<100000x128xf32, #tpu.memory_space<hbm>> -> memref<100000x128xf32, #tpu.memory_space<hbm>>
    tpu.wait_indirect_dma semaphore(%arg13 : memref<!tpu.dma_semaphore, #tpu.memory_space<semaphore_mem>>) src(%dma_wait3A_601 : memref<100000x128xf32, #tpu.memory_space<hbm>>) dst(%dma_wait3A_595 : memref<128x128xf32, #tpu.memory_space<vmem>>)
    %mul3A_602 = arith.constant 128 : i32
    %mul3A_603 = arith.muli %add3A, %mul3A_602 : i32
    %add3A_604 = arith.constant 0 : i32
    %add3A_605 = arith.addi %add3A_604, %mul3A_603 : i32
    %dma_start3A_606 = arith.constant 0 : i32
    %dma_start3A_607 = arith.constant 0 : i32
    %dma_start3A_608 = arith.constant 0 : i32
    %dma_start3A_609 = tpu.memref_slice %arg12[%dma_start3A_606, %dma_start3A_607, %dma_start3A_608] : memref<6x128x128xf32, #tpu.memory_space<vmem>> -> memref<1x128x128xf32, #tpu.memory_space<vmem>>
    %dma_start3A_610 = tpu.memref_squeeze %dma_start3A_609 : memref<1x128x128xf32, #tpu.memory_space<vmem>> -> memref<128x128xf32, #tpu.memory_space<vmem>>
    %dma_start3A_611 = arith.constant 0 : i32
    %dma_start3A_612 = tpu.memref_slice %arg10[%add3A_605, %dma_start3A_611] : memref<12288x128xf32, #tpu.memory_space<hbm>> -> memref<128x128xf32, #tpu.memory_space<hbm>>
    %dma_start3A_613 = arith.constant 0 : i32
    %dma_start3A_614 = tpu.memref_slice %arg10[%add3A_605, %dma_start3A_613] : memref<12288x128xf32, #tpu.memory_space<hbm>> -> memref<128x128xf32, #tpu.memory_space<hbm>>
    %dma_start3A_615 = arith.constant 0 : i32
    %dma_start3A_616 = arith.constant 0 : i32
    %dma_start3A_617 = tpu.memref_slice %arg12[%dma_start3A_606, %dma_start3A_615, %dma_start3A_616] : memref<6x128x128xf32, #tpu.memory_space<vmem>> -> memref<1x128x128xf32, #tpu.memory_space<vmem>>
    %dma_start3A_618 = tpu.memref_squeeze %dma_start3A_617 : memref<1x128x128xf32, #tpu.memory_space<vmem>> -> memref<128x128xf32, #tpu.memory_space<vmem>>
    tpu.enqueue_dma source(%dma_start3A_618 : memref<128x128xf32, #tpu.memory_space<vmem>>) target(%dma_start3A_614 : memref<128x128xf32, #tpu.memory_space<hbm>>) target_semaphore(%arg19 : memref<!tpu.dma_semaphore, #tpu.memory_space<semaphore_mem>>)
    %dma_wait3A_619 = arith.constant 7 : i32
    %dma_wait3A_620 = arith.constant 1 : i32
    %dma_wait3A_621 = arith.constant 0 : i32
    %dma_wait3A_622 = arith.constant 0 : i32
    %dma_wait3A_623 = tpu.memref_slice %arg12[%dma_wait3A_620, %dma_wait3A_621, %dma_wait3A_622] : memref<6x128x128xf32, #tpu.memory_space<vmem>> -> memref<1x128x128xf32, #tpu.memory_space<vmem>>
    %dma_wait3A_624 = tpu.memref_squeeze %dma_wait3A_623 : memref<1x128x128xf32, #tpu.memory_space<vmem>> -> memref<128x128xf32, #tpu.memory_space<vmem>>
    %dma_wait3A_625 = arith.constant 0 : i32
    %dma_wait3A_626 = tpu.memref_slice %arg11[%dma_wait3A_619, %dma_wait3A_625] : memref<9x128xi32, #tpu.memory_space<vmem>> -> memref<1x128xi32, #tpu.memory_space<vmem>>
    %dma_wait3A_627 = tpu.memref_squeeze %dma_wait3A_626 : memref<1x128xi32, #tpu.memory_space<vmem>> -> memref<128xi32, #tpu.memory_space<vmem>>
    %dma_wait3A_628 = arith.constant 0 : i32
    %dma_wait3A_629 = arith.constant 0 : i32
    %dma_wait3A_630 = tpu.memref_slice %arg7[%dma_wait3A_628, %dma_wait3A_629] : memref<100000x128xf32, #tpu.memory_space<hbm>> -> memref<100000x128xf32, #tpu.memory_space<hbm>>
    tpu.wait_indirect_dma semaphore(%arg14 : memref<!tpu.dma_semaphore, #tpu.memory_space<semaphore_mem>>) src(%dma_wait3A_630 : memref<100000x128xf32, #tpu.memory_space<hbm>>) dst(%dma_wait3A_624 : memref<128x128xf32, #tpu.memory_space<vmem>>)
    %mul3A_631 = arith.constant 128 : i32
    %mul3A_632 = arith.muli %add3A, %mul3A_631 : i32
    %add3A_633 = arith.constant 4096 : i32
    %add3A_634 = arith.addi %add3A_633, %mul3A_632 : i32
    %dma_start3A_635 = arith.constant 1 : i32
    %dma_start3A_636 = arith.constant 0 : i32
    %dma_start3A_637 = arith.constant 0 : i32
    %dma_start3A_638 = tpu.memref_slice %arg12[%dma_start3A_635, %dma_start3A_636, %dma_start3A_637] : memref<6x128x128xf32, #tpu.memory_space<vmem>> -> memref<1x128x128xf32, #tpu.memory_space<vmem>>
    %dma_start3A_639 = tpu.memref_squeeze %dma_start3A_638 : memref<1x128x128xf32, #tpu.memory_space<vmem>> -> memref<128x128xf32, #tpu.memory_space<vmem>>
    %dma_start3A_640 = arith.constant 0 : i32
    %dma_start3A_641 = tpu.memref_slice %arg10[%add3A_634, %dma_start3A_640] : memref<12288x128xf32, #tpu.memory_space<hbm>> -> memref<128x128xf32, #tpu.memory_space<hbm>>
    %dma_start3A_642 = arith.constant 0 : i32
    %dma_start3A_643 = tpu.memref_slice %arg10[%add3A_634, %dma_start3A_642] : memref<12288x128xf32, #tpu.memory_space<hbm>> -> memref<128x128xf32, #tpu.memory_space<hbm>>
    %dma_start3A_644 = arith.constant 0 : i32
    %dma_start3A_645 = arith.constant 0 : i32
    %dma_start3A_646 = tpu.memref_slice %arg12[%dma_start3A_635, %dma_start3A_644, %dma_start3A_645] : memref<6x128x128xf32, #tpu.memory_space<vmem>> -> memref<1x128x128xf32, #tpu.memory_space<vmem>>
    %dma_start3A_647 = tpu.memref_squeeze %dma_start3A_646 : memref<1x128x128xf32, #tpu.memory_space<vmem>> -> memref<128x128xf32, #tpu.memory_space<vmem>>
    tpu.enqueue_dma source(%dma_start3A_647 : memref<128x128xf32, #tpu.memory_space<vmem>>) target(%dma_start3A_643 : memref<128x128xf32, #tpu.memory_space<hbm>>) target_semaphore(%arg20 : memref<!tpu.dma_semaphore, #tpu.memory_space<semaphore_mem>>)
    %dma_wait3A_648 = arith.constant 8 : i32
    %dma_wait3A_649 = arith.constant 2 : i32
    %dma_wait3A_650 = arith.constant 0 : i32
    %dma_wait3A_651 = arith.constant 0 : i32
    %dma_wait3A_652 = tpu.memref_slice %arg12[%dma_wait3A_649, %dma_wait3A_650, %dma_wait3A_651] : memref<6x128x128xf32, #tpu.memory_space<vmem>> -> memref<1x128x128xf32, #tpu.memory_space<vmem>>
    %dma_wait3A_653 = tpu.memref_squeeze %dma_wait3A_652 : memref<1x128x128xf32, #tpu.memory_space<vmem>> -> memref<128x128xf32, #tpu.memory_space<vmem>>
    %dma_wait3A_654 = arith.constant 0 : i32
    %dma_wait3A_655 = tpu.memref_slice %arg11[%dma_wait3A_648, %dma_wait3A_654] : memref<9x128xi32, #tpu.memory_space<vmem>> -> memref<1x128xi32, #tpu.memory_space<vmem>>
    %dma_wait3A_656 = tpu.memref_squeeze %dma_wait3A_655 : memref<1x128xi32, #tpu.memory_space<vmem>> -> memref<128xi32, #tpu.memory_space<vmem>>
    %dma_wait3A_657 = arith.constant 0 : i32
    %dma_wait3A_658 = arith.constant 0 : i32
    %dma_wait3A_659 = tpu.memref_slice %arg7[%dma_wait3A_657, %dma_wait3A_658] : memref<100000x128xf32, #tpu.memory_space<hbm>> -> memref<100000x128xf32, #tpu.memory_space<hbm>>
    tpu.wait_indirect_dma semaphore(%arg15 : memref<!tpu.dma_semaphore, #tpu.memory_space<semaphore_mem>>) src(%dma_wait3A_659 : memref<100000x128xf32, #tpu.memory_space<hbm>>) dst(%dma_wait3A_653 : memref<128x128xf32, #tpu.memory_space<vmem>>)
    %mul3A_660 = arith.constant 128 : i32
    %mul3A_661 = arith.muli %add3A, %mul3A_660 : i32
    %add3A_662 = arith.constant 8192 : i32
    %add3A_663 = arith.addi %add3A_662, %mul3A_661 : i32
    %dma_start3A_664 = arith.constant 2 : i32
    %dma_start3A_665 = arith.constant 0 : i32
    %dma_start3A_666 = arith.constant 0 : i32
    %dma_start3A_667 = tpu.memref_slice %arg12[%dma_start3A_664, %dma_start3A_665, %dma_start3A_666] : memref<6x128x128xf32, #tpu.memory_space<vmem>> -> memref<1x128x128xf32, #tpu.memory_space<vmem>>
    %dma_start3A_668 = tpu.memref_squeeze %dma_start3A_667 : memref<1x128x128xf32, #tpu.memory_space<vmem>> -> memref<128x128xf32, #tpu.memory_space<vmem>>
    %dma_start3A_669 = arith.constant 0 : i32
    %dma_start3A_670 = tpu.memref_slice %arg10[%add3A_663, %dma_start3A_669] : memref<12288x128xf32, #tpu.memory_space<hbm>> -> memref<128x128xf32, #tpu.memory_space<hbm>>
    %dma_start3A_671 = arith.constant 0 : i32
    %dma_start3A_672 = tpu.memref_slice %arg10[%add3A_663, %dma_start3A_671] : memref<12288x128xf32, #tpu.memory_space<hbm>> -> memref<128x128xf32, #tpu.memory_space<hbm>>
    %dma_start3A_673 = arith.constant 0 : i32
    %dma_start3A_674 = arith.constant 0 : i32
    %dma_start3A_675 = tpu.memref_slice %arg12[%dma_start3A_664, %dma_start3A_673, %dma_start3A_674] : memref<6x128x128xf32, #tpu.memory_space<vmem>> -> memref<1x128x128xf32, #tpu.memory_space<vmem>>
    %dma_start3A_676 = tpu.memref_squeeze %dma_start3A_675 : memref<1x128x128xf32, #tpu.memory_space<vmem>> -> memref<128x128xf32, #tpu.memory_space<vmem>>
    tpu.enqueue_dma source(%dma_start3A_676 : memref<128x128xf32, #tpu.memory_space<vmem>>) target(%dma_start3A_672 : memref<128x128xf32, #tpu.memory_space<hbm>>) target_semaphore(%arg21 : memref<!tpu.dma_semaphore, #tpu.memory_space<semaphore_mem>>)
    %dma_wait3A_677 = arith.constant 3 : i32
    %dma_wait3A_678 = arith.constant 0 : i32
    %dma_wait3A_679 = arith.constant 0 : i32
    %dma_wait3A_680 = tpu.memref_slice %arg12[%dma_wait3A_677, %dma_wait3A_678, %dma_wait3A_679] : memref<6x128x128xf32, #tpu.memory_space<vmem>> -> memref<1x128x128xf32, #tpu.memory_space<vmem>>
    %dma_wait3A_681 = tpu.memref_squeeze %dma_wait3A_680 : memref<1x128x128xf32, #tpu.memory_space<vmem>> -> memref<128x128xf32, #tpu.memory_space<vmem>>
    %dma_wait3A_682 = arith.constant 0 : i32
    %dma_wait3A_683 = tpu.memref_slice %arg9[%add3A_493, %dma_wait3A_682] : memref<12288x128xf32, #tpu.memory_space<hbm>> -> memref<128x128xf32, #tpu.memory_space<hbm>>
    %dma_wait3A_684 = arith.constant 0 : i32
    %dma_wait3A_685 = tpu.memref_slice %arg9[%add3A_493, %dma_wait3A_684] : memref<12288x128xf32, #tpu.memory_space<hbm>> -> memref<128x128xf32, #tpu.memory_space<hbm>>
    %dma_wait3A_686 = arith.constant 0 : i32
    %dma_wait3A_687 = arith.constant 0 : i32
    %dma_wait3A_688 = tpu.memref_slice %arg12[%dma_wait3A_677, %dma_wait3A_686, %dma_wait3A_687] : memref<6x128x128xf32, #tpu.memory_space<vmem>> -> memref<1x128x128xf32, #tpu.memory_space<vmem>>
    %dma_wait3A_689 = tpu.memref_squeeze %dma_wait3A_688 : memref<1x128x128xf32, #tpu.memory_space<vmem>> -> memref<128x128xf32, #tpu.memory_space<vmem>>
    tpu.wait_dma2 semaphore(%arg22 : memref<!tpu.dma_semaphore, #tpu.memory_space<semaphore_mem>>) src(%dma_wait3A_689 : memref<128x128xf32, #tpu.memory_space<vmem>>) dst(%dma_wait3A_685 : memref<128x128xf32, #tpu.memory_space<hbm>>)
    %dma_wait3A_690 = arith.constant 4 : i32
    %dma_wait3A_691 = arith.constant 0 : i32
    %dma_wait3A_692 = arith.constant 0 : i32
    %dma_wait3A_693 = tpu.memref_slice %arg12[%dma_wait3A_690, %dma_wait3A_691, %dma_wait3A_692] : memref<6x128x128xf32, #tpu.memory_space<vmem>> -> memref<1x128x128xf32, #tpu.memory_space<vmem>>
    %dma_wait3A_694 = tpu.memref_squeeze %dma_wait3A_693 : memref<1x128x128xf32, #tpu.memory_space<vmem>> -> memref<128x128xf32, #tpu.memory_space<vmem>>
    %dma_wait3A_695 = arith.constant 0 : i32
    %dma_wait3A_696 = tpu.memref_slice %arg9[%add3A_547, %dma_wait3A_695] : memref<12288x128xf32, #tpu.memory_space<hbm>> -> memref<128x128xf32, #tpu.memory_space<hbm>>
    %dma_wait3A_697 = arith.constant 0 : i32
    %dma_wait3A_698 = tpu.memref_slice %arg9[%add3A_547, %dma_wait3A_697] : memref<12288x128xf32, #tpu.memory_space<hbm>> -> memref<128x128xf32, #tpu.memory_space<hbm>>
    %dma_wait3A_699 = arith.constant 0 : i32
    %dma_wait3A_700 = arith.constant 0 : i32
    %dma_wait3A_701 = tpu.memref_slice %arg12[%dma_wait3A_690, %dma_wait3A_699, %dma_wait3A_700] : memref<6x128x128xf32, #tpu.memory_space<vmem>> -> memref<1x128x128xf32, #tpu.memory_space<vmem>>
    %dma_wait3A_702 = tpu.memref_squeeze %dma_wait3A_701 : memref<1x128x128xf32, #tpu.memory_space<vmem>> -> memref<128x128xf32, #tpu.memory_space<vmem>>
    tpu.wait_dma2 semaphore(%arg23 : memref<!tpu.dma_semaphore, #tpu.memory_space<semaphore_mem>>) src(%dma_wait3A_702 : memref<128x128xf32, #tpu.memory_space<vmem>>) dst(%dma_wait3A_698 : memref<128x128xf32, #tpu.memory_space<hbm>>)
    %dma_wait3A_703 = arith.constant 5 : i32
    %dma_wait3A_704 = arith.constant 0 : i32
    %dma_wait3A_705 = arith.constant 0 : i32
    %dma_wait3A_706 = tpu.memref_slice %arg12[%dma_wait3A_703, %dma_wait3A_704, %dma_wait3A_705] : memref<6x128x128xf32, #tpu.memory_space<vmem>> -> memref<1x128x128xf32, #tpu.memory_space<vmem>>
    %dma_wait3A_707 = tpu.memref_squeeze %dma_wait3A_706 : memref<1x128x128xf32, #tpu.memory_space<vmem>> -> memref<128x128xf32, #tpu.memory_space<vmem>>
    %dma_wait3A_708 = arith.constant 0 : i32
    %dma_wait3A_709 = tpu.memref_slice %arg9[%add3A_576, %dma_wait3A_708] : memref<12288x128xf32, #tpu.memory_space<hbm>> -> memref<128x128xf32, #tpu.memory_space<hbm>>
    %dma_wait3A_710 = arith.constant 0 : i32
    %dma_wait3A_711 = tpu.memref_slice %arg9[%add3A_576, %dma_wait3A_710] : memref<12288x128xf32, #tpu.memory_space<hbm>> -> memref<128x128xf32, #tpu.memory_space<hbm>>
    %dma_wait3A_712 = arith.constant 0 : i32
    %dma_wait3A_713 = arith.constant 0 : i32
    %dma_wait3A_714 = tpu.memref_slice %arg12[%dma_wait3A_703, %dma_wait3A_712, %dma_wait3A_713] : memref<6x128x128xf32, #tpu.memory_space<vmem>> -> memref<1x128x128xf32, #tpu.memory_space<vmem>>
    %dma_wait3A_715 = tpu.memref_squeeze %dma_wait3A_714 : memref<1x128x128xf32, #tpu.memory_space<vmem>> -> memref<128x128xf32, #tpu.memory_space<vmem>>
    tpu.wait_dma2 semaphore(%arg24 : memref<!tpu.dma_semaphore, #tpu.memory_space<semaphore_mem>>) src(%dma_wait3A_715 : memref<128x128xf32, #tpu.memory_space<vmem>>) dst(%dma_wait3A_711 : memref<128x128xf32, #tpu.memory_space<hbm>>)
    %dma_wait3A_716 = arith.constant 0 : i32
    %dma_wait3A_717 = arith.constant 0 : i32
    %dma_wait3A_718 = arith.constant 0 : i32
    %dma_wait3A_719 = tpu.memref_slice %arg12[%dma_wait3A_716, %dma_wait3A_717, %dma_wait3A_718] : memref<6x128x128xf32, #tpu.memory_space<vmem>> -> memref<1x128x128xf32, #tpu.memory_space<vmem>>
    %dma_wait3A_720 = tpu.memref_squeeze %dma_wait3A_719 : memref<1x128x128xf32, #tpu.memory_space<vmem>> -> memref<128x128xf32, #tpu.memory_space<vmem>>
    %dma_wait3A_721 = arith.constant 0 : i32
    %dma_wait3A_722 = tpu.memref_slice %arg10[%add3A_605, %dma_wait3A_721] : memref<12288x128xf32, #tpu.memory_space<hbm>> -> memref<128x128xf32, #tpu.memory_space<hbm>>
    %dma_wait3A_723 = arith.constant 0 : i32
    %dma_wait3A_724 = tpu.memref_slice %arg10[%add3A_605, %dma_wait3A_723] : memref<12288x128xf32, #tpu.memory_space<hbm>> -> memref<128x128xf32, #tpu.memory_space<hbm>>
    %dma_wait3A_725 = arith.constant 0 : i32
    %dma_wait3A_726 = arith.constant 0 : i32
    %dma_wait3A_727 = tpu.memref_slice %arg12[%dma_wait3A_716, %dma_wait3A_725, %dma_wait3A_726] : memref<6x128x128xf32, #tpu.memory_space<vmem>> -> memref<1x128x128xf32, #tpu.memory_space<vmem>>
    %dma_wait3A_728 = tpu.memref_squeeze %dma_wait3A_727 : memref<1x128x128xf32, #tpu.memory_space<vmem>> -> memref<128x128xf32, #tpu.memory_space<vmem>>
    tpu.wait_dma2 semaphore(%arg19 : memref<!tpu.dma_semaphore, #tpu.memory_space<semaphore_mem>>) src(%dma_wait3A_728 : memref<128x128xf32, #tpu.memory_space<vmem>>) dst(%dma_wait3A_724 : memref<128x128xf32, #tpu.memory_space<hbm>>)
    %dma_wait3A_729 = arith.constant 1 : i32
    %dma_wait3A_730 = arith.constant 0 : i32
    %dma_wait3A_731 = arith.constant 0 : i32
    %dma_wait3A_732 = tpu.memref_slice %arg12[%dma_wait3A_729, %dma_wait3A_730, %dma_wait3A_731] : memref<6x128x128xf32, #tpu.memory_space<vmem>> -> memref<1x128x128xf32, #tpu.memory_space<vmem>>
    %dma_wait3A_733 = tpu.memref_squeeze %dma_wait3A_732 : memref<1x128x128xf32, #tpu.memory_space<vmem>> -> memref<128x128xf32, #tpu.memory_space<vmem>>
    %dma_wait3A_734 = arith.constant 0 : i32
    %dma_wait3A_735 = tpu.memref_slice %arg10[%add3A_634, %dma_wait3A_734] : memref<12288x128xf32, #tpu.memory_space<hbm>> -> memref<128x128xf32, #tpu.memory_space<hbm>>
    %dma_wait3A_736 = arith.constant 0 : i32
    %dma_wait3A_737 = tpu.memref_slice %arg10[%add3A_634, %dma_wait3A_736] : memref<12288x128xf32, #tpu.memory_space<hbm>> -> memref<128x128xf32, #tpu.memory_space<hbm>>
    %dma_wait3A_738 = arith.constant 0 : i32
    %dma_wait3A_739 = arith.constant 0 : i32
    %dma_wait3A_740 = tpu.memref_slice %arg12[%dma_wait3A_729, %dma_wait3A_738, %dma_wait3A_739] : memref<6x128x128xf32, #tpu.memory_space<vmem>> -> memref<1x128x128xf32, #tpu.memory_space<vmem>>
    %dma_wait3A_741 = tpu.memref_squeeze %dma_wait3A_740 : memref<1x128x128xf32, #tpu.memory_space<vmem>> -> memref<128x128xf32, #tpu.memory_space<vmem>>
    tpu.wait_dma2 semaphore(%arg20 : memref<!tpu.dma_semaphore, #tpu.memory_space<semaphore_mem>>) src(%dma_wait3A_741 : memref<128x128xf32, #tpu.memory_space<vmem>>) dst(%dma_wait3A_737 : memref<128x128xf32, #tpu.memory_space<hbm>>)
    %dma_wait3A_742 = arith.constant 2 : i32
    %dma_wait3A_743 = arith.constant 0 : i32
    %dma_wait3A_744 = arith.constant 0 : i32
    %dma_wait3A_745 = tpu.memref_slice %arg12[%dma_wait3A_742, %dma_wait3A_743, %dma_wait3A_744] : memref<6x128x128xf32, #tpu.memory_space<vmem>> -> memref<1x128x128xf32, #tpu.memory_space<vmem>>
    %dma_wait3A_746 = tpu.memref_squeeze %dma_wait3A_745 : memref<1x128x128xf32, #tpu.memory_space<vmem>> -> memref<128x128xf32, #tpu.memory_space<vmem>>
    %dma_wait3A_747 = arith.constant 0 : i32
    %dma_wait3A_748 = tpu.memref_slice %arg10[%add3A_663, %dma_wait3A_747] : memref<12288x128xf32, #tpu.memory_space<hbm>> -> memref<128x128xf32, #tpu.memory_space<hbm>>
    %dma_wait3A_749 = arith.constant 0 : i32
    %dma_wait3A_750 = tpu.memref_slice %arg10[%add3A_663, %dma_wait3A_749] : memref<12288x128xf32, #tpu.memory_space<hbm>> -> memref<128x128xf32, #tpu.memory_space<hbm>>
    %dma_wait3A_751 = arith.constant 0 : i32
    %dma_wait3A_752 = arith.constant 0 : i32
    %dma_wait3A_753 = tpu.memref_slice %arg12[%dma_wait3A_742, %dma_wait3A_751, %dma_wait3A_752] : memref<6x128x128xf32, #tpu.memory_space<vmem>> -> memref<1x128x128xf32, #tpu.memory_space<vmem>>
    %dma_wait3A_754 = tpu.memref_squeeze %dma_wait3A_753 : memref<1x128x128xf32, #tpu.memory_space<vmem>> -> memref<128x128xf32, #tpu.memory_space<vmem>>
    tpu.wait_dma2 semaphore(%arg21 : memref<!tpu.dma_semaphore, #tpu.memory_space<semaphore_mem>>) src(%dma_wait3A_754 : memref<128x128xf32, #tpu.memory_space<vmem>>) dst(%dma_wait3A_750 : memref<128x128xf32, #tpu.memory_space<hbm>>)
    return
  }
}

#map = affine_map<(d0, d1) -> (0, 0, 0, 0)>
#map1 = affine_map<(d0, d1) -> (0, 0)>
module attributes {stable_mosaic.version = 14 : i64} {
  func.func @body(%arg0: i32, %arg1: i32, %arg2: memref<4x32x1x128xi32, #tpu.memory_space<hbm>>, %arg3: memref<4x32x1x128xi32, #tpu.memory_space<hbm>>, %arg4: memref<4x32x1x128xi32, #tpu.memory_space<hbm>>, %arg5: memref<100000x128xf32, #tpu.memory_space<hbm>>, %arg6: memref<100000x128xf32, #tpu.memory_space<hbm>>, %arg7: memref<100000x128xf32, #tpu.memory_space<hbm>>, %arg8: memref<4096x128xf32, #tpu.memory_space<hbm>>, %arg9: memref<4096x128xf32, #tpu.memory_space<hbm>>, %arg10: memref<4096x128xf32, #tpu.memory_space<hbm>>, %arg11: memref<3x128xi32, #tpu.memory_space<vmem>>, %arg12: memref<3x128x128xf32, #tpu.memory_space<vmem>>, %arg13: memref<!tpu.dma_semaphore, #tpu.memory_space<semaphore_mem>>, %arg14: memref<!tpu.dma_semaphore, #tpu.memory_space<semaphore_mem>>, %arg15: memref<!tpu.dma_semaphore, #tpu.memory_space<semaphore_mem>>, %arg16: memref<!tpu.dma_semaphore, #tpu.memory_space<semaphore_mem>>, %arg17: memref<!tpu.dma_semaphore, #tpu.memory_space<semaphore_mem>>, %arg18: memref<!tpu.dma_semaphore, #tpu.memory_space<semaphore_mem>>) attributes {dimension_semantics = [#tpu.dimension_semantics<core_parallel>, #tpu.dimension_semantics<subcore_parallel>], iteration_bounds = array<i64: 2, 16>, scalar_prefetch = 0 : i64, scratch_operands = 8 : i64, tpu.core_type = #tpu.core_type<sc_vector_subcore>, window_params = [{transform_indices = #map}, {transform_indices = #map}, {transform_indices = #map}, {transform_indices = #map1}, {transform_indices = #map1}, {transform_indices = #map1}, {transform_indices = #map1}, {transform_indices = #map1}, {transform_indices = #map1}]} {
    %mul3A = arith.constant 2 : i32
    %mul3A_0 = arith.muli %arg1, %mul3A : i32
    %add3A = arith.addi %mul3A_0, %arg0 : i32
    %dma_start3A = arith.constant 3 : i32
    %dma_start3A_1 = arith.constant 0 : i32
    %dma_start3A_2 = arith.constant 0 : i32
    %dma_start3A_3 = tpu.memref_slice %arg11[%dma_start3A_1, %dma_start3A_2] : memref<3x128xi32, #tpu.memory_space<vmem>> -> memref<1x128xi32, #tpu.memory_space<vmem>>
    %dma_start3A_4 = arith.constant 0 : i32
    %dma_start3A_5 = arith.constant 0 : i32
    %dma_start3A_6 = tpu.memref_slice %arg2[%dma_start3A, %add3A, %dma_start3A_4, %dma_start3A_5] : memref<4x32x1x128xi32, #tpu.memory_space<hbm>> -> memref<1x1x1x128xi32, #tpu.memory_space<hbm>>
    %dma_start3A_7 = tpu.memref_squeeze %dma_start3A_6 : memref<1x1x1x128xi32, #tpu.memory_space<hbm>> -> memref<1x128xi32, #tpu.memory_space<hbm>>
    %dma_start3A_8 = arith.constant 0 : i32
    %dma_start3A_9 = arith.constant 0 : i32
    %dma_start3A_10 = tpu.memref_slice %arg11[%dma_start3A_8, %dma_start3A_9] : memref<3x128xi32, #tpu.memory_space<vmem>> -> memref<1x128xi32, #tpu.memory_space<vmem>>
    %dma_start3A_11 = arith.constant 0 : i32
    %dma_start3A_12 = arith.constant 0 : i32
    %dma_start3A_13 = tpu.memref_slice %arg2[%dma_start3A, %add3A, %dma_start3A_11, %dma_start3A_12] : memref<4x32x1x128xi32, #tpu.memory_space<hbm>> -> memref<1x1x1x128xi32, #tpu.memory_space<hbm>>
    %dma_start3A_14 = tpu.memref_squeeze %dma_start3A_13 : memref<1x1x1x128xi32, #tpu.memory_space<hbm>> -> memref<1x128xi32, #tpu.memory_space<hbm>>
    tpu.enqueue_dma source(%dma_start3A_14 : memref<1x128xi32, #tpu.memory_space<hbm>>) target(%dma_start3A_10 : memref<1x128xi32, #tpu.memory_space<vmem>>) target_semaphore(%arg16 : memref<!tpu.dma_semaphore, #tpu.memory_space<semaphore_mem>>)
    %dma_start3A_15 = arith.constant 3 : i32
    %dma_start3A_16 = arith.constant 1 : i32
    %dma_start3A_17 = arith.constant 0 : i32
    %dma_start3A_18 = tpu.memref_slice %arg11[%dma_start3A_16, %dma_start3A_17] : memref<3x128xi32, #tpu.memory_space<vmem>> -> memref<1x128xi32, #tpu.memory_space<vmem>>
    %dma_start3A_19 = arith.constant 0 : i32
    %dma_start3A_20 = arith.constant 0 : i32
    %dma_start3A_21 = tpu.memref_slice %arg3[%dma_start3A_15, %add3A, %dma_start3A_19, %dma_start3A_20] : memref<4x32x1x128xi32, #tpu.memory_space<hbm>> -> memref<1x1x1x128xi32, #tpu.memory_space<hbm>>
    %dma_start3A_22 = tpu.memref_squeeze %dma_start3A_21 : memref<1x1x1x128xi32, #tpu.memory_space<hbm>> -> memref<1x128xi32, #tpu.memory_space<hbm>>
    %dma_start3A_23 = arith.constant 1 : i32
    %dma_start3A_24 = arith.constant 0 : i32
    %dma_start3A_25 = tpu.memref_slice %arg11[%dma_start3A_23, %dma_start3A_24] : memref<3x128xi32, #tpu.memory_space<vmem>> -> memref<1x128xi32, #tpu.memory_space<vmem>>
    %dma_start3A_26 = arith.constant 0 : i32
    %dma_start3A_27 = arith.constant 0 : i32
    %dma_start3A_28 = tpu.memref_slice %arg3[%dma_start3A_15, %add3A, %dma_start3A_26, %dma_start3A_27] : memref<4x32x1x128xi32, #tpu.memory_space<hbm>> -> memref<1x1x1x128xi32, #tpu.memory_space<hbm>>
    %dma_start3A_29 = tpu.memref_squeeze %dma_start3A_28 : memref<1x1x1x128xi32, #tpu.memory_space<hbm>> -> memref<1x128xi32, #tpu.memory_space<hbm>>
    tpu.enqueue_dma source(%dma_start3A_29 : memref<1x128xi32, #tpu.memory_space<hbm>>) target(%dma_start3A_25 : memref<1x128xi32, #tpu.memory_space<vmem>>) target_semaphore(%arg17 : memref<!tpu.dma_semaphore, #tpu.memory_space<semaphore_mem>>)
    %dma_start3A_30 = arith.constant 3 : i32
    %dma_start3A_31 = arith.constant 2 : i32
    %dma_start3A_32 = arith.constant 0 : i32
    %dma_start3A_33 = tpu.memref_slice %arg11[%dma_start3A_31, %dma_start3A_32] : memref<3x128xi32, #tpu.memory_space<vmem>> -> memref<1x128xi32, #tpu.memory_space<vmem>>
    %dma_start3A_34 = arith.constant 0 : i32
    %dma_start3A_35 = arith.constant 0 : i32
    %dma_start3A_36 = tpu.memref_slice %arg4[%dma_start3A_30, %add3A, %dma_start3A_34, %dma_start3A_35] : memref<4x32x1x128xi32, #tpu.memory_space<hbm>> -> memref<1x1x1x128xi32, #tpu.memory_space<hbm>>
    %dma_start3A_37 = tpu.memref_squeeze %dma_start3A_36 : memref<1x1x1x128xi32, #tpu.memory_space<hbm>> -> memref<1x128xi32, #tpu.memory_space<hbm>>
    %dma_start3A_38 = arith.constant 2 : i32
    %dma_start3A_39 = arith.constant 0 : i32
    %dma_start3A_40 = tpu.memref_slice %arg11[%dma_start3A_38, %dma_start3A_39] : memref<3x128xi32, #tpu.memory_space<vmem>> -> memref<1x128xi32, #tpu.memory_space<vmem>>
    %dma_start3A_41 = arith.constant 0 : i32
    %dma_start3A_42 = arith.constant 0 : i32
    %dma_start3A_43 = tpu.memref_slice %arg4[%dma_start3A_30, %add3A, %dma_start3A_41, %dma_start3A_42] : memref<4x32x1x128xi32, #tpu.memory_space<hbm>> -> memref<1x1x1x128xi32, #tpu.memory_space<hbm>>
    %dma_start3A_44 = tpu.memref_squeeze %dma_start3A_43 : memref<1x1x1x128xi32, #tpu.memory_space<hbm>> -> memref<1x128xi32, #tpu.memory_space<hbm>>
    tpu.enqueue_dma source(%dma_start3A_44 : memref<1x128xi32, #tpu.memory_space<hbm>>) target(%dma_start3A_40 : memref<1x128xi32, #tpu.memory_space<vmem>>) target_semaphore(%arg18 : memref<!tpu.dma_semaphore, #tpu.memory_space<semaphore_mem>>)
    %dma_wait3A = arith.constant 3 : i32
    %dma_wait3A_45 = arith.constant 0 : i32
    %dma_wait3A_46 = arith.constant 0 : i32
    %dma_wait3A_47 = tpu.memref_slice %arg11[%dma_wait3A_45, %dma_wait3A_46] : memref<3x128xi32, #tpu.memory_space<vmem>> -> memref<1x128xi32, #tpu.memory_space<vmem>>
    %dma_wait3A_48 = arith.constant 0 : i32
    %dma_wait3A_49 = arith.constant 0 : i32
    %dma_wait3A_50 = tpu.memref_slice %arg2[%dma_wait3A, %add3A, %dma_wait3A_48, %dma_wait3A_49] : memref<4x32x1x128xi32, #tpu.memory_space<hbm>> -> memref<1x1x1x128xi32, #tpu.memory_space<hbm>>
    %dma_wait3A_51 = tpu.memref_squeeze %dma_wait3A_50 : memref<1x1x1x128xi32, #tpu.memory_space<hbm>> -> memref<1x128xi32, #tpu.memory_space<hbm>>
    %dma_wait3A_52 = arith.constant 0 : i32
    %dma_wait3A_53 = arith.constant 0 : i32
    %dma_wait3A_54 = tpu.memref_slice %arg11[%dma_wait3A_52, %dma_wait3A_53] : memref<3x128xi32, #tpu.memory_space<vmem>> -> memref<1x128xi32, #tpu.memory_space<vmem>>
    %dma_wait3A_55 = arith.constant 0 : i32
    %dma_wait3A_56 = arith.constant 0 : i32
    %dma_wait3A_57 = tpu.memref_slice %arg2[%dma_wait3A, %add3A, %dma_wait3A_55, %dma_wait3A_56] : memref<4x32x1x128xi32, #tpu.memory_space<hbm>> -> memref<1x1x1x128xi32, #tpu.memory_space<hbm>>
    %dma_wait3A_58 = tpu.memref_squeeze %dma_wait3A_57 : memref<1x1x1x128xi32, #tpu.memory_space<hbm>> -> memref<1x128xi32, #tpu.memory_space<hbm>>
    tpu.wait_dma2 semaphore(%arg16 : memref<!tpu.dma_semaphore, #tpu.memory_space<semaphore_mem>>) src(%dma_wait3A_58 : memref<1x128xi32, #tpu.memory_space<hbm>>) dst(%dma_wait3A_54 : memref<1x128xi32, #tpu.memory_space<vmem>>)
    %dma_wait3A_59 = arith.constant 3 : i32
    %dma_wait3A_60 = arith.constant 1 : i32
    %dma_wait3A_61 = arith.constant 0 : i32
    %dma_wait3A_62 = tpu.memref_slice %arg11[%dma_wait3A_60, %dma_wait3A_61] : memref<3x128xi32, #tpu.memory_space<vmem>> -> memref<1x128xi32, #tpu.memory_space<vmem>>
    %dma_wait3A_63 = arith.constant 0 : i32
    %dma_wait3A_64 = arith.constant 0 : i32
    %dma_wait3A_65 = tpu.memref_slice %arg3[%dma_wait3A_59, %add3A, %dma_wait3A_63, %dma_wait3A_64] : memref<4x32x1x128xi32, #tpu.memory_space<hbm>> -> memref<1x1x1x128xi32, #tpu.memory_space<hbm>>
    %dma_wait3A_66 = tpu.memref_squeeze %dma_wait3A_65 : memref<1x1x1x128xi32, #tpu.memory_space<hbm>> -> memref<1x128xi32, #tpu.memory_space<hbm>>
    %dma_wait3A_67 = arith.constant 1 : i32
    %dma_wait3A_68 = arith.constant 0 : i32
    %dma_wait3A_69 = tpu.memref_slice %arg11[%dma_wait3A_67, %dma_wait3A_68] : memref<3x128xi32, #tpu.memory_space<vmem>> -> memref<1x128xi32, #tpu.memory_space<vmem>>
    %dma_wait3A_70 = arith.constant 0 : i32
    %dma_wait3A_71 = arith.constant 0 : i32
    %dma_wait3A_72 = tpu.memref_slice %arg3[%dma_wait3A_59, %add3A, %dma_wait3A_70, %dma_wait3A_71] : memref<4x32x1x128xi32, #tpu.memory_space<hbm>> -> memref<1x1x1x128xi32, #tpu.memory_space<hbm>>
    %dma_wait3A_73 = tpu.memref_squeeze %dma_wait3A_72 : memref<1x1x1x128xi32, #tpu.memory_space<hbm>> -> memref<1x128xi32, #tpu.memory_space<hbm>>
    tpu.wait_dma2 semaphore(%arg17 : memref<!tpu.dma_semaphore, #tpu.memory_space<semaphore_mem>>) src(%dma_wait3A_73 : memref<1x128xi32, #tpu.memory_space<hbm>>) dst(%dma_wait3A_69 : memref<1x128xi32, #tpu.memory_space<vmem>>)
    %dma_wait3A_74 = arith.constant 3 : i32
    %dma_wait3A_75 = arith.constant 2 : i32
    %dma_wait3A_76 = arith.constant 0 : i32
    %dma_wait3A_77 = tpu.memref_slice %arg11[%dma_wait3A_75, %dma_wait3A_76] : memref<3x128xi32, #tpu.memory_space<vmem>> -> memref<1x128xi32, #tpu.memory_space<vmem>>
    %dma_wait3A_78 = arith.constant 0 : i32
    %dma_wait3A_79 = arith.constant 0 : i32
    %dma_wait3A_80 = tpu.memref_slice %arg4[%dma_wait3A_74, %add3A, %dma_wait3A_78, %dma_wait3A_79] : memref<4x32x1x128xi32, #tpu.memory_space<hbm>> -> memref<1x1x1x128xi32, #tpu.memory_space<hbm>>
    %dma_wait3A_81 = tpu.memref_squeeze %dma_wait3A_80 : memref<1x1x1x128xi32, #tpu.memory_space<hbm>> -> memref<1x128xi32, #tpu.memory_space<hbm>>
    %dma_wait3A_82 = arith.constant 2 : i32
    %dma_wait3A_83 = arith.constant 0 : i32
    %dma_wait3A_84 = tpu.memref_slice %arg11[%dma_wait3A_82, %dma_wait3A_83] : memref<3x128xi32, #tpu.memory_space<vmem>> -> memref<1x128xi32, #tpu.memory_space<vmem>>
    %dma_wait3A_85 = arith.constant 0 : i32
    %dma_wait3A_86 = arith.constant 0 : i32
    %dma_wait3A_87 = tpu.memref_slice %arg4[%dma_wait3A_74, %add3A, %dma_wait3A_85, %dma_wait3A_86] : memref<4x32x1x128xi32, #tpu.memory_space<hbm>> -> memref<1x1x1x128xi32, #tpu.memory_space<hbm>>
    %dma_wait3A_88 = tpu.memref_squeeze %dma_wait3A_87 : memref<1x1x1x128xi32, #tpu.memory_space<hbm>> -> memref<1x128xi32, #tpu.memory_space<hbm>>
    tpu.wait_dma2 semaphore(%arg18 : memref<!tpu.dma_semaphore, #tpu.memory_space<semaphore_mem>>) src(%dma_wait3A_88 : memref<1x128xi32, #tpu.memory_space<hbm>>) dst(%dma_wait3A_84 : memref<1x128xi32, #tpu.memory_space<vmem>>)
    %dma_start3A_89 = arith.constant 0 : i32
    %dma_start3A_90 = arith.constant 0 : i32
    %dma_start3A_91 = arith.constant 0 : i32
    %dma_start3A_92 = arith.constant 0 : i32
    %dma_start3A_93 = tpu.memref_slice %arg12[%dma_start3A_90, %dma_start3A_91, %dma_start3A_92] : memref<3x128x128xf32, #tpu.memory_space<vmem>> -> memref<1x128x128xf32, #tpu.memory_space<vmem>>
    %dma_start3A_94 = tpu.memref_squeeze %dma_start3A_93 : memref<1x128x128xf32, #tpu.memory_space<vmem>> -> memref<128x128xf32, #tpu.memory_space<vmem>>
    %dma_start3A_95 = arith.constant 0 : i32
    %dma_start3A_96 = tpu.memref_slice %arg11[%dma_start3A_89, %dma_start3A_95] : memref<3x128xi32, #tpu.memory_space<vmem>> -> memref<1x128xi32, #tpu.memory_space<vmem>>
    %dma_start3A_97 = tpu.memref_squeeze %dma_start3A_96 : memref<1x128xi32, #tpu.memory_space<vmem>> -> memref<128xi32, #tpu.memory_space<vmem>>
    %dma_start3A_98 = arith.constant 0 : i32
    %dma_start3A_99 = arith.constant 0 : i32
    %dma_start3A_100 = tpu.memref_slice %arg5[%dma_start3A_98, %dma_start3A_99] : memref<100000x128xf32, #tpu.memory_space<hbm>> -> memref<100000x128xf32, #tpu.memory_space<hbm>>
    tpu.enqueue_indirect_dma source(%dma_start3A_100 : memref<100000x128xf32, #tpu.memory_space<hbm>>) target(%dma_start3A_94 : memref<128x128xf32, #tpu.memory_space<vmem>>) offsets(%dma_start3A_97 : memref<128xi32, #tpu.memory_space<vmem>>) semaphore(%arg13 : memref<!tpu.dma_semaphore, #tpu.memory_space<semaphore_mem>>)
    %dma_start3A_101 = arith.constant 1 : i32
    %dma_start3A_102 = arith.constant 1 : i32
    %dma_start3A_103 = arith.constant 0 : i32
    %dma_start3A_104 = arith.constant 0 : i32
    %dma_start3A_105 = tpu.memref_slice %arg12[%dma_start3A_102, %dma_start3A_103, %dma_start3A_104] : memref<3x128x128xf32, #tpu.memory_space<vmem>> -> memref<1x128x128xf32, #tpu.memory_space<vmem>>
    %dma_start3A_106 = tpu.memref_squeeze %dma_start3A_105 : memref<1x128x128xf32, #tpu.memory_space<vmem>> -> memref<128x128xf32, #tpu.memory_space<vmem>>
    %dma_start3A_107 = arith.constant 0 : i32
    %dma_start3A_108 = tpu.memref_slice %arg11[%dma_start3A_101, %dma_start3A_107] : memref<3x128xi32, #tpu.memory_space<vmem>> -> memref<1x128xi32, #tpu.memory_space<vmem>>
    %dma_start3A_109 = tpu.memref_squeeze %dma_start3A_108 : memref<1x128xi32, #tpu.memory_space<vmem>> -> memref<128xi32, #tpu.memory_space<vmem>>
    %dma_start3A_110 = arith.constant 0 : i32
    %dma_start3A_111 = arith.constant 0 : i32
    %dma_start3A_112 = tpu.memref_slice %arg6[%dma_start3A_110, %dma_start3A_111] : memref<100000x128xf32, #tpu.memory_space<hbm>> -> memref<100000x128xf32, #tpu.memory_space<hbm>>
    tpu.enqueue_indirect_dma source(%dma_start3A_112 : memref<100000x128xf32, #tpu.memory_space<hbm>>) target(%dma_start3A_106 : memref<128x128xf32, #tpu.memory_space<vmem>>) offsets(%dma_start3A_109 : memref<128xi32, #tpu.memory_space<vmem>>) semaphore(%arg14 : memref<!tpu.dma_semaphore, #tpu.memory_space<semaphore_mem>>)
    %dma_start3A_113 = arith.constant 2 : i32
    %dma_start3A_114 = arith.constant 2 : i32
    %dma_start3A_115 = arith.constant 0 : i32
    %dma_start3A_116 = arith.constant 0 : i32
    %dma_start3A_117 = tpu.memref_slice %arg12[%dma_start3A_114, %dma_start3A_115, %dma_start3A_116] : memref<3x128x128xf32, #tpu.memory_space<vmem>> -> memref<1x128x128xf32, #tpu.memory_space<vmem>>
    %dma_start3A_118 = tpu.memref_squeeze %dma_start3A_117 : memref<1x128x128xf32, #tpu.memory_space<vmem>> -> memref<128x128xf32, #tpu.memory_space<vmem>>
    %dma_start3A_119 = arith.constant 0 : i32
    %dma_start3A_120 = tpu.memref_slice %arg11[%dma_start3A_113, %dma_start3A_119] : memref<3x128xi32, #tpu.memory_space<vmem>> -> memref<1x128xi32, #tpu.memory_space<vmem>>
    %dma_start3A_121 = tpu.memref_squeeze %dma_start3A_120 : memref<1x128xi32, #tpu.memory_space<vmem>> -> memref<128xi32, #tpu.memory_space<vmem>>
    %dma_start3A_122 = arith.constant 0 : i32
    %dma_start3A_123 = arith.constant 0 : i32
    %dma_start3A_124 = tpu.memref_slice %arg7[%dma_start3A_122, %dma_start3A_123] : memref<100000x128xf32, #tpu.memory_space<hbm>> -> memref<100000x128xf32, #tpu.memory_space<hbm>>
    tpu.enqueue_indirect_dma source(%dma_start3A_124 : memref<100000x128xf32, #tpu.memory_space<hbm>>) target(%dma_start3A_118 : memref<128x128xf32, #tpu.memory_space<vmem>>) offsets(%dma_start3A_121 : memref<128xi32, #tpu.memory_space<vmem>>) semaphore(%arg15 : memref<!tpu.dma_semaphore, #tpu.memory_space<semaphore_mem>>)
    %dma_wait3A_125 = arith.constant 0 : i32
    %dma_wait3A_126 = arith.constant 0 : i32
    %dma_wait3A_127 = arith.constant 0 : i32
    %dma_wait3A_128 = arith.constant 0 : i32
    %dma_wait3A_129 = tpu.memref_slice %arg12[%dma_wait3A_126, %dma_wait3A_127, %dma_wait3A_128] : memref<3x128x128xf32, #tpu.memory_space<vmem>> -> memref<1x128x128xf32, #tpu.memory_space<vmem>>
    %dma_wait3A_130 = tpu.memref_squeeze %dma_wait3A_129 : memref<1x128x128xf32, #tpu.memory_space<vmem>> -> memref<128x128xf32, #tpu.memory_space<vmem>>
    %dma_wait3A_131 = arith.constant 0 : i32
    %dma_wait3A_132 = tpu.memref_slice %arg11[%dma_wait3A_125, %dma_wait3A_131] : memref<3x128xi32, #tpu.memory_space<vmem>> -> memref<1x128xi32, #tpu.memory_space<vmem>>
    %dma_wait3A_133 = tpu.memref_squeeze %dma_wait3A_132 : memref<1x128xi32, #tpu.memory_space<vmem>> -> memref<128xi32, #tpu.memory_space<vmem>>
    %dma_wait3A_134 = arith.constant 0 : i32
    %dma_wait3A_135 = arith.constant 0 : i32
    %dma_wait3A_136 = tpu.memref_slice %arg5[%dma_wait3A_134, %dma_wait3A_135] : memref<100000x128xf32, #tpu.memory_space<hbm>> -> memref<100000x128xf32, #tpu.memory_space<hbm>>
    tpu.wait_indirect_dma semaphore(%arg13 : memref<!tpu.dma_semaphore, #tpu.memory_space<semaphore_mem>>) src(%dma_wait3A_136 : memref<100000x128xf32, #tpu.memory_space<hbm>>) dst(%dma_wait3A_130 : memref<128x128xf32, #tpu.memory_space<vmem>>)
    %mul3A_137 = arith.constant 128 : i32
    %mul3A_138 = arith.muli %add3A, %mul3A_137 : i32
    %add3A_139 = arith.constant 0 : i32
    %add3A_140 = arith.addi %add3A_139, %mul3A_138 : i32
    %dma_start3A_141 = arith.constant 0 : i32
    %dma_start3A_142 = arith.constant 0 : i32
    %dma_start3A_143 = arith.constant 0 : i32
    %dma_start3A_144 = tpu.memref_slice %arg12[%dma_start3A_141, %dma_start3A_142, %dma_start3A_143] : memref<3x128x128xf32, #tpu.memory_space<vmem>> -> memref<1x128x128xf32, #tpu.memory_space<vmem>>
    %dma_start3A_145 = tpu.memref_squeeze %dma_start3A_144 : memref<1x128x128xf32, #tpu.memory_space<vmem>> -> memref<128x128xf32, #tpu.memory_space<vmem>>
    %dma_start3A_146 = arith.constant 0 : i32
    %dma_start3A_147 = tpu.memref_slice %arg8[%add3A_140, %dma_start3A_146] : memref<4096x128xf32, #tpu.memory_space<hbm>> -> memref<128x128xf32, #tpu.memory_space<hbm>>
    %dma_start3A_148 = arith.constant 0 : i32
    %dma_start3A_149 = tpu.memref_slice %arg8[%add3A_140, %dma_start3A_148] : memref<4096x128xf32, #tpu.memory_space<hbm>> -> memref<128x128xf32, #tpu.memory_space<hbm>>
    %dma_start3A_150 = arith.constant 0 : i32
    %dma_start3A_151 = arith.constant 0 : i32
    %dma_start3A_152 = tpu.memref_slice %arg12[%dma_start3A_141, %dma_start3A_150, %dma_start3A_151] : memref<3x128x128xf32, #tpu.memory_space<vmem>> -> memref<1x128x128xf32, #tpu.memory_space<vmem>>
    %dma_start3A_153 = tpu.memref_squeeze %dma_start3A_152 : memref<1x128x128xf32, #tpu.memory_space<vmem>> -> memref<128x128xf32, #tpu.memory_space<vmem>>
    tpu.enqueue_dma source(%dma_start3A_153 : memref<128x128xf32, #tpu.memory_space<vmem>>) target(%dma_start3A_149 : memref<128x128xf32, #tpu.memory_space<hbm>>) target_semaphore(%arg16 : memref<!tpu.dma_semaphore, #tpu.memory_space<semaphore_mem>>)
    %dma_wait3A_154 = arith.constant 1 : i32
    %dma_wait3A_155 = arith.constant 1 : i32
    %dma_wait3A_156 = arith.constant 0 : i32
    %dma_wait3A_157 = arith.constant 0 : i32
    %dma_wait3A_158 = tpu.memref_slice %arg12[%dma_wait3A_155, %dma_wait3A_156, %dma_wait3A_157] : memref<3x128x128xf32, #tpu.memory_space<vmem>> -> memref<1x128x128xf32, #tpu.memory_space<vmem>>
    %dma_wait3A_159 = tpu.memref_squeeze %dma_wait3A_158 : memref<1x128x128xf32, #tpu.memory_space<vmem>> -> memref<128x128xf32, #tpu.memory_space<vmem>>
    %dma_wait3A_160 = arith.constant 0 : i32
    %dma_wait3A_161 = tpu.memref_slice %arg11[%dma_wait3A_154, %dma_wait3A_160] : memref<3x128xi32, #tpu.memory_space<vmem>> -> memref<1x128xi32, #tpu.memory_space<vmem>>
    %dma_wait3A_162 = tpu.memref_squeeze %dma_wait3A_161 : memref<1x128xi32, #tpu.memory_space<vmem>> -> memref<128xi32, #tpu.memory_space<vmem>>
    %dma_wait3A_163 = arith.constant 0 : i32
    %dma_wait3A_164 = arith.constant 0 : i32
    %dma_wait3A_165 = tpu.memref_slice %arg6[%dma_wait3A_163, %dma_wait3A_164] : memref<100000x128xf32, #tpu.memory_space<hbm>> -> memref<100000x128xf32, #tpu.memory_space<hbm>>
    tpu.wait_indirect_dma semaphore(%arg14 : memref<!tpu.dma_semaphore, #tpu.memory_space<semaphore_mem>>) src(%dma_wait3A_165 : memref<100000x128xf32, #tpu.memory_space<hbm>>) dst(%dma_wait3A_159 : memref<128x128xf32, #tpu.memory_space<vmem>>)
    %mul3A_166 = arith.constant 128 : i32
    %mul3A_167 = arith.muli %add3A, %mul3A_166 : i32
    %add3A_168 = arith.constant 0 : i32
    %add3A_169 = arith.addi %add3A_168, %mul3A_167 : i32
    %dma_start3A_170 = arith.constant 1 : i32
    %dma_start3A_171 = arith.constant 0 : i32
    %dma_start3A_172 = arith.constant 0 : i32
    %dma_start3A_173 = tpu.memref_slice %arg12[%dma_start3A_170, %dma_start3A_171, %dma_start3A_172] : memref<3x128x128xf32, #tpu.memory_space<vmem>> -> memref<1x128x128xf32, #tpu.memory_space<vmem>>
    %dma_start3A_174 = tpu.memref_squeeze %dma_start3A_173 : memref<1x128x128xf32, #tpu.memory_space<vmem>> -> memref<128x128xf32, #tpu.memory_space<vmem>>
    %dma_start3A_175 = arith.constant 0 : i32
    %dma_start3A_176 = tpu.memref_slice %arg9[%add3A_169, %dma_start3A_175] : memref<4096x128xf32, #tpu.memory_space<hbm>> -> memref<128x128xf32, #tpu.memory_space<hbm>>
    %dma_start3A_177 = arith.constant 0 : i32
    %dma_start3A_178 = tpu.memref_slice %arg9[%add3A_169, %dma_start3A_177] : memref<4096x128xf32, #tpu.memory_space<hbm>> -> memref<128x128xf32, #tpu.memory_space<hbm>>
    %dma_start3A_179 = arith.constant 0 : i32
    %dma_start3A_180 = arith.constant 0 : i32
    %dma_start3A_181 = tpu.memref_slice %arg12[%dma_start3A_170, %dma_start3A_179, %dma_start3A_180] : memref<3x128x128xf32, #tpu.memory_space<vmem>> -> memref<1x128x128xf32, #tpu.memory_space<vmem>>
    %dma_start3A_182 = tpu.memref_squeeze %dma_start3A_181 : memref<1x128x128xf32, #tpu.memory_space<vmem>> -> memref<128x128xf32, #tpu.memory_space<vmem>>
    tpu.enqueue_dma source(%dma_start3A_182 : memref<128x128xf32, #tpu.memory_space<vmem>>) target(%dma_start3A_178 : memref<128x128xf32, #tpu.memory_space<hbm>>) target_semaphore(%arg17 : memref<!tpu.dma_semaphore, #tpu.memory_space<semaphore_mem>>)
    %dma_wait3A_183 = arith.constant 2 : i32
    %dma_wait3A_184 = arith.constant 2 : i32
    %dma_wait3A_185 = arith.constant 0 : i32
    %dma_wait3A_186 = arith.constant 0 : i32
    %dma_wait3A_187 = tpu.memref_slice %arg12[%dma_wait3A_184, %dma_wait3A_185, %dma_wait3A_186] : memref<3x128x128xf32, #tpu.memory_space<vmem>> -> memref<1x128x128xf32, #tpu.memory_space<vmem>>
    %dma_wait3A_188 = tpu.memref_squeeze %dma_wait3A_187 : memref<1x128x128xf32, #tpu.memory_space<vmem>> -> memref<128x128xf32, #tpu.memory_space<vmem>>
    %dma_wait3A_189 = arith.constant 0 : i32
    %dma_wait3A_190 = tpu.memref_slice %arg11[%dma_wait3A_183, %dma_wait3A_189] : memref<3x128xi32, #tpu.memory_space<vmem>> -> memref<1x128xi32, #tpu.memory_space<vmem>>
    %dma_wait3A_191 = tpu.memref_squeeze %dma_wait3A_190 : memref<1x128xi32, #tpu.memory_space<vmem>> -> memref<128xi32, #tpu.memory_space<vmem>>
    %dma_wait3A_192 = arith.constant 0 : i32
    %dma_wait3A_193 = arith.constant 0 : i32
    %dma_wait3A_194 = tpu.memref_slice %arg7[%dma_wait3A_192, %dma_wait3A_193] : memref<100000x128xf32, #tpu.memory_space<hbm>> -> memref<100000x128xf32, #tpu.memory_space<hbm>>
    tpu.wait_indirect_dma semaphore(%arg15 : memref<!tpu.dma_semaphore, #tpu.memory_space<semaphore_mem>>) src(%dma_wait3A_194 : memref<100000x128xf32, #tpu.memory_space<hbm>>) dst(%dma_wait3A_188 : memref<128x128xf32, #tpu.memory_space<vmem>>)
    %mul3A_195 = arith.constant 128 : i32
    %mul3A_196 = arith.muli %add3A, %mul3A_195 : i32
    %add3A_197 = arith.constant 0 : i32
    %add3A_198 = arith.addi %add3A_197, %mul3A_196 : i32
    %dma_start3A_199 = arith.constant 2 : i32
    %dma_start3A_200 = arith.constant 0 : i32
    %dma_start3A_201 = arith.constant 0 : i32
    %dma_start3A_202 = tpu.memref_slice %arg12[%dma_start3A_199, %dma_start3A_200, %dma_start3A_201] : memref<3x128x128xf32, #tpu.memory_space<vmem>> -> memref<1x128x128xf32, #tpu.memory_space<vmem>>
    %dma_start3A_203 = tpu.memref_squeeze %dma_start3A_202 : memref<1x128x128xf32, #tpu.memory_space<vmem>> -> memref<128x128xf32, #tpu.memory_space<vmem>>
    %dma_start3A_204 = arith.constant 0 : i32
    %dma_start3A_205 = tpu.memref_slice %arg10[%add3A_198, %dma_start3A_204] : memref<4096x128xf32, #tpu.memory_space<hbm>> -> memref<128x128xf32, #tpu.memory_space<hbm>>
    %dma_start3A_206 = arith.constant 0 : i32
    %dma_start3A_207 = tpu.memref_slice %arg10[%add3A_198, %dma_start3A_206] : memref<4096x128xf32, #tpu.memory_space<hbm>> -> memref<128x128xf32, #tpu.memory_space<hbm>>
    %dma_start3A_208 = arith.constant 0 : i32
    %dma_start3A_209 = arith.constant 0 : i32
    %dma_start3A_210 = tpu.memref_slice %arg12[%dma_start3A_199, %dma_start3A_208, %dma_start3A_209] : memref<3x128x128xf32, #tpu.memory_space<vmem>> -> memref<1x128x128xf32, #tpu.memory_space<vmem>>
    %dma_start3A_211 = tpu.memref_squeeze %dma_start3A_210 : memref<1x128x128xf32, #tpu.memory_space<vmem>> -> memref<128x128xf32, #tpu.memory_space<vmem>>
    tpu.enqueue_dma source(%dma_start3A_211 : memref<128x128xf32, #tpu.memory_space<vmem>>) target(%dma_start3A_207 : memref<128x128xf32, #tpu.memory_space<hbm>>) target_semaphore(%arg18 : memref<!tpu.dma_semaphore, #tpu.memory_space<semaphore_mem>>)
    %dma_wait3A_212 = arith.constant 0 : i32
    %dma_wait3A_213 = arith.constant 0 : i32
    %dma_wait3A_214 = arith.constant 0 : i32
    %dma_wait3A_215 = tpu.memref_slice %arg12[%dma_wait3A_212, %dma_wait3A_213, %dma_wait3A_214] : memref<3x128x128xf32, #tpu.memory_space<vmem>> -> memref<1x128x128xf32, #tpu.memory_space<vmem>>
    %dma_wait3A_216 = tpu.memref_squeeze %dma_wait3A_215 : memref<1x128x128xf32, #tpu.memory_space<vmem>> -> memref<128x128xf32, #tpu.memory_space<vmem>>
    %dma_wait3A_217 = arith.constant 0 : i32
    %dma_wait3A_218 = tpu.memref_slice %arg8[%add3A_140, %dma_wait3A_217] : memref<4096x128xf32, #tpu.memory_space<hbm>> -> memref<128x128xf32, #tpu.memory_space<hbm>>
    %dma_wait3A_219 = arith.constant 0 : i32
    %dma_wait3A_220 = tpu.memref_slice %arg8[%add3A_140, %dma_wait3A_219] : memref<4096x128xf32, #tpu.memory_space<hbm>> -> memref<128x128xf32, #tpu.memory_space<hbm>>
    %dma_wait3A_221 = arith.constant 0 : i32
    %dma_wait3A_222 = arith.constant 0 : i32
    %dma_wait3A_223 = tpu.memref_slice %arg12[%dma_wait3A_212, %dma_wait3A_221, %dma_wait3A_222] : memref<3x128x128xf32, #tpu.memory_space<vmem>> -> memref<1x128x128xf32, #tpu.memory_space<vmem>>
    %dma_wait3A_224 = tpu.memref_squeeze %dma_wait3A_223 : memref<1x128x128xf32, #tpu.memory_space<vmem>> -> memref<128x128xf32, #tpu.memory_space<vmem>>
    tpu.wait_dma2 semaphore(%arg16 : memref<!tpu.dma_semaphore, #tpu.memory_space<semaphore_mem>>) src(%dma_wait3A_224 : memref<128x128xf32, #tpu.memory_space<vmem>>) dst(%dma_wait3A_220 : memref<128x128xf32, #tpu.memory_space<hbm>>)
    %dma_wait3A_225 = arith.constant 1 : i32
    %dma_wait3A_226 = arith.constant 0 : i32
    %dma_wait3A_227 = arith.constant 0 : i32
    %dma_wait3A_228 = tpu.memref_slice %arg12[%dma_wait3A_225, %dma_wait3A_226, %dma_wait3A_227] : memref<3x128x128xf32, #tpu.memory_space<vmem>> -> memref<1x128x128xf32, #tpu.memory_space<vmem>>
    %dma_wait3A_229 = tpu.memref_squeeze %dma_wait3A_228 : memref<1x128x128xf32, #tpu.memory_space<vmem>> -> memref<128x128xf32, #tpu.memory_space<vmem>>
    %dma_wait3A_230 = arith.constant 0 : i32
    %dma_wait3A_231 = tpu.memref_slice %arg9[%add3A_169, %dma_wait3A_230] : memref<4096x128xf32, #tpu.memory_space<hbm>> -> memref<128x128xf32, #tpu.memory_space<hbm>>
    %dma_wait3A_232 = arith.constant 0 : i32
    %dma_wait3A_233 = tpu.memref_slice %arg9[%add3A_169, %dma_wait3A_232] : memref<4096x128xf32, #tpu.memory_space<hbm>> -> memref<128x128xf32, #tpu.memory_space<hbm>>
    %dma_wait3A_234 = arith.constant 0 : i32
    %dma_wait3A_235 = arith.constant 0 : i32
    %dma_wait3A_236 = tpu.memref_slice %arg12[%dma_wait3A_225, %dma_wait3A_234, %dma_wait3A_235] : memref<3x128x128xf32, #tpu.memory_space<vmem>> -> memref<1x128x128xf32, #tpu.memory_space<vmem>>
    %dma_wait3A_237 = tpu.memref_squeeze %dma_wait3A_236 : memref<1x128x128xf32, #tpu.memory_space<vmem>> -> memref<128x128xf32, #tpu.memory_space<vmem>>
    tpu.wait_dma2 semaphore(%arg17 : memref<!tpu.dma_semaphore, #tpu.memory_space<semaphore_mem>>) src(%dma_wait3A_237 : memref<128x128xf32, #tpu.memory_space<vmem>>) dst(%dma_wait3A_233 : memref<128x128xf32, #tpu.memory_space<hbm>>)
    %dma_wait3A_238 = arith.constant 2 : i32
    %dma_wait3A_239 = arith.constant 0 : i32
    %dma_wait3A_240 = arith.constant 0 : i32
    %dma_wait3A_241 = tpu.memref_slice %arg12[%dma_wait3A_238, %dma_wait3A_239, %dma_wait3A_240] : memref<3x128x128xf32, #tpu.memory_space<vmem>> -> memref<1x128x128xf32, #tpu.memory_space<vmem>>
    %dma_wait3A_242 = tpu.memref_squeeze %dma_wait3A_241 : memref<1x128x128xf32, #tpu.memory_space<vmem>> -> memref<128x128xf32, #tpu.memory_space<vmem>>
    %dma_wait3A_243 = arith.constant 0 : i32
    %dma_wait3A_244 = tpu.memref_slice %arg10[%add3A_198, %dma_wait3A_243] : memref<4096x128xf32, #tpu.memory_space<hbm>> -> memref<128x128xf32, #tpu.memory_space<hbm>>
    %dma_wait3A_245 = arith.constant 0 : i32
    %dma_wait3A_246 = tpu.memref_slice %arg10[%add3A_198, %dma_wait3A_245] : memref<4096x128xf32, #tpu.memory_space<hbm>> -> memref<128x128xf32, #tpu.memory_space<hbm>>
    %dma_wait3A_247 = arith.constant 0 : i32
    %dma_wait3A_248 = arith.constant 0 : i32
    %dma_wait3A_249 = tpu.memref_slice %arg12[%dma_wait3A_238, %dma_wait3A_247, %dma_wait3A_248] : memref<3x128x128xf32, #tpu.memory_space<vmem>> -> memref<1x128x128xf32, #tpu.memory_space<vmem>>
    %dma_wait3A_250 = tpu.memref_squeeze %dma_wait3A_249 : memref<1x128x128xf32, #tpu.memory_space<vmem>> -> memref<128x128xf32, #tpu.memory_space<vmem>>
    tpu.wait_dma2 semaphore(%arg18 : memref<!tpu.dma_semaphore, #tpu.memory_space<semaphore_mem>>) src(%dma_wait3A_250 : memref<128x128xf32, #tpu.memory_space<vmem>>) dst(%dma_wait3A_246 : memref<128x128xf32, #tpu.memory_space<hbm>>)
    return
  }
}

module attributes {stable_mosaic.version = 14 : i64} {
  func.func @_mlp_acc(%arg0: i32, %arg1: memref<64x2048xf32, #tpu.memory_space<vmem>>, %arg2: memref<2048x128xf32, #tpu.memory_space<vmem>>, %arg3: memref<2048x128xf32, #tpu.memory_space<vmem>>, %arg4: memref<2048x128xf32, #tpu.memory_space<vmem>>, %arg5: memref<384x128xf32, #tpu.memory_space<vmem>>, %arg6: memref<1x128xf32, #tpu.memory_space<vmem>>, %arg7: memref<128x64xf32, #tpu.memory_space<vmem>>, %arg8: memref<1x64xf32, #tpu.memory_space<vmem>>, %arg9: memref<64x2048xf32, #tpu.memory_space<vmem>>) attributes {dimension_semantics = [#tpu.dimension_semantics<arbitrary>], iteration_bounds = array<i64: 2>, scalar_prefetch = 0 : i64, scratch_operands = 0 : i64, tpu.core_type = #tpu.core_type<tc>, window_params = [{transform_indices = @transform_0, window_bounds = array<i64: 64, 2048>}, {transform_indices = @transform_1, window_bounds = array<i64: 2048, 128>}, {transform_indices = @transform_2, window_bounds = array<i64: 2048, 128>}, {transform_indices = @transform_3, window_bounds = array<i64: 2048, 128>}, {pipeline_mode = #tpu.pipeline_mode<synchronous>, transform_indices = @transform_4, window_bounds = array<i64: 384, 128>}, {pipeline_mode = #tpu.pipeline_mode<synchronous>, transform_indices = @transform_5, window_bounds = array<i64: 1, 128>}, {pipeline_mode = #tpu.pipeline_mode<synchronous>, transform_indices = @transform_6, window_bounds = array<i64: 128, 64>}, {pipeline_mode = #tpu.pipeline_mode<synchronous>, transform_indices = @transform_7, window_bounds = array<i64: 1, 64>}, {transform_indices = @transform_8, window_bounds = array<i64: 64, 2048>}]} {
    %get3A = arith.constant 0 : index
    %get3A_0 = arith.constant 0 : index
    %get3A_1 = vector.load %arg7[%get3A, %get3A_0] : memref<128x64xf32, #tpu.memory_space<vmem>>, vector<128x64xf32>
    %get3A_2 = arith.constant 0 : index
    %get3A_3 = arith.constant 0 : index
    %get3A_4 = vector.load %arg5[%get3A_2, %get3A_3] : memref<384x128xf32, #tpu.memory_space<vmem>>, vector<128x128xf32>
    %dot_general3A = arith.constant dense<0.000000e+00> : vector<128x64xf32>
    %dot_general3A_5 = tpu.matmul %get3A_4, %get3A_1, %dot_general3A {dimension_numbers = #tpu.dot_dimension_numbers<[1], [0], [0], [1], [0, 0, 1, 1], [], []>, transpose_lhs_hint = false} : vector<128x128xf32>, vector<128x64xf32>, vector<128x64xf32> -> vector<128x64xf32>
    %get3A_6 = arith.constant 128 : index
    %get3A_7 = arith.constant 0 : index
    %get3A_8 = vector.load %arg5[%get3A_6, %get3A_7] : memref<384x128xf32, #tpu.memory_space<vmem>>, vector<128x128xf32>
    %dot_general3A_9 = arith.constant dense<0.000000e+00> : vector<128x64xf32>
    %dot_general3A_10 = tpu.matmul %get3A_8, %get3A_1, %dot_general3A_9 {dimension_numbers = #tpu.dot_dimension_numbers<[1], [0], [0], [1], [0, 0, 1, 1], [], []>, transpose_lhs_hint = false} : vector<128x128xf32>, vector<128x64xf32>, vector<128x64xf32> -> vector<128x64xf32>
    %get3A_11 = arith.constant 256 : index
    %get3A_12 = arith.constant 0 : index
    %get3A_13 = vector.load %arg5[%get3A_11, %get3A_12] : memref<384x128xf32, #tpu.memory_space<vmem>>, vector<128x128xf32>
    %dot_general3A_14 = arith.constant dense<0.000000e+00> : vector<128x64xf32>
    %dot_general3A_15 = tpu.matmul %get3A_13, %get3A_1, %dot_general3A_14 {dimension_numbers = #tpu.dot_dimension_numbers<[1], [0], [0], [1], [0, 0, 1, 1], [], []>, transpose_lhs_hint = false} : vector<128x128xf32>, vector<128x64xf32>, vector<128x64xf32> -> vector<128x64xf32>
    %get3A_16 = arith.constant 0 : index
    %get3A_17 = arith.constant 0 : index
    %get3A_18 = vector.load %arg2[%get3A_16, %get3A_17] : memref<2048x128xf32, #tpu.memory_space<vmem>>, vector<2048x128xf32>
    %dot_general3A_19 = arith.constant dense<0.000000e+00> : vector<64x2048xf32>
    %dot_general3A_20 = tpu.matmul %dot_general3A_5, %get3A_18, %dot_general3A_19 {dimension_numbers = #tpu.dot_dimension_numbers<[0], [1], [1], [0], [0, 1, 1, 0], [], []>, transpose_lhs_hint = false} : vector<128x64xf32>, vector<2048x128xf32>, vector<64x2048xf32> -> vector<64x2048xf32>
    %get3A_21 = arith.constant 0 : index
    %get3A_22 = arith.constant 0 : index
    %get3A_23 = vector.load %arg3[%get3A_21, %get3A_22] : memref<2048x128xf32, #tpu.memory_space<vmem>>, vector<2048x128xf32>
    %dot_general3A_24 = arith.constant dense<0.000000e+00> : vector<64x2048xf32>
    %dot_general3A_25 = tpu.matmul %dot_general3A_10, %get3A_23, %dot_general3A_24 {dimension_numbers = #tpu.dot_dimension_numbers<[0], [1], [1], [0], [0, 1, 1, 0], [], []>, transpose_lhs_hint = false} : vector<128x64xf32>, vector<2048x128xf32>, vector<64x2048xf32> -> vector<64x2048xf32>
    %add3A = arith.addf %dot_general3A_20, %dot_general3A_25 : vector<64x2048xf32>
    %get3A_26 = arith.constant 0 : index
    %get3A_27 = arith.constant 0 : index
    %get3A_28 = vector.load %arg4[%get3A_26, %get3A_27] : memref<2048x128xf32, #tpu.memory_space<vmem>>, vector<2048x128xf32>
    %dot_general3A_29 = arith.constant dense<0.000000e+00> : vector<64x2048xf32>
    %dot_general3A_30 = tpu.matmul %dot_general3A_15, %get3A_28, %dot_general3A_29 {dimension_numbers = #tpu.dot_dimension_numbers<[0], [1], [1], [0], [0, 1, 1, 0], [], []>, transpose_lhs_hint = false} : vector<128x64xf32>, vector<2048x128xf32>, vector<64x2048xf32> -> vector<64x2048xf32>
    %add3A_31 = arith.addf %add3A, %dot_general3A_30 : vector<64x2048xf32>
    %get3A_32 = arith.constant 0 : index
    %get3A_33 = arith.constant 0 : index
    %get3A_34 = vector.load %arg6[%get3A_32, %get3A_33] : memref<1x128xf32, #tpu.memory_space<vmem>>, vector<1x128xf32>
    %dot_general3A_35 = arith.constant dense<0.000000e+00> : vector<64x1xf32>
    %dot_general3A_36 = tpu.matmul %get3A_1, %get3A_34, %dot_general3A_35 {dimension_numbers = #tpu.dot_dimension_numbers<[0], [1], [1], [0], [0, 1, 1, 0], [], []>, transpose_lhs_hint = false} : vector<128x64xf32>, vector<1x128xf32>, vector<64x1xf32> -> vector<64x1xf32>
    %get3A_37 = arith.constant 0 : index
    %get3A_38 = arith.constant 0 : index
    %get3A_39 = vector.load %arg8[%get3A_37, %get3A_38] : memref<1x64xf32, #tpu.memory_space<vmem>>, vector<1x64xf32>
    %reshape3A = vector.shape_cast %get3A_39 : vector<1x64xf32> to vector<64x1xf32>
    %add3A_40 = arith.addf %dot_general3A_36, %reshape3A : vector<64x1xf32>
    %add3A_41 = vector.broadcast %add3A_40 : vector<64x1xf32> to vector<64x2048xf32>
    %add3A_42 = arith.addf %add3A_31, %add3A_41 : vector<64x2048xf32>
    %swap3A = arith.constant 0 : index
    %swap3A_43 = arith.constant 0 : index
    %swap3A_44 = vector.load %arg9[%swap3A, %swap3A_43] : memref<64x2048xf32, #tpu.memory_space<vmem>>, vector<64x2048xf32>
    tpu.vector_store %arg9[%swap3A, %swap3A_43], %add3A_42 {strides = array<i32>} : memref<64x2048xf32, #tpu.memory_space<vmem>>, vector<64x2048xf32>,
    return
  }
  func.func @transform_0(%arg0: i32) -> (i32, i32) {
    %c0_i32 = arith.constant 0 : i32
    %c0_i32_0 = arith.constant 0 : i32
    %c0_i32_1 = arith.constant 0 : i32
    return %c0_i32, %c0_i32_0 : i32, i32
  }
  func.func @transform_1(%arg0: i32) -> (i32, i32) {
    %c0_i32 = arith.constant 0 : i32
    %c0_i32_0 = arith.constant 0 : i32
    return %arg0, %c0_i32 : i32, i32
  }
  func.func @transform_2(%arg0: i32) -> (i32, i32) {
    %c0_i32 = arith.constant 0 : i32
    %c0_i32_0 = arith.constant 0 : i32
    return %arg0, %c0_i32 : i32, i32
  }
  func.func @transform_3(%arg0: i32) -> (i32, i32) {
    %c0_i32 = arith.constant 0 : i32
    %c0_i32_0 = arith.constant 0 : i32
    return %arg0, %c0_i32 : i32, i32
  }
  func.func @transform_4(%arg0: i32) -> (i32, i32) {
    %c0_i32 = arith.constant 0 : i32
    %c0_i32_0 = arith.constant 0 : i32
    %c0_i32_1 = arith.constant 0 : i32
    return %c0_i32, %c0_i32_0 : i32, i32
  }
  func.func @transform_5(%arg0: i32) -> (i32, i32) {
    %c0_i32 = arith.constant 0 : i32
    %c0_i32_0 = arith.constant 0 : i32
    %c0_i32_1 = arith.constant 0 : i32
    return %c0_i32, %c0_i32_0 : i32, i32
  }
  func.func @transform_6(%arg0: i32) -> (i32, i32) {
    %c0_i32 = arith.constant 0 : i32
    %c0_i32_0 = arith.constant 0 : i32
    %c0_i32_1 = arith.constant 0 : i32
    return %c0_i32, %c0_i32_0 : i32, i32
  }
  func.func @transform_7(%arg0: i32) -> (i32, i32) {
    %c0_i32 = arith.constant 0 : i32
    %c0_i32_0 = arith.constant 0 : i32
    %c0_i32_1 = arith.constant 0 : i32
    return %c0_i32, %c0_i32_0 : i32, i32
  }
  func.func @transform_8(%arg0: i32) -> (i32, i32) {
    %add3A = arith.constant 6 : i32
    %add3A_0 = arith.addi %add3A, %arg0 : i32
    %c0_i32 = arith.constant 0 : i32
    %c0_i32_1 = arith.constant 0 : i32
    return %c0_i32, %add3A_0 : i32, i32
  }
}

module attributes {stable_mosaic.version = 14 : i64} {
  func.func @_mlp_first(%arg0: i32, %arg1: memref<2048x128xf32, #tpu.memory_space<vmem>>, %arg2: memref<2048x128xf32, #tpu.memory_space<vmem>>, %arg3: memref<2048x128xf32, #tpu.memory_space<vmem>>, %arg4: memref<384x128xf32, #tpu.memory_space<vmem>>, %arg5: memref<1x128xf32, #tpu.memory_space<vmem>>, %arg6: memref<128x64xf32, #tpu.memory_space<vmem>>, %arg7: memref<1x64xf32, #tpu.memory_space<vmem>>, %arg8: memref<64x2048xf32, #tpu.memory_space<vmem>>) attributes {dimension_semantics = [#tpu.dimension_semantics<arbitrary>], iteration_bounds = array<i64: 6>, scalar_prefetch = 0 : i64, scratch_operands = 0 : i64, tpu.core_type = #tpu.core_type<tc>, window_params = [{transform_indices = @transform_0, window_bounds = array<i64: 2048, 128>}, {transform_indices = @transform_1, window_bounds = array<i64: 2048, 128>}, {transform_indices = @transform_2, window_bounds = array<i64: 2048, 128>}, {pipeline_mode = #tpu.pipeline_mode<synchronous>, transform_indices = @transform_3, window_bounds = array<i64: 384, 128>}, {pipeline_mode = #tpu.pipeline_mode<synchronous>, transform_indices = @transform_4, window_bounds = array<i64: 1, 128>}, {pipeline_mode = #tpu.pipeline_mode<synchronous>, transform_indices = @transform_5, window_bounds = array<i64: 128, 64>}, {pipeline_mode = #tpu.pipeline_mode<synchronous>, transform_indices = @transform_6, window_bounds = array<i64: 1, 64>}, {transform_indices = @transform_7, window_bounds = array<i64: 64, 2048>}]} {
    %get3A = arith.constant 0 : index
    %get3A_0 = arith.constant 0 : index
    %get3A_1 = vector.load %arg6[%get3A, %get3A_0] : memref<128x64xf32, #tpu.memory_space<vmem>>, vector<128x64xf32>
    %get3A_2 = arith.constant 0 : index
    %get3A_3 = arith.constant 0 : index
    %get3A_4 = vector.load %arg4[%get3A_2, %get3A_3] : memref<384x128xf32, #tpu.memory_space<vmem>>, vector<128x128xf32>
    %dot_general3A = arith.constant dense<0.000000e+00> : vector<128x64xf32>
    %dot_general3A_5 = tpu.matmul %get3A_4, %get3A_1, %dot_general3A {dimension_numbers = #tpu.dot_dimension_numbers<[1], [0], [0], [1], [0, 0, 1, 1], [], []>, transpose_lhs_hint = false} : vector<128x128xf32>, vector<128x64xf32>, vector<128x64xf32> -> vector<128x64xf32>
    %get3A_6 = arith.constant 128 : index
    %get3A_7 = arith.constant 0 : index
    %get3A_8 = vector.load %arg4[%get3A_6, %get3A_7] : memref<384x128xf32, #tpu.memory_space<vmem>>, vector<128x128xf32>
    %dot_general3A_9 = arith.constant dense<0.000000e+00> : vector<128x64xf32>
    %dot_general3A_10 = tpu.matmul %get3A_8, %get3A_1, %dot_general3A_9 {dimension_numbers = #tpu.dot_dimension_numbers<[1], [0], [0], [1], [0, 0, 1, 1], [], []>, transpose_lhs_hint = false} : vector<128x128xf32>, vector<128x64xf32>, vector<128x64xf32> -> vector<128x64xf32>
    %get3A_11 = arith.constant 256 : index
    %get3A_12 = arith.constant 0 : index
    %get3A_13 = vector.load %arg4[%get3A_11, %get3A_12] : memref<384x128xf32, #tpu.memory_space<vmem>>, vector<128x128xf32>
    %dot_general3A_14 = arith.constant dense<0.000000e+00> : vector<128x64xf32>
    %dot_general3A_15 = tpu.matmul %get3A_13, %get3A_1, %dot_general3A_14 {dimension_numbers = #tpu.dot_dimension_numbers<[1], [0], [0], [1], [0, 0, 1, 1], [], []>, transpose_lhs_hint = false} : vector<128x128xf32>, vector<128x64xf32>, vector<128x64xf32> -> vector<128x64xf32>
    %get3A_16 = arith.constant 0 : index
    %get3A_17 = arith.constant 0 : index
    %get3A_18 = vector.load %arg1[%get3A_16, %get3A_17] : memref<2048x128xf32, #tpu.memory_space<vmem>>, vector<2048x128xf32>
    %dot_general3A_19 = arith.constant dense<0.000000e+00> : vector<64x2048xf32>
    %dot_general3A_20 = tpu.matmul %dot_general3A_5, %get3A_18, %dot_general3A_19 {dimension_numbers = #tpu.dot_dimension_numbers<[0], [1], [1], [0], [0, 1, 1, 0], [], []>, transpose_lhs_hint = false} : vector<128x64xf32>, vector<2048x128xf32>, vector<64x2048xf32> -> vector<64x2048xf32>
    %get3A_21 = arith.constant 0 : index
    %get3A_22 = arith.constant 0 : index
    %get3A_23 = vector.load %arg2[%get3A_21, %get3A_22] : memref<2048x128xf32, #tpu.memory_space<vmem>>, vector<2048x128xf32>
    %dot_general3A_24 = arith.constant dense<0.000000e+00> : vector<64x2048xf32>
    %dot_general3A_25 = tpu.matmul %dot_general3A_10, %get3A_23, %dot_general3A_24 {dimension_numbers = #tpu.dot_dimension_numbers<[0], [1], [1], [0], [0, 1, 1, 0], [], []>, transpose_lhs_hint = false} : vector<128x64xf32>, vector<2048x128xf32>, vector<64x2048xf32> -> vector<64x2048xf32>
    %add3A = arith.addf %dot_general3A_20, %dot_general3A_25 : vector<64x2048xf32>
    %get3A_26 = arith.constant 0 : index
    %get3A_27 = arith.constant 0 : index
    %get3A_28 = vector.load %arg3[%get3A_26, %get3A_27] : memref<2048x128xf32, #tpu.memory_space<vmem>>, vector<2048x128xf32>
    %dot_general3A_29 = arith.constant dense<0.000000e+00> : vector<64x2048xf32>
    %dot_general3A_30 = tpu.matmul %dot_general3A_15, %get3A_28, %dot_general3A_29 {dimension_numbers = #tpu.dot_dimension_numbers<[0], [1], [1], [0], [0, 1, 1, 0], [], []>, transpose_lhs_hint = false} : vector<128x64xf32>, vector<2048x128xf32>, vector<64x2048xf32> -> vector<64x2048xf32>
    %add3A_31 = arith.addf %add3A, %dot_general3A_30 : vector<64x2048xf32>
    %get3A_32 = arith.constant 0 : index
    %get3A_33 = arith.constant 0 : index
    %get3A_34 = vector.load %arg5[%get3A_32, %get3A_33] : memref<1x128xf32, #tpu.memory_space<vmem>>, vector<1x128xf32>
    %dot_general3A_35 = arith.constant dense<0.000000e+00> : vector<64x1xf32>
    %dot_general3A_36 = tpu.matmul %get3A_1, %get3A_34, %dot_general3A_35 {dimension_numbers = #tpu.dot_dimension_numbers<[0], [1], [1], [0], [0, 1, 1, 0], [], []>, transpose_lhs_hint = false} : vector<128x64xf32>, vector<1x128xf32>, vector<64x1xf32> -> vector<64x1xf32>
    %get3A_37 = arith.constant 0 : index
    %get3A_38 = arith.constant 0 : index
    %get3A_39 = vector.load %arg7[%get3A_37, %get3A_38] : memref<1x64xf32, #tpu.memory_space<vmem>>, vector<1x64xf32>
    %reshape3A = vector.shape_cast %get3A_39 : vector<1x64xf32> to vector<64x1xf32>
    %add3A_40 = arith.addf %dot_general3A_36, %reshape3A : vector<64x1xf32>
    %add3A_41 = vector.broadcast %add3A_40 : vector<64x1xf32> to vector<64x2048xf32>
    %add3A_42 = arith.addf %add3A_31, %add3A_41 : vector<64x2048xf32>
    %swap3A = arith.constant 0 : index
    %swap3A_43 = arith.constant 0 : index
    %swap3A_44 = vector.load %arg8[%swap3A, %swap3A_43] : memref<64x2048xf32, #tpu.memory_space<vmem>>, vector<64x2048xf32>
    tpu.vector_store %arg8[%swap3A, %swap3A_43], %add3A_42 {strides = array<i32>} : memref<64x2048xf32, #tpu.memory_space<vmem>>, vector<64x2048xf32>,
    return
  }
  func.func @transform_0(%arg0: i32) -> (i32, i32) {
    %c0_i32 = arith.constant 0 : i32
    %c0_i32_0 = arith.constant 0 : i32
    return %arg0, %c0_i32 : i32, i32
  }
  func.func @transform_1(%arg0: i32) -> (i32, i32) {
    %c0_i32 = arith.constant 0 : i32
    %c0_i32_0 = arith.constant 0 : i32
    return %arg0, %c0_i32 : i32, i32
  }
  func.func @transform_2(%arg0: i32) -> (i32, i32) {
    %c0_i32 = arith.constant 0 : i32
    %c0_i32_0 = arith.constant 0 : i32
    return %arg0, %c0_i32 : i32, i32
  }
  func.func @transform_3(%arg0: i32) -> (i32, i32) {
    %c0_i32 = arith.constant 0 : i32
    %c0_i32_0 = arith.constant 0 : i32
    %c0_i32_1 = arith.constant 0 : i32
    return %c0_i32, %c0_i32_0 : i32, i32
  }
  func.func @transform_4(%arg0: i32) -> (i32, i32) {
    %c0_i32 = arith.constant 0 : i32
    %c0_i32_0 = arith.constant 0 : i32
    %c0_i32_1 = arith.constant 0 : i32
    return %c0_i32, %c0_i32_0 : i32, i32
  }
  func.func @transform_5(%arg0: i32) -> (i32, i32) {
    %c0_i32 = arith.constant 0 : i32
    %c0_i32_0 = arith.constant 0 : i32
    %c0_i32_1 = arith.constant 0 : i32
    return %c0_i32, %c0_i32_0 : i32, i32
  }
  func.func @transform_6(%arg0: i32) -> (i32, i32) {
    %c0_i32 = arith.constant 0 : i32
    %c0_i32_0 = arith.constant 0 : i32
    %c0_i32_1 = arith.constant 0 : i32
    return %c0_i32, %c0_i32_0 : i32, i32
  }
  func.func @transform_7(%arg0: i32) -> (i32, i32) {
    %add3A = arith.constant 0 : i32
    %add3A_0 = arith.addi %add3A, %arg0 : i32
    %c0_i32 = arith.constant 0 : i32
    %c0_i32_1 = arith.constant 0 : i32
    return %c0_i32, %add3A_0 : i32, i32
  }
}

</mosaic_0001>

<sc_bundles>
// kernel: kernel.6.cloned.1.call-start
scs
__scs_entry_jumppad:
0x0: {  	(pc) =	sbr.rel $0x88, $3  }
0x1: {  	(tag) =	ssettag $0x0;
	lr =	simm.s32 $0x1  }
0x2: {  	[smem:$0x3F97] =	sst lr;
	_ =	strace $0xD0000000  }
0x3: {  	_ = 	snop  }
0x4: {  	_ = 	snop  }
0x5: {  	_ = 	snop  }
0x6: {  	_ = 	snop  }
0x7: {  	_ = 	snop  }
__scs_overlays_trampoline_lowered:
0x8: {  	[smem:$0x3FA6] =	sst s0  }
0x9: {  	[smem:$0x3FA7] =	sst s1  }
0xa: {  	[smem:$0x3FA8] =	sst s2  }
0xb: {  	[smem:$0x3FA9] =	sst s3  }
0xc: {  	[smem:$0x3FAA] =	sst s4  }
0xd: {  	[smem:$0x3FAB] =	sst s5  }
0xe: {  	[smem:$0x3FAC] =	sst s6  }
0xf: {  	[smem:$0x3FAD] =	sst s7  }
0x10: {  	[smem:$0x3FAE] =	sst s8  }
0x11: {  	[smem:$0x3FAF] =	sst s9;
	s0 =	simm.s32 @!p0 $0x0  }
0x12: {  	s1 =	sld [smem:$0x3F95];
	s0 =	simm.s32 @p0 $0x1  }
0x13: {  	[smem:$0x3FB0] =	sst s0;
	s0 =	simm.s32 @!p1 $0x0  }
0x14: {  	s2 =	sld [smem:$0x3F94];
	s0 =	simm.s32 @p1 $0x1  }
0x15: {  	[smem:$0x3FB1] =	sst s0;
	s0 =	simm.s32 @!p2 $0x0  }
0x16: {  	s3 =	sld [smem:$0x3FDB];
	s0 =	simm.s32 @p2 $0x1  }
0x17: {  	s4 =	simm.s32 $0x1BF5;
	[smem:$0x3FB3] =	sst s0  }
0x18: {  	s0 =	sld [smem:$0x3F96];
	_ =	swait.ge [sflag:s4], $0x0  }
0x19: {  	s7 =	sld [smem:$0x3F97]  }
0x1a: {  	s8 =	sadd.s32 $0xFFFFE003, lr  }
0x1b: {  	s9 =	sadd.s32 $0xFFFFFEF7, lr;
	s5 =	simm.s32 $0xFFFFFFFF;
	p2 =	slt.u32 s8, $0xFFFFF086  }
0x1c: {  	p1 =	slt.u32 s9, $0xF7A;
	s5 =	simm.s32 @!p2 $0x0  }
0x1d: {  	s5 =	simm.s32 @p1 $0x1;
	p0 =	seq.s32 s7, s2  }
0x1e: {  	s7 =	smul.u32 @!p0 $0xF7A, s2;
	p2 =	seq.s32 @!p0 s5, $0x0  }
0x1f: {  	s9 =	smul.u32 $0xF7A, s1;
	s8 =	simm.s32 @!p0 $0x1BF5;
	p2 =	por !p2, p0  }
0x20: {  	[sflag:s8] =	ssyncset.s32 @!p0 $0xFFFFF086;
	s6 =	sadd.s32 @!p0 s3, s7;
	s7 =	simm.s32 @!p0 $0x108  }
0x21: {  	s3 =	sadd.s32 s3, s9;
	s6 =	sadd.s32 @!p0 $0x88, s6;
	s7 =	simm.s32 @p2 $0x1082  }
0x22: {  	[simem:s7], [sflag:s8] =	dma.local @!p0 [hbm:s6], $0xF7A  }
0x23: {  	s9 =	sor.u32 $0xD0000000, s2;
	s6 =	simm.s32 $0x108;
	_ =	swait.ge @!p0 [sflag:s8], $0x0  }
0x24: {  	s3 =	sadd.s32 $0x88, s3;
	s6 =	simm.s32 @!p1 $0x1082;
	[sflag:s4] =	ssyncset.s32 $0xFFFFF086  }
0x25: {  	[simem:s6], [sflag:s4] =	dma.local [hbm:s3], $0xF7A  }
0x26: {  	[smem:$0x3F97] =	sst s1;
	(tag) =	ssettag s2;
	_ =	strace s9  }
0x27: {  	s1 =	sld [smem:$0x3FA7]  }
0x28: {  	s2 =	sld [smem:$0x3FA8]  }
0x29: {  	s4 =	sld [smem:$0x3FAA]  }
0x2a: {  	p0 =	seq.s32 s5, $0x0;
	s5 =	sld [smem:$0x3FAB]  }
0x2b: {  	s6 =	sld [smem:$0x3FAC]  }
0x2c: {  	s7 =	sld [smem:$0x3FAD]  }
0x2d: {  	s3 =	simm.s32 $0x108;
	s8 =	sld [smem:$0x3FAE]  }
0x2e: {  	s3 =	simm.s32 @!p0 $0x1082;
	s9 =	sld [smem:$0x3FAF]  }
0x2f: {  	lr =	sadd.s32 s0, s3;
	s0 =	sld [smem:$0x3FA6]  }
0x30: {  	s3 =	sld [smem:$0x3FA9]  }
0x31: {  	[smem:$0x3FB2] =	sst s10  }
0x32: {  	s10 =	sld [smem:$0x3FB0];
	_ =	sdelay $0x3  }
0x33: {  	p0 =	seq.s32 s10, $0x1;
	s10 =	sld [smem:$0x3FB2];
	_ =	sdelay $0x3  }
0x34: {  	[smem:$0x3FB2] =	sst s10  }
0x35: {  	s10 =	sld [smem:$0x3FB1];
	_ =	sdelay $0x3  }
0x36: {  	p1 =	seq.s32 s10, $0x1;
	s10 =	sld [smem:$0x3FB2];
	_ =	sdelay $0x3  }
0x37: {  	[smem:$0x3FB2] =	sst s10  }
0x38: {  	s10 =	sld [smem:$0x3FB3]  }
0x39: {  	_ = 	snop;
	(pc) =	sbr.ind lr, $3  }
0x3a: {  	_ = 	snop  }
0x3b: {  	_ = 	snop  }
0x3c: {  	p2 =	seq.s32 s10, $0x1;
	s10 =	sld [smem:$0x3FB2]  }
0x3d: {  	_ =	shalt  }
0x3e: {  	_ =	shalt  }
0x3f: {  	_ =	shalt  }
0x40: {  	_ =	shalt  }
0x41: {  	_ =	shalt  }
0x42: {  	_ =	shalt  }
0x43: {  	_ =	shalt  }
0x44: {  	_ =	shalt  }
0x45: {  	_ =	shalt  }
0x46: {  	_ =	shalt  }
0x47: {  	_ =	shalt  }
0x48: {  	_ =	shalt  }
0x49: {  	_ =	shalt  }
0x4a: {  	_ =	shalt  }
0x4b: {  	_ =	shalt  }
0x4c: {  	_ =	shalt  }
0x4d: {  	_ =	shalt  }
0x4e: {  	_ =	shalt  }
0x4f: {  	_ =	shalt  }
0x50: {  	_ =	shalt  }
0x51: {  	_ =	shalt  }
0x52: {  	_ =	shalt  }
0x53: {  	_ =	shalt  }
0x54: {  	_ =	shalt  }
0x55: {  	_ =	shalt  }
0x56: {  	_ =	shalt  }
0x57: {  	_ =	shalt  }
0x58: {  	_ =	shalt  }
0x59: {  	_ =	shalt  }
0x5a: {  	_ =	shalt  }
0x5b: {  	_ =	shalt  }
0x5c: {  	_ =	shalt  }
0x5d: {  	_ =	shalt  }
0x5e: {  	_ =	shalt  }
0x5f: {  	_ =	shalt  }
0x60: {  	_ =	shalt  }
0x61: {  	_ =	shalt  }
0x62: {  	_ =	shalt  }
0x63: {  	_ =	shalt  }
0x64: {  	_ =	shalt  }
0x65: {  	_ =	shalt  }
0x66: {  	_ =	shalt  }
0x67: {  	_ =	shalt  }
0x68: {  	_ =	shalt  }
0x69: {  	_ =	shalt  }
0x6a: {  	_ =	shalt  }
0x6b: {  	_ =	shalt  }
0x6c: {  	_ =	shalt  }
0x6d: {  	_ =	shalt  }
0x6e: {  	_ =	shalt  }
0x6f: {  	_ =	shalt  }
0x70: {  	_ =	shalt  }
0x71: {  	_ =	shalt  }
0x72: {  	_ =	shalt  }
0x73: {  	_ =	shalt  }
0x74: {  	_ =	shalt  }
0x75: {  	_ =	shalt  }
0x76: {  	_ =	shalt  }
0x77: {  	_ =	shalt  }
0x78: {  	_ =	shalt  }
0x79: {  	_ =	shalt  }
0x7a: {  	_ =	shalt  }
0x7b: {  	_ =	shalt  }
0x7c: {  	_ =	shalt  }
0x7d: {  	_ =	shalt  }
0x7e: {  	_ =	shalt  }
0x7f: {  	_ =	shalt  }
0x80: {  	_ =	shalt  }
0x81: {  	_ =	shalt  }
0x82: {  	_ =	shalt  }
0x83: {  	_ =	shalt  }
0x84: {  	_ =	shalt  }
0x85: {  	_ =	shalt  }
0x86: {  	_ =	shalt  }
0x87: {  	_ =	shalt  }
.Lfunc_end0:
.L_simem_size_0:
called_computation_lowered:
.L_overlay_start_0:
0x88: {  	s2 =	sld [smem:$0x3FD9]  }
0x89: {  	s3 =	sld [smem:$0x3FFE];
	_ =	sdelay $0x1  }
0x8a: {  	s1 =	srdreg.scid  }
0x8b: {  	s0 =	sand.u32 $0x1, s1  }
0x8c: {  	s17 =	sshll.u32 s0, $0xA;
	s2 =	sadd.s32 s3, s2  }
0x8d: {  	s2 =	sadd.s32 s2, s17  }
0x8e: {  	[smem:$0x3FBE] =	sst s2  }
0x8f: {  	_ = 	snop  }
0x90: {  	s2 =	sld [smem:$0x3FC9]  }
0x91: {  	s18 =	sld [smem:$0x3FC8]  }
0x92: {  	s4 =	sld [smem:$0x3FC7]  }
0x93: {  	s5 =	sld [smem:$0x3FC6]  }
0x94: {  	s6 =	sld [smem:$0x3FC5]  }
0x95: {  	s7 =	sld [smem:$0x3FC4];
	(tm) =	ssettm $0x1  }
0x96: {  	s8 =	sld [smem:$0x3FFB];
	_ =	sdelay $0x3  }
0x97: {  	_ =	strace s8  }
0x98: {  	s8 =	sld [smem:$0x3FFC];
	_ =	sdelay $0x3  }
0x99: {  	_ =	strace s8  }
0x9a: {  	s8 =	sld [smem:$0x3FFD];
	_ =	sdelay $0x3  }
0x9b: {  	_ =	strace s8  }
0x9c: {  	_ =	strace $0x8FFFFFFF  }
0x9d: {  	s19 =	sld [smem:$0x3FDB];
	_ =	sdelay $0x1  }
0x9e: {  	s9 =	simm.s32 $_scs_section_size  }
0x9f: {  	s10 =	simm.s32 $_size__tile_overlayer_lowered;
	s11 =	simm.s32 $_tile_overlayer_lowered  }
0xa0: {  	s22 =	simm.s32 $0x1BFF;
	s21 =	sshll.u32 s11, $0x1;
	s8 =	sadd.s32 s9, s19  }
0xa1: {  	s12 =	simm.s32 $0x0;
	s20 =	sshll.u32 s10, $0x1;
	s10 =	sadd.s32 s21, s8  }
0xa2: {  	[timem:s12], [sflag:s22] =	dma.local [hbm:s10], s20  }
0xa3: {  	_ =	swait.ge [sflag:s22], s20  }
0xa4: {  	s9 =	ssub.s32 $0x0, s20;
	[sflag:s22] =	ssyncset.done $0x0  }
0xa5: {  	[sflag:s22] =	ssyncadd.s32 s9;
	_ =	sdelay $0x1  }
0xa6: {  	s23 =	simm.s32 $0x1B8B  }
0xa7: {  	_ =	swait.ge [sflag:s23], $0x1  }
0xa8: {  	[sflag:s23] =	ssyncset.done $0x0  }
0xa9: {  	s25 =	simm.s32 $0x1B8E;
	s24 =	sld [smem:$0x3FFE];
	[sflag:s23] =	ssyncadd.s32 $0xFFFFFFFF  }
0xaa: {  	s26 =	simm.s32 $execute0_lowered;
	[smem:$0x3FD2] =	sst s25  }
0xab: {  	s10 =	sshll.u32 s26, $0x1;
	_ =	strace $0x80000046;
	[dreg:$0x1] =	wrdreg $0xFFFFFFFF  }
0xac: {  	s28 =	simm.s32 $_size_execute0_lowered;
	s8 =	sadd.s32 s8, s10;
	[dreg:$0x0] =	wrdreg $0x0  }
0xad: {  	s10 =	sshll.u32 s28, $0x1;
	[dreg:$0x2] =	wrdreg s8  }
0xae: {  	[dreg:$0x3] =	wrdreg s10  }
0xaf: {  	[dreg:$0x4] =	wrdreg $0xC0  }
0xb0: {  	_ =	task [dreg:s12], $0x5FFFF  }
0xb1: {  	[dreg:$0x1] =	wrdreg $0xFFFFFFFF  }
0xb2: {  	[dreg:$0x0] =	wrdreg $0x60  }
0xb3: {  	[dreg:$0x2] =	wrdreg s2  }
0xb4: {  	[dreg:$0x3] =	wrdreg s18  }
0xb5: {  	[dreg:$0x4] =	wrdreg s4  }
0xb6: {  	[dreg:$0x5] =	wrdreg s5  }
0xb7: {  	[dreg:$0x6] =	wrdreg s6  }
0xb8: {  	[dreg:$0x7] =	wrdreg s7  }
0xb9: {  	[dreg:$0x8] =	wrdreg s24  }
0xba: {  	[dreg:$0x9] =	wrdreg $0x9  }
0xbb: {  	_ =	task.clear_ibuf [dreg:s12], $0xAFFFF;
	_ =	strace $0x90000046  }
0xbc: {  	s29 =	simm.s32 $0x9;
	_ =	strace $0x80000048  }
0xbd: {  	_ =	swait.ge [sflag:s29], $0x1  }
0xbe: {  	[sflag:s29] =	ssyncadd.s32 $0xFFFFFFFF  }
0xbf: {  	_ =	strace $0x90000048  }
0xc0: {  	_ =	sfence  }
0xc1: {  	s30 =	sld [smem:$0x0];
	_ =	sdelay $0x2  }
0xc2: {  	s31 =	sshll.u32 s1, $0xD;
	s1 =	sshrl.u32 s1, $0x2  }
0xc3: {  	s3 =	sand.u32 $0x4000, s31;
	s1 =	sadd.s32 s1, s30  }
0xc4: {  	s0 =	sor.u32 s3, s0;
	s1 =	sshll.u32 s1, $0x11  }
0xc5: {  	s0 =	sor.u32 s1, s0  }
0xc6: {  	s0 =	sadd.s32 $0x8F2B, s0  }
0xc7: {  	[sflag:s0] =	ssyncadd.remote.s32 $0x1  }
0xc8: {  	_ =	sfence.sel $0xFFFF  }
0xc9: {  	[dreg:$0x0] =	wrdreg $0xFFFFFFFF;
	(pc) =	sbr.abs _section_cstart, $3  }
0xca: {  	[dreg:$0x1] =	wrdreg $0xFFFFFFFF  }
0xcb: {  	_ =	task.clear_ibuf [dreg:s12], $0x2FFFF;
	_ =	strace $0x9FFFFFFF  }
0xcc: {  	(tm) =	ssettm $0x7FFFFFFF  }
0xcd: {  	_ =	shalt  }
tec
execute0_lowered:
.L_overlay_start_1:
0x0: {  	(tag) =	ssettag $0x1  }
0x1: {  	s0 =	rddreg [dreg:$0x0]  }
0x2: {  	s1 =	rddreg [dreg:$0x1]  }
0x3: {  	s5 =	rddreg [dreg:$0x2]  }
0x4: {  	s7 =	rddreg [dreg:$0x3]  }
0x5: {  	s4 =	rddreg [dreg:$0x4]  }
0x6: {  	s3 =	rddreg [dreg:$0x5]  }
0x7: {  	s6 =	rddreg [dreg:$0x6];
	s2 =	srdreg.scid  }
0x8: {  	s20 =	rddreg [dreg:$0x7];
	s9 =	stileid.u32  }
0x9: {  	s28 =	simm.s32 $0xC800;
	p0 =	por $0x0, $0x0;
	s29 =	simm.s32 $0x4  }
0xa: {  	s8 =	sand.u32 $0x1, s2;
	s2 =	simm.s32 $0x0;
	s9 =	sshll.u32 s9, $0x8  }
0xb: {  	s30 =	sadd.s32 $0x2400, s6;
	s16 =	sadd.s32 $0x32400, s6;
	s10 =	sshll.u32 s8, $0x7  }
0xc: {  	s21 =	sadd.s32 $0x62400, s6;
	[smem:$0x7FF] =	sst s2;
	s9 =	sor.u32 s10, s9  }
0xd: {  	s6 =	simm.s32 $0x8;
	_ =	strace $0x80000047;
	s10 =	sshrl.u32 s9, $0x3  }
0xe: {  	s11 =	sor.u32 $0x1000, s9;
	s14 =	sor.u32 $0x2000, s9;
	s12 =	sadd.s32 s0, s10  }
0xf: {  	s9 =	sshll.u32 s9, $0x4;
	s23 =	sadd.s32 s1, s10;
	[dreg:$0x8] =	wrdreg s12  }
0x10: {  	s13 =	sshrl.u32 s11, $0x3;
	s26 =	sadd.s32 s5, s10;
	[dreg:$0xb] =	wrdreg s23  }
0x11: {  	s15 =	sshrl.u32 s14, $0x3;
	s10 =	sadd.s32 s30, s9;
	[dreg:$0xe] =	wrdreg s26  }
0x12: {  	s18 =	sadd.s32 s16, s9;
	s22 =	sadd.s32 s0, s13;
	[dreg:$0x11] =	wrdreg s10  }
0x13: {  	s0 =	sadd.s32 s0, s15;
	s24 =	sadd.s32 s1, s13;
	[dreg:$0x14] =	wrdreg s18  }
0x14: {  	s25 =	sadd.s32 s1, s15;
	s31 =	sadd.s32 s5, s13;
	[dreg:$0x9] =	wrdreg s22  }
0x15: {  	s5 =	sadd.s32 s5, s15;
	s12 =	sshll.u32 s11, $0x4;
	[dreg:$0xa] =	wrdreg s0  }
0x16: {  	s15 =	sshll.u32 s14, $0x4;
	s23 =	ssub.s32 $0x2, s8;
	[dreg:$0xc] =	wrdreg s24  }
0x17: {  	s8 =	simm.s32 $0x7;
	s11 =	simm.s32 $0xA;
	[dreg:$0xd] =	wrdreg s25  }
0x18: {  	s10 =	simm.s32 $0xB;
	s14 =	simm.s32 $0x800;
	[dreg:$0xf] =	wrdreg s31  }
0x19: {  	[dreg:$0x10] =	wrdreg s5;
	s13 =	sadd.s32 s30, s12;
	s17 =	sadd.s32 s30, s15  }
0x1a: {  	s19 =	sadd.s32 s16, s12;
	s22 =	sadd.s32 s16, s15;
	s18 =	rddreg [dreg:$0x8]  }
0x1b: {  	s24 =	sadd.s32 s21, s9;
	s25 =	sshrl.u32 s23, $0x1;
	[dreg:$0x12] =	wrdreg s13  }
0x1c: {  	s26 =	sadd.s32 s21, s12;
	[dreg:$0x13] =	wrdreg s17;
	s5 =	ssub.s32 s23, s25  }
0x1d: {  	s30 =	sadd.s32 s21, s15;
	[dreg:$0x15] =	wrdreg s19;
	s31 =	smax.u32 s5, $0x1  }
0x1e: {  	s15 =	simm.s32 $0x80;
	[dreg:$0x16] =	wrdreg s22;
	p1 =	sne.s32 s31, $0x1  }
.Ltmp0:
0x1f: {  	s9 =	simm.s32 $0xC;
	[dreg:$0x17] =	wrdreg s24;
	(pc) =	sbr.rel @!p1 .LBB2_5-.Ltmp0, $4  }
0x20: {  	s12 =	simm.s32 $0x8800;
	s16 =	simm.s32 $0x3;
	[dreg:$0x18] =	wrdreg s26  }
0x21: {  	[dreg:$0x19] =	wrdreg s30;
	s13 =	simm.s32 $0x4800;
	s19 =	simm.s32 $0x1  }
0x22: {  	s24 =	simm.s32 $0x14800;
	s17 =	simm.s32 $0x2;
	s26 =	simm.s32 $0x5  }
0x23: {  	s23 =	simm.s32 $0x6;
	s5 =	simm.s32 $0x9;
	s0 =	sadd.s32 $0xFFFFFFFF, s31  }
0x24: {  	[tilespmem:s2], [sflag:$0x7] =	stream.linear.gather [hbm4b:s18+s2], $0x80, $0x38;
	[tilespmem:$0x18800] =	vst v63  }
0x25: {  	s1 =	rddreg [dreg:$0x9]  }
0x26: {  	[tilespmem:s15], [sflag:$0x8] =	stream.linear.gather [hbm4b:s1+s2], $0x80, $0x38;
	[tilespmem:$0x18800] =	vst v63  }
0x27: {  	s25 =	rddreg [dreg:$0xa];
	s20 =	simm.s32 $0x100  }
0x28: {  	[tilespmem:s20], [sflag:$0x9] =	stream.linear.gather [hbm4b:s25+s2], $0x80, $0x38;
	[tilespmem:$0x18800] =	vst v63  }
0x29: {  	s30 =	rddreg [dreg:$0xb];
	s21 =	simm.s32 $0x180  }
0x2a: {  	[tilespmem:s21], [sflag:$0xA] =	stream.linear.gather [hbm4b:s30+s2], $0x80, $0x38;
	[tilespmem:$0x18800] =	vst v63  }
0x2b: {  	s31 =	rddreg [dreg:$0xc];
	s22 =	simm.s32 $0x200  }
0x2c: {  	[tilespmem:s22], [sflag:$0xB] =	stream.linear.gather [hbm4b:s31+s2], $0x80, $0x38;
	[tilespmem:$0x18800] =	vst v63  }
0x2d: {  	s25 =	rddreg [dreg:$0xd];
	s30 =	simm.s32 $0x280  }
0x2e: {  	[tilespmem:s30], [sflag:$0xC] =	stream.linear.gather [hbm4b:s25+s2], $0x80, $0x38;
	[tilespmem:$0x18800] =	vst v63  }
0x2f: {  	s31 =	rddreg [dreg:$0xe];
	s25 =	simm.s32 $0x300  }
0x30: {  	[tilespmem:s25], [sflag:$0x7] =	stream.linear.gather [hbm4b:s31+s2], $0x80, $0x38;
	[tilespmem:$0x18800] =	vst v63  }
0x31: {  	s1 =	rddreg [dreg:$0xf];
	s31 =	simm.s32 $0x380  }
0x32: {  	[tilespmem:s31], [sflag:$0x8] =	stream.linear.gather [hbm4b:s1+s2], $0x80, $0x38;
	[tilespmem:$0x18800] =	vst v63  }
0x33: {  	s18 =	rddreg [dreg:$0x10];
	s1 =	simm.s32 $0x400  }
0x34: {  	[tilespmem:s1], [sflag:$0x9] =	stream.linear.gather [hbm4b:s18+s2], $0x80, $0x38;
	[tilespmem:$0x18800] =	vst v63  }
0x35: {  	_ =	swait.ge [sflag:s8], $0x80  }
0x36: {  	[sflag:s8] =	ssyncset.done $0x0  }
0x37: {  	[sflag:s8] =	ssyncadd.s32 $0xFFFFFF80  }
0x38: {  	_ =	swait.ge [sflag:s6], $0x80  }
0x39: {  	[sflag:s6] =	ssyncset.done $0x0  }
0x3a: {  	[sflag:s6] =	ssyncadd.s32 $0xFFFFFF80  }
0x3b: {  	_ =	swait.ge [sflag:s5], $0x80  }
0x3c: {  	[sflag:s5] =	ssyncset.done $0x0  }
0x3d: {  	[sflag:s5] =	ssyncadd.s32 $0xFFFFFF80  }
0x3e: {  	_ =	swait.ge [sflag:s11], $0x80  }
0x3f: {  	[sflag:s11] =	ssyncset.done $0x0  }
0x40: {  	[sflag:s11] =	ssyncadd.s32 $0xFFFFFF80  }
0x41: {  	_ =	swait.ge [sflag:s10], $0x80  }
0x42: {  	[sflag:s10] =	ssyncset.done $0x0  }
0x43: {  	[sflag:s10] =	ssyncadd.s32 $0xFFFFFF80  }
0x44: {  	_ =	swait.ge [sflag:s9], $0x80  }
0x45: {  	[sflag:s9] =	ssyncset.done $0x0  }
0x46: {  	[sflag:s9] =	ssyncadd.s32 $0xFFFFFF80  }
0x47: {  	_ =	swait.ge [sflag:s8], $0x80  }
0x48: {  	[sflag:s8] =	ssyncset.done $0x0  }
0x49: {  	[sflag:s8] =	ssyncadd.s32 $0xFFFFFF80  }
0x4a: {  	_ =	swait.ge [sflag:s6], $0x80  }
0x4b: {  	[sflag:s6] =	ssyncset.done $0x0  }
0x4c: {  	[sflag:s6] =	ssyncadd.s32 $0xFFFFFF80  }
0x4d: {  	_ =	swait.ge [sflag:s5], $0x80  }
0x4e: {  	[sflag:s5] =	ssyncset.done $0x0  }
0x4f: {  	[sflag:s5] =	ssyncadd.s32 $0xFFFFFF80  }
0x50: {  	[tilespmem:s14], [sflag:$0x1] =	stream.indirect.gather [hbm4b:s7+s15], $0x80, s2, s15, $0xb8;
	[tilespmem:$0x18800] =	vst v63  }
0x51: {  	_ = 	snop  }
0x52: {  	[tilespmem:s13], [sflag:$0x2] =	stream.indirect.gather [hbm4b:s7+s15], $0x80, s15, s15, $0xb8;
	[tilespmem:$0x18800] =	vst v63  }
0x53: {  	_ = 	snop  }
0x54: {  	[tilespmem:s12], [sflag:$0x3] =	stream.indirect.gather [hbm4b:s7+s15], $0x80, s20, s15, $0xb8;
	[tilespmem:$0x18800] =	vst v63  }
0x55: {  	_ = 	snop  }
0x56: {  	[tilespmem:s28], [sflag:$0x4] =	stream.indirect.gather [hbm4b:s4+s15], $0x80, s21, s15, $0xb8;
	[tilespmem:$0x18800] =	vst v63  }
0x57: {  	s18 =	simm.s32 $0x10800  }
0x58: {  	[tilespmem:s18], [sflag:$0x5] =	stream.indirect.gather [hbm4b:s4+s15], $0x80, s22, s15, $0xb8;
	[tilespmem:$0x18800] =	vst v63  }
0x59: {  	_ =	swait.ge [sflag:s19], $0x4000  }
0x5a: {  	[sflag:s19] =	ssyncset.done $0x0  }
0x5b: {  	s21 =	rddreg [dreg:$0x11];
	[sflag:s19] =	ssyncadd.s32 $0xFFFFC000  }
0x5c: {  	[hbm4b:s21+s2] =	stream.linear.scatter [tilespmem:s14], [sflag:$0x7], $0x4000, $0x38;
	[tilespmem:$0x18800] =	vst v63  }
0x5d: {  	_ = 	snop  }
0x5e: {  	[tilespmem:s24], [sflag:$0x6] =	stream.indirect.gather [hbm4b:s4+s15], $0x80, s30, s15, $0xb8;
	[tilespmem:$0x18800] =	vst v63  }
0x5f: {  	_ =	swait.ge [sflag:s17], $0x4000  }
0x60: {  	[sflag:s17] =	ssyncset.done $0x0  }
0x61: {  	s22 =	rddreg [dreg:$0x12];
	[sflag:s17] =	ssyncadd.s32 $0xFFFFC000  }
0x62: {  	[hbm4b:s22+s2] =	stream.linear.scatter [tilespmem:s13], [sflag:$0x8], $0x4000, $0x38;
	[tilespmem:$0x18800] =	vst v63  }
0x63: {  	_ =	swait.ge [sflag:s8], $0x4000  }
0x64: {  	[sflag:s8] =	ssyncset.done $0x0  }
0x65: {  	[sflag:s8] =	ssyncadd.s32 $0xFFFFC000  }
0x66: {  	[tilespmem:s14], [sflag:$0x1] =	stream.indirect.gather [hbm4b:s3+s15], $0x80, s25, s15, $0xb8;
	[tilespmem:$0x18800] =	vst v63  }
0x67: {  	_ =	swait.ge [sflag:s16], $0x4000  }
0x68: {  	[sflag:s16] =	ssyncset.done $0x0  }
0x69: {  	s30 =	rddreg [dreg:$0x13];
	[sflag:s16] =	ssyncadd.s32 $0xFFFFC000  }
0x6a: {  	[hbm4b:s30+s2] =	stream.linear.scatter [tilespmem:s12], [sflag:$0x9], $0x4000, $0x38;
	[tilespmem:$0x18800] =	vst v63  }
0x6b: {  	_ =	swait.ge [sflag:s6], $0x4000  }
0x6c: {  	[sflag:s6] =	ssyncset.done $0x0  }
0x6d: {  	[sflag:s6] =	ssyncadd.s32 $0xFFFFC000  }
0x6e: {  	[tilespmem:s13], [sflag:$0x2] =	stream.indirect.gather [hbm4b:s3+s15], $0x80, s31, s15, $0xb8;
	[tilespmem:$0x18800] =	vst v63  }
0x6f: {  	_ =	swait.ge [sflag:s29], $0x4000  }
0x70: {  	[sflag:s29] =	ssyncset.done $0x0  }
0x71: {  	s31 =	rddreg [dreg:$0x14];
	[sflag:s29] =	ssyncadd.s32 $0xFFFFC000  }
0x72: {  	[hbm4b:s31+s2] =	stream.linear.scatter [tilespmem:s28], [sflag:$0xA], $0x4000, $0x38;
	[tilespmem:$0x18800] =	vst v63  }
0x73: {  	_ =	swait.ge [sflag:s5], $0x4000  }
0x74: {  	[sflag:s5] =	ssyncset.done $0x0  }
0x75: {  	s20 =	simm.s32 $0x400;
	[sflag:s5] =	ssyncadd.s32 $0xFFFFC000  }
0x76: {  	[tilespmem:s12], [sflag:$0x3] =	stream.indirect.gather [hbm4b:s3+s15], $0x80, s20, s15, $0xb8;
	[tilespmem:$0x18800] =	vst v63  }
0x77: {  	_ =	swait.ge [sflag:s26], $0x4000  }
0x78: {  	[sflag:s26] =	ssyncset.done $0x0  }
0x79: {  	s21 =	rddreg [dreg:$0x15];
	[sflag:s26] =	ssyncadd.s32 $0xFFFFC000  }
0x7a: {  	[hbm4b:s21+s2] =	stream.linear.scatter [tilespmem:s18], [sflag:$0xB], $0x4000, $0x38;
	[tilespmem:$0x18800] =	vst v63  }
0x7b: {  	_ =	swait.ge [sflag:s23], $0x4000  }
0x7c: {  	[sflag:s23] =	ssyncset.done $0x0  }
0x7d: {  	s22 =	rddreg [dreg:$0x16];
	[sflag:s23] =	ssyncadd.s32 $0xFFFFC000  }
0x7e: {  	[hbm4b:s22+s2] =	stream.linear.scatter [tilespmem:s24], [sflag:$0xC], $0x4000, $0x38;
	[tilespmem:$0x18800] =	vst v63  }
0x7f: {  	_ =	swait.ge [sflag:s19], $0x4000  }
0x80: {  	[sflag:s19] =	ssyncset.done $0x0  }
0x81: {  	s25 =	rddreg [dreg:$0x17];
	[sflag:s19] =	ssyncadd.s32 $0xFFFFC000  }
0x82: {  	[hbm4b:s25+s2] =	stream.linear.scatter [tilespmem:s14], [sflag:$0x7], $0x4000, $0x38;
	[tilespmem:$0x18800] =	vst v63  }
0x83: {  	_ =	swait.ge [sflag:s17], $0x4000  }
0x84: {  	[sflag:s17] =	ssyncset.done $0x0  }
0x85: {  	s30 =	rddreg [dreg:$0x18];
	[sflag:s17] =	ssyncadd.s32 $0xFFFFC000  }
0x86: {  	[hbm4b:s30+s2] =	stream.linear.scatter [tilespmem:s13], [sflag:$0x8], $0x4000, $0x38;
	[tilespmem:$0x18800] =	vst v63  }
0x87: {  	_ =	swait.ge [sflag:s16], $0x4000  }
0x88: {  	[sflag:s16] =	ssyncset.done $0x0  }
0x89: {  	s31 =	rddreg [dreg:$0x19];
	[sflag:s16] =	ssyncadd.s32 $0xFFFFC000  }
0x8a: {  	[hbm4b:s31+s2] =	stream.linear.scatter [tilespmem:s12], [sflag:$0x9], $0x4000, $0x38;
	[tilespmem:$0x18800] =	vst v63  }
0x8b: {  	_ =	swait.ge [sflag:s11], $0x4000  }
0x8c: {  	[sflag:s11] =	ssyncset.done $0x0  }
0x8d: {  	[sflag:s11] =	ssyncadd.s32 $0xFFFFC000  }
0x8e: {  	_ =	swait.ge [sflag:s10], $0x4000  }
0x8f: {  	[sflag:s10] =	ssyncset.done $0x0  }
0x90: {  	[sflag:s10] =	ssyncadd.s32 $0xFFFFC000  }
0x91: {  	_ =	swait.ge [sflag:s9], $0x4000  }
0x92: {  	[sflag:s9] =	ssyncset.done $0x0  }
0x93: {  	[sflag:s9] =	ssyncadd.s32 $0xFFFFC000  }
0x94: {  	_ =	swait.ge [sflag:s8], $0x4000  }
0x95: {  	[sflag:s8] =	ssyncset.done $0x0  }
0x96: {  	p1 =	sne.s32 s0, $0x1;
	[sflag:s8] =	ssyncadd.s32 $0xFFFFC000  }
.Ltmp1:
0x97: {  	_ =	swait.ge [sflag:s6], $0x4000;
	(pc) =	sbr.rel @!p1 .LBB2_6-.Ltmp1, $4  }
0x98: {  	[sflag:s6] =	ssyncset.done $0x0  }
0x99: {  	[sflag:s6] =	ssyncadd.s32 $0xFFFFC000  }
0x9a: {  	p0 =	por $0x1, $0x1;
	_ =	swait.ge [sflag:s5], $0x4000  }
0x9b: {  	s1 =	sadd.s32 $0xFFFFFFFF, s0;
	s18 =	rddreg [dreg:$0x8];
	[sflag:s5] =	ssyncset.done $0x0  }
0x9c: {  	s25 =	simm.s32 $0x100;
	s22 =	simm.s32 $0x200  }
0x9d: {  	s31 =	simm.s32 $0x280;
	s30 =	simm.s32 $0x300;
	s0 =	simm.s32 $0x380  }
.LBB2_3:
0x9e: {  	[sflag:s5] =	ssyncadd.s32 $0xFFFFC000  }
0x9f: {  	[tilespmem:s2], [sflag:$0x7] =	stream.linear.gather [hbm4b:s18+s2], $0x80, $0x38;
	[tilespmem:$0x18800] =	vst v63  }
0xa0: {  	s20 =	rddreg [dreg:$0x9]  }
0xa1: {  	[tilespmem:s15], [sflag:$0x8] =	stream.linear.gather [hbm4b:s20+s2], $0x80, $0x38;
	[tilespmem:$0x18800] =	vst v63  }
0xa2: {  	s21 =	rddreg [dreg:$0xa]  }
0xa3: {  	[tilespmem:s25], [sflag:$0x9] =	stream.linear.gather [hbm4b:s21+s2], $0x80, $0x38;
	[tilespmem:$0x18800] =	vst v63  }
0xa4: {  	s20 =	rddreg [dreg:$0xb];
	s21 =	simm.s32 $0x180  }
0xa5: {  	[tilespmem:s21], [sflag:$0xA] =	stream.linear.gather [hbm4b:s20+s2], $0x80, $0x38;
	[tilespmem:$0x18800] =	vst v63  }
0xa6: {  	s18 =	rddreg [dreg:$0xc]  }
0xa7: {  	[tilespmem:s22], [sflag:$0xB] =	stream.linear.gather [hbm4b:s18+s2], $0x80, $0x38;
	[tilespmem:$0x18800] =	vst v63  }
0xa8: {  	s20 =	rddreg [dreg:$0xd]  }
0xa9: {  	[tilespmem:s31], [sflag:$0xC] =	stream.linear.gather [hbm4b:s20+s2], $0x80, $0x38;
	[tilespmem:$0x18800] =	vst v63  }
0xaa: {  	s18 =	rddreg [dreg:$0xe]  }
0xab: {  	[tilespmem:s30], [sflag:$0x7] =	stream.linear.gather [hbm4b:s18+s2], $0x80, $0x38;
	[tilespmem:$0x18800] =	vst v63  }
0xac: {  	s20 =	rddreg [dreg:$0xf]  }
0xad: {  	[tilespmem:s0], [sflag:$0x8] =	stream.linear.gather [hbm4b:s20+s2], $0x80, $0x38;
	[tilespmem:$0x18800] =	vst v63  }
0xae: {  	s18 =	rddreg [dreg:$0x10];
	s20 =	simm.s32 $0x400  }
0xaf: {  	[tilespmem:s20], [sflag:$0x9] =	stream.linear.gather [hbm4b:s18+s2], $0x80, $0x38;
	[tilespmem:$0x18800] =	vst v63  }
0xb0: {  	_ =	swait.ge [sflag:s8], $0x80  }
0xb1: {  	[sflag:s8] =	ssyncset.done $0x0  }
0xb2: {  	[sflag:s8] =	ssyncadd.s32 $0xFFFFFF80  }
0xb3: {  	_ =	swait.ge [sflag:s6], $0x80  }
0xb4: {  	[sflag:s6] =	ssyncset.done $0x0  }
0xb5: {  	[sflag:s6] =	ssyncadd.s32 $0xFFFFFF80  }
0xb6: {  	_ =	swait.ge [sflag:s5], $0x80  }
0xb7: {  	[sflag:s5] =	ssyncset.done $0x0  }
0xb8: {  	[sflag:s5] =	ssyncadd.s32 $0xFFFFFF80  }
0xb9: {  	_ =	swait.ge [sflag:s11], $0x80  }
0xba: {  	[sflag:s11] =	ssyncset.done $0x0  }
0xbb: {  	[sflag:s11] =	ssyncadd.s32 $0xFFFFFF80  }
0xbc: {  	_ =	swait.ge [sflag:s10], $0x80  }
0xbd: {  	[sflag:s10] =	ssyncset.done $0x0  }
0xbe: {  	[sflag:s10] =	ssyncadd.s32 $0xFFFFFF80  }
0xbf: {  	_ =	swait.ge [sflag:s9], $0x80  }
0xc0: {  	[sflag:s9] =	ssyncset.done $0x0  }
0xc1: {  	[sflag:s9] =	ssyncadd.s32 $0xFFFFFF80  }
0xc2: {  	_ =	swait.ge [sflag:s8], $0x80  }
0xc3: {  	[sflag:s8] =	ssyncset.done $0x0  }
0xc4: {  	[sflag:s8] =	ssyncadd.s32 $0xFFFFFF80  }
0xc5: {  	_ =	swait.ge [sflag:s6], $0x80  }
0xc6: {  	[sflag:s6] =	ssyncset.done $0x0  }
0xc7: {  	[sflag:s6] =	ssyncadd.s32 $0xFFFFFF80  }
0xc8: {  	_ =	swait.ge [sflag:s5], $0x80  }
0xc9: {  	[sflag:s5] =	ssyncset.done $0x0  }
0xca: {  	[sflag:s5] =	ssyncadd.s32 $0xFFFFFF80  }
0xcb: {  	[tilespmem:s14], [sflag:$0x1] =	stream.indirect.gather [hbm4b:s7+s15], $0x80, s2, s15, $0xb8;
	[tilespmem:$0x18800] =	vst v63  }
0xcc: {  	_ = 	snop  }
0xcd: {  	[tilespmem:s13], [sflag:$0x2] =	stream.indirect.gather [hbm4b:s7+s15], $0x80, s15, s15, $0xb8;
	[tilespmem:$0x18800] =	vst v63  }
0xce: {  	_ = 	snop  }
0xcf: {  	[tilespmem:s12], [sflag:$0x3] =	stream.indirect.gather [hbm4b:s7+s15], $0x80, s25, s15, $0xb8;
	[tilespmem:$0x18800] =	vst v63  }
0xd0: {  	_ = 	snop  }
0xd1: {  	[tilespmem:s28], [sflag:$0x4] =	stream.indirect.gather [hbm4b:s4+s15], $0x80, s21, s15, $0xb8;
	[tilespmem:$0x18800] =	vst v63  }
0xd2: {  	s21 =	simm.s32 $0x10800  }
0xd3: {  	[tilespmem:s21], [sflag:$0x5] =	stream.indirect.gather [hbm4b:s4+s15], $0x80, s22, s15, $0xb8;
	[tilespmem:$0x18800] =	vst v63  }
0xd4: {  	_ =	swait.ge [sflag:s19], $0x4000  }
0xd5: {  	[sflag:s19] =	ssyncset.done $0x0  }
0xd6: {  	s18 =	rddreg [dreg:$0x11];
	[sflag:s19] =	ssyncadd.s32 $0xFFFFC000  }
0xd7: {  	[hbm4b:s18+s2] =	stream.linear.scatter [tilespmem:s14], [sflag:$0x7], $0x4000, $0x38;
	[tilespmem:$0x18800] =	vst v63  }
0xd8: {  	_ = 	snop  }
0xd9: {  	[tilespmem:s24], [sflag:$0x6] =	stream.indirect.gather [hbm4b:s4+s15], $0x80, s31, s15, $0xb8;
	[tilespmem:$0x18800] =	vst v63  }
0xda: {  	_ =	swait.ge [sflag:s17], $0x4000  }
0xdb: {  	[sflag:s17] =	ssyncset.done $0x0  }
0xdc: {  	s18 =	rddreg [dreg:$0x12];
	[sflag:s17] =	ssyncadd.s32 $0xFFFFC000  }
0xdd: {  	[hbm4b:s18+s2] =	stream.linear.scatter [tilespmem:s13], [sflag:$0x8], $0x4000, $0x38;
	[tilespmem:$0x18800] =	vst v63  }
0xde: {  	_ =	swait.ge [sflag:s8], $0x4000  }
0xdf: {  	[sflag:s8] =	ssyncset.done $0x0  }
0xe0: {  	[sflag:s8] =	ssyncadd.s32 $0xFFFFC000  }
0xe1: {  	[tilespmem:s14], [sflag:$0x1] =	stream.indirect.gather [hbm4b:s3+s15], $0x80, s30, s15, $0xb8;
	[tilespmem:$0x18800] =	vst v63  }
0xe2: {  	_ =	swait.ge [sflag:s16], $0x4000  }
0xe3: {  	[sflag:s16] =	ssyncset.done $0x0  }
0xe4: {  	s18 =	rddreg [dreg:$0x13];
	[sflag:s16] =	ssyncadd.s32 $0xFFFFC000  }
0xe5: {  	[hbm4b:s18+s2] =	stream.linear.scatter [tilespmem:s12], [sflag:$0x9], $0x4000, $0x38;
	[tilespmem:$0x18800] =	vst v63  }
0xe6: {  	_ =	swait.ge [sflag:s6], $0x4000  }
0xe7: {  	[sflag:s6] =	ssyncset.done $0x0  }
0xe8: {  	[sflag:s6] =	ssyncadd.s32 $0xFFFFC000  }
0xe9: {  	[tilespmem:s13], [sflag:$0x2] =	stream.indirect.gather [hbm4b:s3+s15], $0x80, s0, s15, $0xb8;
	[tilespmem:$0x18800] =	vst v63  }
0xea: {  	_ =	swait.ge [sflag:s29], $0x4000  }
0xeb: {  	[sflag:s29] =	ssyncset.done $0x0  }
0xec: {  	s18 =	rddreg [dreg:$0x14];
	[sflag:s29] =	ssyncadd.s32 $0xFFFFC000  }
0xed: {  	[hbm4b:s18+s2] =	stream.linear.scatter [tilespmem:s28], [sflag:$0xA], $0x4000, $0x38;
	[tilespmem:$0x18800] =	vst v63  }
0xee: {  	_ =	swait.ge [sflag:s5], $0x4000  }
0xef: {  	[sflag:s5] =	ssyncset.done $0x0  }
0xf0: {  	[sflag:s5] =	ssyncadd.s32 $0xFFFFC000  }
0xf1: {  	[tilespmem:s12], [sflag:$0x3] =	stream.indirect.gather [hbm4b:s3+s15], $0x80, s20, s15, $0xb8;
	[tilespmem:$0x18800] =	vst v63  }
0xf2: {  	_ =	swait.ge [sflag:s26], $0x4000  }
0xf3: {  	[sflag:s26] =	ssyncset.done $0x0  }
0xf4: {  	s20 =	rddreg [dreg:$0x15];
	[sflag:s26] =	ssyncadd.s32 $0xFFFFC000  }
0xf5: {  	[hbm4b:s20+s2] =	stream.linear.scatter [tilespmem:s21], [sflag:$0xB], $0x4000, $0x38;
	[tilespmem:$0x18800] =	vst v63  }
0xf6: {  	_ =	swait.ge [sflag:s23], $0x4000  }
0xf7: {  	[sflag:s23] =	ssyncset.done $0x0  }
0xf8: {  	s20 =	rddreg [dreg:$0x16];
	[sflag:s23] =	ssyncadd.s32 $0xFFFFC000  }
0xf9: {  	[hbm4b:s20+s2] =	stream.linear.scatter [tilespmem:s24], [sflag:$0xC], $0x4000, $0x38;
	[tilespmem:$0x18800] =	vst v63  }
0xfa: {  	_ =	swait.ge [sflag:s19], $0x4000  }
0xfb: {  	[sflag:s19] =	ssyncset.done $0x0  }
0xfc: {  	s21 =	rddreg [dreg:$0x17];
	[sflag:s19] =	ssyncadd.s32 $0xFFFFC000  }
0xfd: {  	[hbm4b:s21+s2] =	stream.linear.scatter [tilespmem:s14], [sflag:$0x7], $0x4000, $0x38;
	[tilespmem:$0x18800] =	vst v63  }
0xfe: {  	_ =	swait.ge [sflag:s17], $0x4000  }
0xff: {  	[sflag:s17] =	ssyncset.done $0x0  }
0x100: {  	s20 =	rddreg [dreg:$0x18];
	[sflag:s17] =	ssyncadd.s32 $0xFFFFC000  }
0x101: {  	[hbm4b:s20+s2] =	stream.linear.scatter [tilespmem:s13], [sflag:$0x8], $0x4000, $0x38;
	[tilespmem:$0x18800] =	vst v63  }
0x102: {  	_ =	swait.ge [sflag:s16], $0x4000  }
0x103: {  	[sflag:s16] =	ssyncset.done $0x0  }
0x104: {  	s21 =	rddreg [dreg:$0x19];
	[sflag:s16] =	ssyncadd.s32 $0xFFFFC000  }
0x105: {  	[hbm4b:s21+s2] =	stream.linear.scatter [tilespmem:s12], [sflag:$0x9], $0x4000, $0x38;
	[tilespmem:$0x18800] =	vst v63  }
0x106: {  	_ =	swait.ge [sflag:s11], $0x4000  }
0x107: {  	[sflag:s11] =	ssyncset.done $0x0  }
0x108: {  	[sflag:s11] =	ssyncadd.s32 $0xFFFFC000  }
0x109: {  	_ =	swait.ge [sflag:s10], $0x4000  }
0x10a: {  	[sflag:s10] =	ssyncset.done $0x0  }
0x10b: {  	[sflag:s10] =	ssyncadd.s32 $0xFFFFC000  }
0x10c: {  	_ =	swait.ge [sflag:s9], $0x4000  }
0x10d: {  	[sflag:s9] =	ssyncset.done $0x0  }
0x10e: {  	[sflag:s9] =	ssyncadd.s32 $0xFFFFC000  }
0x10f: {  	_ =	swait.ge [sflag:s8], $0x4000  }
0x110: {  	[sflag:s8] =	ssyncset.done $0x0  }
0x111: {  	p1 =	sne.s32 s1, $0x1;
	[sflag:s8] =	ssyncadd.s32 $0xFFFFC000  }
.Ltmp2:
0x112: {  	_ =	swait.ge [sflag:s6], $0x4000;
	(pc) =	sbr.rel @p1 .LBB2_3-.Ltmp2, $4  }
0x113: {  	[sflag:s6] =	ssyncset.done $0x0  }
0x114: {  	[sflag:s6] =	ssyncadd.s32 $0xFFFFC000  }
0x115: {  	_ =	swait.ge [sflag:s5], $0x4000  }
0x116: {  	s1 =	sadd.s32 $0xFFFFFFFF, s1;
	s18 =	rddreg [dreg:$0x8];
	[sflag:s5] =	ssyncset.done $0x0  }
0x117: {  	s20 =	rddreg [dreg:$0x7]  }
.LBB2_5:
0x118: {  	[sflag:s5] =	ssyncadd.s32 @p0 $0xFFFFC000  }
0x119: {  	[tilespmem:s2], [sflag:$0x7] =	stream.linear.gather [hbm4b:s18+s2], $0x80, $0x38;
	[tilespmem:$0x18800] =	vst v63  }
0x11a: {  	s1 =	rddreg [dreg:$0x9]  }
0x11b: {  	[tilespmem:s15], [sflag:$0x8] =	stream.linear.gather [hbm4b:s1+s2], $0x80, $0x38;
	[tilespmem:$0x18800] =	vst v63  }
0x11c: {  	s22 =	rddreg [dreg:$0xa];
	s0 =	simm.s32 $0x100  }
0x11d: {  	[tilespmem:s0], [sflag:$0x9] =	stream.linear.gather [hbm4b:s22+s2], $0x80, $0x38;
	[tilespmem:$0x18800] =	vst v63  }
0x11e: {  	s24 =	rddreg [dreg:$0xb];
	s28 =	simm.s32 $0x180  }
0x11f: {  	[tilespmem:s28], [sflag:$0xA] =	stream.linear.gather [hbm4b:s24+s2], $0x80, $0x38;
	[tilespmem:$0x18800] =	vst v63  }
0x120: {  	s25 =	rddreg [dreg:$0xc];
	s30 =	simm.s32 $0x200  }
0x121: {  	[tilespmem:s30], [sflag:$0xB] =	stream.linear.gather [hbm4b:s25+s2], $0x80, $0x38;
	[tilespmem:$0x18800] =	vst v63  }
0x122: {  	s31 =	rddreg [dreg:$0xd];
	s25 =	simm.s32 $0x280  }
0x123: {  	[tilespmem:s25], [sflag:$0xC] =	stream.linear.gather [hbm4b:s31+s2], $0x80, $0x38;
	[tilespmem:$0x18800] =	vst v63  }
0x124: {  	s21 =	rddreg [dreg:$0xe];
	s24 =	simm.s32 $0x300  }
0x125: {  	[tilespmem:s24], [sflag:$0x7] =	stream.linear.gather [hbm4b:s21+s2], $0x80, $0x38;
	[tilespmem:$0x18800] =	vst v63  }
0x126: {  	s22 =	rddreg [dreg:$0xf];
	s21 =	simm.s32 $0x380  }
0x127: {  	[tilespmem:s21], [sflag:$0x8] =	stream.linear.gather [hbm4b:s22+s2], $0x80, $0x38;
	[tilespmem:$0x18800] =	vst v63  }
0x128: {  	s1 =	simm.s32 $0x400;
	s31 =	rddreg [dreg:$0x10]  }
0x129: {  	[tilespmem:s1], [sflag:$0x9] =	stream.linear.gather [hbm4b:s31+s2], $0x80, $0x38;
	[tilespmem:$0x18800] =	vst v63  }
0x12a: {  	_ =	swait.ge [sflag:s8], $0x80  }
0x12b: {  	[sflag:s8] =	ssyncset.done $0x0  }
0x12c: {  	[sflag:s8] =	ssyncadd.s32 $0xFFFFFF80  }
0x12d: {  	_ =	swait.ge [sflag:s6], $0x80  }
0x12e: {  	[sflag:s6] =	ssyncset.done $0x0  }
0x12f: {  	[sflag:s6] =	ssyncadd.s32 $0xFFFFFF80  }
0x130: {  	_ =	swait.ge [sflag:s5], $0x80  }
0x131: {  	[sflag:s5] =	ssyncset.done $0x0  }
0x132: {  	[sflag:s5] =	ssyncadd.s32 $0xFFFFFF80  }
0x133: {  	_ =	swait.ge [sflag:s11], $0x80  }
0x134: {  	[sflag:s11] =	ssyncset.done $0x0  }
0x135: {  	[sflag:s11] =	ssyncadd.s32 $0xFFFFFF80  }
0x136: {  	_ =	swait.ge [sflag:s10], $0x80  }
0x137: {  	[sflag:s10] =	ssyncset.done $0x0  }
0x138: {  	[sflag:s10] =	ssyncadd.s32 $0xFFFFFF80  }
0x139: {  	_ =	swait.ge [sflag:s9], $0x80  }
0x13a: {  	[sflag:s9] =	ssyncset.done $0x0  }
0x13b: {  	[sflag:s9] =	ssyncadd.s32 $0xFFFFFF80  }
0x13c: {  	_ =	swait.ge [sflag:s8], $0x80  }
0x13d: {  	[sflag:s8] =	ssyncset.done $0x0  }
0x13e: {  	[sflag:s8] =	ssyncadd.s32 $0xFFFFFF80  }
0x13f: {  	_ =	swait.ge [sflag:s6], $0x80  }
0x140: {  	[sflag:s6] =	ssyncset.done $0x0  }
0x141: {  	[sflag:s6] =	ssyncadd.s32 $0xFFFFFF80  }
0x142: {  	_ =	swait.ge [sflag:s5], $0x80  }
0x143: {  	[sflag:s5] =	ssyncset.done $0x0  }
0x144: {  	[sflag:s5] =	ssyncadd.s32 $0xFFFFFF80  }
0x145: {  	[tilespmem:s14], [sflag:$0x1] =	stream.indirect.gather [hbm4b:s7+s15], $0x80, s2, s15, $0xb8;
	[tilespmem:$0x18800] =	vst v63  }
0x146: {  	_ = 	snop  }
0x147: {  	[tilespmem:s13], [sflag:$0x2] =	stream.indirect.gather [hbm4b:s7+s15], $0x80, s15, s15, $0xb8;
	[tilespmem:$0x18800] =	vst v63  }
0x148: {  	_ = 	snop  }
0x149: {  	[tilespmem:s12], [sflag:$0x3] =	stream.indirect.gather [hbm4b:s7+s15], $0x80, s0, s15, $0xb8;
	[tilespmem:$0x18800] =	vst v63  }
0x14a: {  	s22 =	simm.s32 $0xC800  }
0x14b: {  	[tilespmem:s22], [sflag:$0x4] =	stream.indirect.gather [hbm4b:s4+s15], $0x80, s28, s15, $0xb8;
	[tilespmem:$0x18800] =	vst v63  }
0x14c: {  	s18 =	simm.s32 $0x10800  }
0x14d: {  	[tilespmem:s18], [sflag:$0x5] =	stream.indirect.gather [hbm4b:s4+s15], $0x80, s30, s15, $0xb8;
	[tilespmem:$0x18800] =	vst v63  }
0x14e: {  	_ =	swait.ge [sflag:s19], $0x4000  }
0x14f: {  	[sflag:s19] =	ssyncset.done $0x0  }
0x150: {  	s28 =	rddreg [dreg:$0x11];
	[sflag:s19] =	ssyncadd.s32 $0xFFFFC000  }
0x151: {  	[hbm4b:s28+s2] =	stream.linear.scatter [tilespmem:s14], [sflag:$0x7], $0x4000, $0x38;
	[tilespmem:$0x18800] =	vst v63  }
0x152: {  	s30 =	simm.s32 $0x14800  }
0x153: {  	[tilespmem:s30], [sflag:$0x6] =	stream.indirect.gather [hbm4b:s4+s15], $0x80, s25, s15, $0xb8;
	[tilespmem:$0x18800] =	vst v63  }
0x154: {  	_ =	swait.ge [sflag:s17], $0x4000  }
0x155: {  	[sflag:s17] =	ssyncset.done $0x0  }
0x156: {  	s31 =	rddreg [dreg:$0x12];
	[sflag:s17] =	ssyncadd.s32 $0xFFFFC000  }
0x157: {  	[hbm4b:s31+s2] =	stream.linear.scatter [tilespmem:s13], [sflag:$0x8], $0x4000, $0x38;
	[tilespmem:$0x18800] =	vst v63  }
0x158: {  	_ =	swait.ge [sflag:s8], $0x4000  }
0x159: {  	[sflag:s8] =	ssyncset.done $0x0  }
0x15a: {  	[sflag:s8] =	ssyncadd.s32 $0xFFFFC000  }
0x15b: {  	[tilespmem:s14], [sflag:$0x1] =	stream.indirect.gather [hbm4b:s3+s15], $0x80, s24, s15, $0xb8;
	[tilespmem:$0x18800] =	vst v63  }
0x15c: {  	_ =	swait.ge [sflag:s16], $0x4000  }
0x15d: {  	[sflag:s16] =	ssyncset.done $0x0  }
0x15e: {  	s4 =	rddreg [dreg:$0x13];
	[sflag:s16] =	ssyncadd.s32 $0xFFFFC000  }
0x15f: {  	[hbm4b:s4+s2] =	stream.linear.scatter [tilespmem:s12], [sflag:$0x9], $0x4000, $0x38;
	[tilespmem:$0x18800] =	vst v63  }
0x160: {  	_ =	swait.ge [sflag:s6], $0x4000  }
0x161: {  	[sflag:s6] =	ssyncset.done $0x0  }
0x162: {  	[sflag:s6] =	ssyncadd.s32 $0xFFFFC000  }
0x163: {  	[tilespmem:s13], [sflag:$0x2] =	stream.indirect.gather [hbm4b:s3+s15], $0x80, s21, s15, $0xb8;
	[tilespmem:$0x18800] =	vst v63  }
0x164: {  	_ =	swait.ge [sflag:s29], $0x4000  }
0x165: {  	[sflag:s29] =	ssyncset.done $0x0  }
0x166: {  	s24 =	rddreg [dreg:$0x14];
	[sflag:s29] =	ssyncadd.s32 $0xFFFFC000  }
0x167: {  	[hbm4b:s24+s2] =	stream.linear.scatter [tilespmem:s22], [sflag:$0xA], $0x4000, $0x38;
	[tilespmem:$0x18800] =	vst v63  }
0x168: {  	_ =	swait.ge [sflag:s5], $0x4000  }
0x169: {  	[sflag:s5] =	ssyncset.done $0x0  }
0x16a: {  	[sflag:s5] =	ssyncadd.s32 $0xFFFFC000  }
0x16b: {  	[tilespmem:s12], [sflag:$0x3] =	stream.indirect.gather [hbm4b:s3+s15], $0x80, s1, s15, $0xb8;
	[tilespmem:$0x18800] =	vst v63  }
0x16c: {  	_ =	swait.ge [sflag:s26], $0x4000  }
0x16d: {  	[sflag:s26] =	ssyncset.done $0x0  }
0x16e: {  	s25 =	rddreg [dreg:$0x15];
	[sflag:s26] =	ssyncadd.s32 $0xFFFFC000  }
0x16f: {  	[hbm4b:s25+s2] =	stream.linear.scatter [tilespmem:s18], [sflag:$0xB], $0x4000, $0x38;
	[tilespmem:$0x18800] =	vst v63  }
0x170: {  	_ =	swait.ge [sflag:s23], $0x4000  }
0x171: {  	[sflag:s23] =	ssyncset.done $0x0  }
0x172: {  	s26 =	rddreg [dreg:$0x16];
	[sflag:s23] =	ssyncadd.s32 $0xFFFFC000  }
0x173: {  	[hbm4b:s26+s2] =	stream.linear.scatter [tilespmem:s30], [sflag:$0xC], $0x4000, $0x38;
	[tilespmem:$0x18800] =	vst v63  }
0x174: {  	_ =	swait.ge [sflag:s19], $0x4000  }
0x175: {  	[sflag:s19] =	ssyncset.done $0x0  }
0x176: {  	s28 =	rddreg [dreg:$0x17];
	[sflag:s19] =	ssyncadd.s32 $0xFFFFC000  }
0x177: {  	[hbm4b:s28+s2] =	stream.linear.scatter [tilespmem:s14], [sflag:$0x7], $0x4000, $0x38;
	[tilespmem:$0x18800] =	vst v63  }
0x178: {  	_ =	swait.ge [sflag:s17], $0x4000  }
0x179: {  	[sflag:s17] =	ssyncset.done $0x0  }
0x17a: {  	s29 =	rddreg [dreg:$0x18];
	[sflag:s17] =	ssyncadd.s32 $0xFFFFC000  }
0x17b: {  	[hbm4b:s29+s2] =	stream.linear.scatter [tilespmem:s13], [sflag:$0x8], $0x4000, $0x38;
	[tilespmem:$0x18800] =	vst v63  }
0x17c: {  	_ =	swait.ge [sflag:s16], $0x4000  }
0x17d: {  	[sflag:s16] =	ssyncset.done $0x0  }
0x17e: {  	s30 =	rddreg [dreg:$0x19];
	[sflag:s16] =	ssyncadd.s32 $0xFFFFC000  }
0x17f: {  	[hbm4b:s30+s2] =	stream.linear.scatter [tilespmem:s12], [sflag:$0x9], $0x4000, $0x38;
	[tilespmem:$0x18800] =	vst v63  }
0x180: {  	_ =	swait.ge [sflag:s11], $0x4000  }
0x181: {  	[sflag:s11] =	ssyncset.done $0x0  }
0x182: {  	[sflag:s11] =	ssyncadd.s32 $0xFFFFC000  }
0x183: {  	_ =	swait.ge [sflag:s10], $0x4000  }
0x184: {  	[sflag:s10] =	ssyncset.done $0x0  }
0x185: {  	[sflag:s10] =	ssyncadd.s32 $0xFFFFC000  }
0x186: {  	_ =	swait.ge [sflag:s9], $0x4000  }
0x187: {  	[sflag:s9] =	ssyncset.done $0x0  }
0x188: {  	[sflag:s9] =	ssyncadd.s32 $0xFFFFC000  }
0x189: {  	_ =	swait.ge [sflag:s8], $0x4000  }
0x18a: {  	[sflag:s8] =	ssyncset.done $0x0  }
0x18b: {  	[sflag:s8] =	ssyncadd.s32 $0xFFFFC000  }
0x18c: {  	_ =	swait.ge [sflag:s6], $0x4000  }
0x18d: {  	[sflag:s6] =	ssyncset.done $0x0  }
0x18e: {  	[sflag:s6] =	ssyncadd.s32 $0xFFFFC000  }
0x18f: {  	_ =	swait.ge [sflag:s5], $0x4000  }
0x190: {  	[sflag:s5] =	ssyncset.done $0x0  }
0x191: {  	[sflag:s5] =	ssyncadd.s32 $0xFFFFC000  }
0x192: {  	_ =	sfence.sel $0x180000  }
0x193: {  	s31 =	stileid.u32;
	[bflag:$0x0] =	sbarrier.arrive $0xFFFF  }
0x194: {  	p0 =	sne.s32 s31, $0x0;
	_ =	strace $0x90000047  }
0x195: {  	s0 =	sadd.s32 @!p0 $0x100000, s20;
	[bflag:$0x2] =	sbarrier.arrive $0xFFFF  }
0x196: {  	[sflag:s0] =	ssyncadd.tile.s32 @!p0 $0x1;
	_ =	shalt  }
.LBB2_6:
.Ltmp3:
0x197: {  	(pc) =	sbr.rel .LBB2_5-.Ltmp3, $2  }
0x198: {  	_ =	sdelay $0x2  }
0x199: {  	s20 =	rddreg [dreg:$0x7]  }
.Lfunc_end2:
_tile_overlayer_lowered:
.L_overlay_start_2:
0x19a: {  	(tag) =	ssettag $0x2  }
0x19b: {  	s0 =	rddreg [dreg:$0x0];
	s2 =	stileid.u32  }
0x19c: {  	s1 =	rddreg [dreg:$0x1];
	p0 =	sne.s32 s2, $0x0  }
0x19d: {  	s3 =	rddreg [dreg:$0x2];
	[bflag:$0x3] =	sbarrier.arrive $0xFFFF;
	s2 =	simm.s32 @!p0 $0x1C0D  }
0x19e: {  	[timem:s3], [sflag:s2] =	dma.local @!p0 [hbm:s0], s1  }
0x19f: {  	s0 =	simm.s32 @!p0 $0xD  }
0x1a0: {  	_ =	swait.ge @!p0 [sflag:s0], s1  }
0x1a1: {  	s1 =	ssub.s32 @!p0 $0x0, s1;
	[sflag:s0] =	ssyncset.done @!p0 $0x0  }
0x1a2: {  	[sflag:s0] =	ssyncadd.s32 @!p0 s1  }
0x1a3: {  	[bflag:$0x3] =	sbarrier.arrive $0xFFFF  }
0x1a4: {  	_ =	shalt  }

// kernel: kernel.9.cloned.1.call-start
scs
__scs_entry_jumppad:
0x0: {  	(pc) =	sbr.rel $0x88, $3  }
0x1: {  	(tag) =	ssettag $0x0;
	lr =	simm.s32 $0x1  }
0x2: {  	[smem:$0x3F97] =	sst lr;
	_ =	strace $0xD0000000  }
0x3: {  	_ = 	snop  }
0x4: {  	_ = 	snop  }
0x5: {  	_ = 	snop  }
0x6: {  	_ = 	snop  }
0x7: {  	_ = 	snop  }
__scs_overlays_trampoline_lowered:
0x8: {  	[smem:$0x3FA6] =	sst s0  }
0x9: {  	[smem:$0x3FA7] =	sst s1  }
0xa: {  	[smem:$0x3FA8] =	sst s2  }
0xb: {  	[smem:$0x3FA9] =	sst s3  }
0xc: {  	[smem:$0x3FAA] =	sst s4  }
0xd: {  	[smem:$0x3FAB] =	sst s5  }
0xe: {  	[smem:$0x3FAC] =	sst s6  }
0xf: {  	[smem:$0x3FAD] =	sst s7  }
0x10: {  	[smem:$0x3FAE] =	sst s8  }
0x11: {  	[smem:$0x3FAF] =	sst s9;
	s0 =	simm.s32 @!p0 $0x0  }
0x12: {  	s1 =	sld [smem:$0x3F95];
	s0 =	simm.s32 @p0 $0x1  }
0x13: {  	[smem:$0x3FB0] =	sst s0;
	s0 =	simm.s32 @!p1 $0x0  }
0x14: {  	s2 =	sld [smem:$0x3F94];
	s0 =	simm.s32 @p1 $0x1  }
0x15: {  	[smem:$0x3FB1] =	sst s0;
	s0 =	simm.s32 @!p2 $0x0  }
0x16: {  	s3 =	sld [smem:$0x3FDB];
	s0 =	simm.s32 @p2 $0x1  }
0x17: {  	s4 =	simm.s32 $0x1BF5;
	[smem:$0x3FB3] =	sst s0  }
0x18: {  	s0 =	sld [smem:$0x3F96];
	_ =	swait.ge [sflag:s4], $0x0  }
0x19: {  	s7 =	sld [smem:$0x3F97]  }
0x1a: {  	s8 =	sadd.s32 $0xFFFFE003, lr  }
0x1b: {  	s9 =	sadd.s32 $0xFFFFFEF7, lr;
	s5 =	simm.s32 $0xFFFFFFFF;
	p2 =	slt.u32 s8, $0xFFFFF086  }
0x1c: {  	p1 =	slt.u32 s9, $0xF7A;
	s5 =	simm.s32 @!p2 $0x0  }
0x1d: {  	s5 =	simm.s32 @p1 $0x1;
	p0 =	seq.s32 s7, s2  }
0x1e: {  	s7 =	smul.u32 @!p0 $0xF7A, s2;
	p2 =	seq.s32 @!p0 s5, $0x0  }
0x1f: {  	s9 =	smul.u32 $0xF7A, s1;
	s8 =	simm.s32 @!p0 $0x1BF5;
	p2 =	por !p2, p0  }
0x20: {  	[sflag:s8] =	ssyncset.s32 @!p0 $0xFFFFF086;
	s6 =	sadd.s32 @!p0 s3, s7;
	s7 =	simm.s32 @!p0 $0x108  }
0x21: {  	s3 =	sadd.s32 s3, s9;
	s6 =	sadd.s32 @!p0 $0x88, s6;
	s7 =	simm.s32 @p2 $0x1082  }
0x22: {  	[simem:s7], [sflag:s8] =	dma.local @!p0 [hbm:s6], $0xF7A  }
0x23: {  	s9 =	sor.u32 $0xD0000000, s2;
	s6 =	simm.s32 $0x108;
	_ =	swait.ge @!p0 [sflag:s8], $0x0  }
0x24: {  	s3 =	sadd.s32 $0x88, s3;
	s6 =	simm.s32 @!p1 $0x1082;
	[sflag:s4] =	ssyncset.s32 $0xFFFFF086  }
0x25: {  	[simem:s6], [sflag:s4] =	dma.local [hbm:s3], $0xF7A  }
0x26: {  	[smem:$0x3F97] =	sst s1;
	(tag) =	ssettag s2;
	_ =	strace s9  }
0x27: {  	s1 =	sld [smem:$0x3FA7]  }
0x28: {  	s2 =	sld [smem:$0x3FA8]  }
0x29: {  	s4 =	sld [smem:$0x3FAA]  }
0x2a: {  	p0 =	seq.s32 s5, $0x0;
	s5 =	sld [smem:$0x3FAB]  }
0x2b: {  	s6 =	sld [smem:$0x3FAC]  }
0x2c: {  	s7 =	sld [smem:$0x3FAD]  }
0x2d: {  	s3 =	simm.s32 $0x108;
	s8 =	sld [smem:$0x3FAE]  }
0x2e: {  	s3 =	simm.s32 @!p0 $0x1082;
	s9 =	sld [smem:$0x3FAF]  }
0x2f: {  	lr =	sadd.s32 s0, s3;
	s0 =	sld [smem:$0x3FA6]  }
0x30: {  	s3 =	sld [smem:$0x3FA9]  }
0x31: {  	[smem:$0x3FB2] =	sst s10  }
0x32: {  	s10 =	sld [smem:$0x3FB0];
	_ =	sdelay $0x3  }
0x33: {  	p0 =	seq.s32 s10, $0x1;
	s10 =	sld [smem:$0x3FB2];
	_ =	sdelay $0x3  }
0x34: {  	[smem:$0x3FB2] =	sst s10  }
0x35: {  	s10 =	sld [smem:$0x3FB1];
	_ =	sdelay $0x3  }
0x36: {  	p1 =	seq.s32 s10, $0x1;
	s10 =	sld [smem:$0x3FB2];
	_ =	sdelay $0x3  }
0x37: {  	[smem:$0x3FB2] =	sst s10  }
0x38: {  	s10 =	sld [smem:$0x3FB3]  }
0x39: {  	_ = 	snop;
	(pc) =	sbr.ind lr, $3  }
0x3a: {  	_ = 	snop  }
0x3b: {  	_ = 	snop  }
0x3c: {  	p2 =	seq.s32 s10, $0x1;
	s10 =	sld [smem:$0x3FB2]  }
0x3d: {  	_ =	shalt  }
0x3e: {  	_ =	shalt  }
0x3f: {  	_ =	shalt  }
0x40: {  	_ =	shalt  }
0x41: {  	_ =	shalt  }
0x42: {  	_ =	shalt  }
0x43: {  	_ =	shalt  }
0x44: {  	_ =	shalt  }
0x45: {  	_ =	shalt  }
0x46: {  	_ =	shalt  }
0x47: {  	_ =	shalt  }
0x48: {  	_ =	shalt  }
0x49: {  	_ =	shalt  }
0x4a: {  	_ =	shalt  }
0x4b: {  	_ =	shalt  }
0x4c: {  	_ =	shalt  }
0x4d: {  	_ =	shalt  }
0x4e: {  	_ =	shalt  }
0x4f: {  	_ =	shalt  }
0x50: {  	_ =	shalt  }
0x51: {  	_ =	shalt  }
0x52: {  	_ =	shalt  }
0x53: {  	_ =	shalt  }
0x54: {  	_ =	shalt  }
0x55: {  	_ =	shalt  }
0x56: {  	_ =	shalt  }
0x57: {  	_ =	shalt  }
0x58: {  	_ =	shalt  }
0x59: {  	_ =	shalt  }
0x5a: {  	_ =	shalt  }
0x5b: {  	_ =	shalt  }
0x5c: {  	_ =	shalt  }
0x5d: {  	_ =	shalt  }
0x5e: {  	_ =	shalt  }
0x5f: {  	_ =	shalt  }
0x60: {  	_ =	shalt  }
0x61: {  	_ =	shalt  }
0x62: {  	_ =	shalt  }
0x63: {  	_ =	shalt  }
0x64: {  	_ =	shalt  }
0x65: {  	_ =	shalt  }
0x66: {  	_ =	shalt  }
0x67: {  	_ =	shalt  }
0x68: {  	_ =	shalt  }
0x69: {  	_ =	shalt  }
0x6a: {  	_ =	shalt  }
0x6b: {  	_ =	shalt  }
0x6c: {  	_ =	shalt  }
0x6d: {  	_ =	shalt  }
0x6e: {  	_ =	shalt  }
0x6f: {  	_ =	shalt  }
0x70: {  	_ =	shalt  }
0x71: {  	_ =	shalt  }
0x72: {  	_ =	shalt  }
0x73: {  	_ =	shalt  }
0x74: {  	_ =	shalt  }
0x75: {  	_ =	shalt  }
0x76: {  	_ =	shalt  }
0x77: {  	_ =	shalt  }
0x78: {  	_ =	shalt  }
0x79: {  	_ =	shalt  }
0x7a: {  	_ =	shalt  }
0x7b: {  	_ =	shalt  }
0x7c: {  	_ =	shalt  }
0x7d: {  	_ =	shalt  }
0x7e: {  	_ =	shalt  }
0x7f: {  	_ =	shalt  }
0x80: {  	_ =	shalt  }
0x81: {  	_ =	shalt  }
0x82: {  	_ =	shalt  }
0x83: {  	_ =	shalt  }
0x84: {  	_ =	shalt  }
0x85: {  	_ =	shalt  }
0x86: {  	_ =	shalt  }
0x87: {  	_ =	shalt  }
.Lfunc_end0:
.L_simem_size_0:
called_computation.1_lowered:
.L_overlay_start_0:
0x88: {  	s2 =	sld [smem:$0x3FD9]  }
0x89: {  	s3 =	sld [smem:$0x3FFE];
	_ =	sdelay $0x1  }
0x8a: {  	s1 =	srdreg.scid  }
0x8b: {  	s0 =	sand.u32 $0x1, s1  }
0x8c: {  	s17 =	sshll.u32 s0, $0xA;
	s2 =	sadd.s32 s3, s2  }
0x8d: {  	s2 =	sadd.s32 s2, s17  }
0x8e: {  	[smem:$0x3FBE] =	sst s2  }
0x8f: {  	_ = 	snop  }
0x90: {  	s18 =	sld [smem:$0x3FC9]  }
0x91: {  	s4 =	sld [smem:$0x3FC8]  }
0x92: {  	s5 =	sld [smem:$0x3FC7]  }
0x93: {  	s6 =	sld [smem:$0x3FC6]  }
0x94: {  	s7 =	sld [smem:$0x3FC5]  }
0x95: {  	s8 =	sld [smem:$0x3FC4];
	(tm) =	ssettm $0x1  }
0x96: {  	s19 =	sld [smem:$0x3FFB];
	_ =	sdelay $0x3  }
0x97: {  	_ =	strace s19  }
0x98: {  	s2 =	sld [smem:$0x3FFC];
	_ =	sdelay $0x3  }
0x99: {  	_ =	strace s2  }
0x9a: {  	s2 =	sld [smem:$0x3FFD];
	_ =	sdelay $0x3  }
0x9b: {  	_ =	strace s2  }
0x9c: {  	_ =	strace $0x8FFFFFFF  }
0x9d: {  	s20 =	sld [smem:$0x3FDB];
	_ =	sdelay $0x1  }
0x9e: {  	s9 =	simm.s32 $_scs_section_size  }
0x9f: {  	s10 =	simm.s32 $_size__tile_overlayer_lowered;
	s11 =	simm.s32 $_tile_overlayer_lowered  }
0xa0: {  	s12 =	simm.s32 $0x1BFF;
	s21 =	sshll.u32 s11, $0x1;
	s9 =	sadd.s32 s9, s20  }
0xa1: {  	s22 =	simm.s32 $0x0;
	s10 =	sshll.u32 s10, $0x1;
	s11 =	sadd.s32 s21, s9  }
0xa2: {  	[timem:s22], [sflag:s12] =	dma.local [hbm:s11], s10  }
0xa3: {  	_ =	swait.ge [sflag:s12], s10  }
0xa4: {  	s10 =	ssub.s32 $0x0, s10;
	[sflag:s12] =	ssyncset.done $0x0  }
0xa5: {  	[sflag:s12] =	ssyncadd.s32 s10;
	_ =	sdelay $0x1  }
0xa6: {  	s23 =	simm.s32 $0x1B8B  }
0xa7: {  	_ =	swait.ge [sflag:s23], $0x1  }
0xa8: {  	[sflag:s23] =	ssyncset.done $0x0  }
0xa9: {  	[sflag:s23] =	ssyncadd.s32 $0xFFFFFFFF  }
0xaa: {  	s10 =	sld [smem:$0x0]  }
0xab: {  	s11 =	sand.u32 $0xFFFFFFFE, s1  }
0xac: {  	p0 =	sne.s32 s1, s11  }
0xad: {  	s11 =	sshll.u32 @p0 s11, $0xE  }
0xae: {  	s11 =	sadd.s32 @p0 $0x11B8D, s11;
	s12 =	sshll.u32 @p0 s10, $0x11  }
0xaf: {  	s11 =	sor.u32 @p0 s12, s11  }
0xb0: {  	[sflag:s11] =	ssyncadd.remote.s32 @p0 $0x1;
	_ =	sdelay $0x1  }
0xb1: {  	s11 =	simm.s32 @p0 $0x1B8D  }
0xb2: {  	_ =	swait.eq @p0 [sflag:s11], $0x1  }
0xb3: {  	[sflag:s11] =	ssyncadd.s32 @p0 $0xFFFFFFFF  }
0xb4: {  	s12 =	sshll.u32 @!p0 s1, $0xE  }
0xb5: {  	s12 =	sor.u32 @!p0 $0x4000, s12;
	s11 =	simm.s32 @!p0 $0x1B8D  }
0xb6: {  	s10 =	sshll.u32 @!p0 s10, $0x11;
	s12 =	sadd.s32 @!p0 $0x11B8D, s12;
	_ =	swait.eq @!p0 [sflag:s11], $0x1  }
0xb7: {  	s10 =	sor.u32 @!p0 s10, s12;
	[sflag:s11] =	ssyncadd.s32 @!p0 $0xFFFFFFFF  }
0xb8: {  	s25 =	simm.s32 $0x1B8E;
	s24 =	sld [smem:$0x3FFE];
	[sflag:s10] =	ssyncadd.remote.s32 @!p0 $0x1  }
0xb9: {  	s26 =	simm.s32 $execute0_lowered;
	[smem:$0x3FD2] =	sst s25  }
0xba: {  	s11 =	sshll.u32 s26, $0x1;
	_ =	strace $0x80000049;
	[dreg:$0x1] =	wrdreg $0xFFFFFFFF  }
0xbb: {  	s28 =	simm.s32 $_size_execute0_lowered;
	s9 =	sadd.s32 s9, s11;
	[dreg:$0x0] =	wrdreg $0x0  }
0xbc: {  	s11 =	sshll.u32 s28, $0x1;
	[dreg:$0x2] =	wrdreg s9  }
0xbd: {  	[dreg:$0x3] =	wrdreg s11  }
0xbe: {  	[dreg:$0x4] =	wrdreg $0xC0  }
0xbf: {  	_ =	task [dreg:s22], $0x5FFFF  }
0xc0: {  	[dreg:$0x1] =	wrdreg $0xFFFFFFFF  }
0xc1: {  	[dreg:$0x0] =	wrdreg $0x60  }
0xc2: {  	[dreg:$0x2] =	wrdreg s18  }
0xc3: {  	[dreg:$0x3] =	wrdreg s4  }
0xc4: {  	[dreg:$0x4] =	wrdreg s5  }
0xc5: {  	[dreg:$0x5] =	wrdreg s6  }
0xc6: {  	[dreg:$0x6] =	wrdreg s7  }
0xc7: {  	[dreg:$0x7] =	wrdreg s8  }
0xc8: {  	[dreg:$0x8] =	wrdreg s24  }
0xc9: {  	[dreg:$0x9] =	wrdreg $0xA  }
0xca: {  	_ =	task.clear_ibuf [dreg:s22], $0xAFFFF;
	_ =	strace $0x90000049  }
0xcb: {  	s29 =	simm.s32 $0xA;
	_ =	strace $0x8000004B  }
0xcc: {  	_ =	swait.ge [sflag:s29], $0x1  }
0xcd: {  	[sflag:s29] =	ssyncadd.s32 $0xFFFFFFFF  }
0xce: {  	_ =	strace $0x9000004B  }
0xcf: {  	_ =	sfence  }
0xd0: {  	s30 =	sld [smem:$0x0];
	_ =	sdelay $0x2  }
0xd1: {  	s31 =	sshll.u32 s1, $0xD;
	s1 =	sshrl.u32 s1, $0x2  }
0xd2: {  	s4 =	sand.u32 $0x4000, s31;
	s1 =	sadd.s32 s1, s30  }
0xd3: {  	s0 =	sor.u32 s4, s0;
	s1 =	sshll.u32 s1, $0x11  }
0xd4: {  	s0 =	sor.u32 s1, s0  }
0xd5: {  	s0 =	sadd.s32 $0x8F2B, s0  }
0xd6: {  	[sflag:s0] =	ssyncadd.remote.s32 $0x1  }
0xd7: {  	_ =	sfence.sel $0xFFFF  }
0xd8: {  	[dreg:$0x0] =	wrdreg $0xFFFFFFFF;
	(pc) =	sbr.abs _section_cstart, $3  }
0xd9: {  	[dreg:$0x1] =	wrdreg $0xFFFFFFFF  }
0xda: {  	_ =	task.clear_ibuf [dreg:s22], $0x2FFFF;
	_ =	strace $0x9FFFFFFF  }
0xdb: {  	(tm) =	ssettm $0x7FFFFFFF  }
tec
execute0_lowered:
.L_overlay_start_1:
0x0: {  	(tag) =	ssettag $0x1  }
0x1: {  	s6 =	rddreg [dreg:$0x0]  }
0x2: {  	s7 =	rddreg [dreg:$0x1]  }
0x3: {  	s9 =	rddreg [dreg:$0x2];
	s3 =	srdreg.scid  }
0x4: {  	s1 =	rddreg [dreg:$0x3];
	s0 =	stileid.u32;
	s23 =	sand.u32 $0x1, s3  }
0x5: {  	s2 =	rddreg [dreg:$0x4];
	s31 =	sshll.u32 s0, $0x8;
	s5 =	sshll.u32 s23, $0x7  }
0x6: {  	s4 =	rddreg [dreg:$0x5];
	s19 =	sor.u32 s5, s31  }
0x7: {  	s18 =	rddreg [dreg:$0x6];
	s5 =	simm.s32 $0x0;
	s8 =	sshrl.u32 s19, $0x3  }
0x8: {  	[smem:$0x7FF] =	sst s5;
	s10 =	sor.u32 $0x600, s8  }
0x9: {  	s3 =	rddreg [dreg:$0x7];
	_ =	strace $0x8000004A;
	s6 =	sadd.s32 s6, s10  }
0xa: {  	[tilespmem:s5], [sflag:$0x4] =	stream.linear.gather [hbm4b:s6+s5], $0x80, $0x38;
	[tilespmem:$0xC200] =	vst v63  }
0xb: {  	s8 =	simm.s32 $0x80;
	s7 =	sadd.s32 s7, s10  }
0xc: {  	[tilespmem:s8], [sflag:$0x5] =	stream.linear.gather [hbm4b:s7+s5], $0x80, $0x38;
	[tilespmem:$0xC200] =	vst v63  }
0xd: {  	s11 =	simm.s32 $0x4;
	s9 =	sadd.s32 s9, s10;
	s10 =	simm.s32 $0x100  }
0xe: {  	[tilespmem:s10], [sflag:$0x6] =	stream.linear.gather [hbm4b:s9+s5], $0x80, $0x38;
	[tilespmem:$0xC200] =	vst v63  }
0xf: {  	_ =	swait.ge [sflag:s11], $0x80  }
0x10: {  	[sflag:s11] =	ssyncset.done $0x0  }
0x11: {  	s12 =	simm.s32 $0x5;
	[sflag:s11] =	ssyncadd.s32 $0xFFFFFF80  }
0x12: {  	_ =	swait.ge [sflag:s12], $0x80  }
0x13: {  	[sflag:s12] =	ssyncset.done $0x0  }
0x14: {  	s13 =	simm.s32 $0x6;
	[sflag:s12] =	ssyncadd.s32 $0xFFFFFF80  }
0x15: {  	_ =	swait.ge [sflag:s13], $0x80  }
0x16: {  	[sflag:s13] =	ssyncset.done $0x0  }
0x17: {  	s14 =	simm.s32 $0x200;
	[sflag:s13] =	ssyncadd.s32 $0xFFFFFF80  }
0x18: {  	[tilespmem:s14], [sflag:$0x1] =	stream.indirect.gather [hbm4b:s1+s8], $0x80, s5, s8, $0xb8;
	[tilespmem:$0xC200] =	vst v63  }
0x19: {  	s15 =	simm.s32 $0x4200  }
0x1a: {  	[tilespmem:s15], [sflag:$0x2] =	stream.indirect.gather [hbm4b:s2+s8], $0x80, s8, s8, $0xb8;
	[tilespmem:$0xC200] =	vst v63  }
0x1b: {  	s16 =	simm.s32 $0x8200;
	s17 =	simm.s32 $0x1  }
0x1c: {  	[tilespmem:s16], [sflag:$0x3] =	stream.indirect.gather [hbm4b:s4+s8], $0x80, s10, s8, $0xb8;
	[tilespmem:$0xC200] =	vst v63  }
0x1d: {  	s19 =	sshll.u32 s19, $0x4;
	_ =	swait.ge [sflag:s17], $0x4000  }
0x1e: {  	s22 =	sadd.s32 s19, s18;
	[sflag:s17] =	ssyncset.done $0x0  }
0x1f: {  	s19 =	simm.s32 $0x2;
	s18 =	sadd.s32 $0x92400, s22;
	[sflag:s17] =	ssyncadd.s32 $0xFFFFC000  }
0x20: {  	[hbm4b:s18+s5] =	stream.linear.scatter [tilespmem:s14], [sflag:$0x4], $0x4000, $0x38;
	[tilespmem:$0xC200] =	vst v63  }
0x21: {  	_ =	swait.ge [sflag:s19], $0x4000  }
0x22: {  	[sflag:s19] =	ssyncset.done $0x0  }
0x23: {  	s21 =	simm.s32 $0x3;
	s20 =	sadd.s32 $0xA2400, s22;
	[sflag:s19] =	ssyncadd.s32 $0xFFFFC000  }
0x24: {  	[hbm4b:s20+s5] =	stream.linear.scatter [tilespmem:s15], [sflag:$0x5], $0x4000, $0x38;
	[tilespmem:$0xC200] =	vst v63  }
0x25: {  	_ =	swait.ge [sflag:s21], $0x4000  }
0x26: {  	s23 =	ssub.s32 $0x2, s23;
	[sflag:s21] =	ssyncset.done $0x0  }
0x27: {  	s24 =	sshrl.u32 s23, $0x1;
	s22 =	sadd.s32 $0xB2400, s22;
	[sflag:s21] =	ssyncadd.s32 $0xFFFFC000  }
0x28: {  	[hbm4b:s22+s5] =	stream.linear.scatter [tilespmem:s16], [sflag:$0x6], $0x4000, $0x38;
	[tilespmem:$0xC200] =	vst v63  }
0x29: {  	s23 =	ssub.s32 s23, s24;
	_ =	swait.ge [sflag:s11], $0x4000  }
0x2a: {  	s23 =	smax.u32 s23, $0x1;
	[sflag:s11] =	ssyncset.done $0x0  }
0x2b: {  	p0 =	sne.s32 s23, $0x1;
	[sflag:s11] =	ssyncadd.s32 $0xFFFFC000  }
.Ltmp0:
0x2c: {  	_ =	swait.ge [sflag:s12], $0x4000;
	(pc) =	sbr.rel @!p0 .LBB2_2-.Ltmp0, $4  }
0x2d: {  	[sflag:s12] =	ssyncset.done $0x0  }
0x2e: {  	[sflag:s12] =	ssyncadd.s32 $0xFFFFC000  }
0x2f: {  	_ =	swait.ge [sflag:s13], $0x4000  }
0x30: {  	s23 =	sadd.s32 $0xFFFFFFFF, s23;
	[sflag:s13] =	ssyncset.done $0x0  }
.LBB2_1:
0x31: {  	p0 =	sne.s32 s23, $0x1;
	s23 =	sadd.s32 $0xFFFFFFFF, s23;
	[sflag:s13] =	ssyncadd.s32 $0xFFFFC000  }
0x32: {  	[tilespmem:s5], [sflag:$0x4] =	stream.linear.gather [hbm4b:s6+s5], $0x80, $0x38;
	[tilespmem:$0xC200] =	vst v63  }
0x33: {  	_ = 	snop  }
0x34: {  	[tilespmem:s8], [sflag:$0x5] =	stream.linear.gather [hbm4b:s7+s5], $0x80, $0x38;
	[tilespmem:$0xC200] =	vst v63  }
0x35: {  	_ = 	snop  }
0x36: {  	[tilespmem:s10], [sflag:$0x6] =	stream.linear.gather [hbm4b:s9+s5], $0x80, $0x38;
	[tilespmem:$0xC200] =	vst v63  }
0x37: {  	_ =	swait.ge [sflag:s11], $0x80  }
0x38: {  	[sflag:s11] =	ssyncset.done $0x0  }
0x39: {  	[sflag:s11] =	ssyncadd.s32 $0xFFFFFF80  }
0x3a: {  	_ =	swait.ge [sflag:s12], $0x80  }
0x3b: {  	[sflag:s12] =	ssyncset.done $0x0  }
0x3c: {  	[sflag:s12] =	ssyncadd.s32 $0xFFFFFF80  }
0x3d: {  	_ =	swait.ge [sflag:s13], $0x80  }
0x3e: {  	[sflag:s13] =	ssyncset.done $0x0  }
0x3f: {  	[sflag:s13] =	ssyncadd.s32 $0xFFFFFF80  }
0x40: {  	[tilespmem:s14], [sflag:$0x1] =	stream.indirect.gather [hbm4b:s1+s8], $0x80, s5, s8, $0xb8;
	[tilespmem:$0xC200] =	vst v63  }
0x41: {  	_ = 	snop  }
0x42: {  	[tilespmem:s15], [sflag:$0x2] =	stream.indirect.gather [hbm4b:s2+s8], $0x80, s8, s8, $0xb8;
	[tilespmem:$0xC200] =	vst v63  }
0x43: {  	_ = 	snop  }
0x44: {  	[tilespmem:s16], [sflag:$0x3] =	stream.indirect.gather [hbm4b:s4+s8], $0x80, s10, s8, $0xb8;
	[tilespmem:$0xC200] =	vst v63  }
0x45: {  	_ =	swait.ge [sflag:s17], $0x4000  }
0x46: {  	[sflag:s17] =	ssyncset.done $0x0  }
0x47: {  	[sflag:s17] =	ssyncadd.s32 $0xFFFFC000  }
0x48: {  	[hbm4b:s18+s5] =	stream.linear.scatter [tilespmem:s14], [sflag:$0x4], $0x4000, $0x38;
	[tilespmem:$0xC200] =	vst v63  }
0x49: {  	_ =	swait.ge [sflag:s19], $0x4000  }
0x4a: {  	[sflag:s19] =	ssyncset.done $0x0  }
0x4b: {  	[sflag:s19] =	ssyncadd.s32 $0xFFFFC000  }
0x4c: {  	[hbm4b:s20+s5] =	stream.linear.scatter [tilespmem:s15], [sflag:$0x5], $0x4000, $0x38;
	[tilespmem:$0xC200] =	vst v63  }
0x4d: {  	_ =	swait.ge [sflag:s21], $0x4000  }
0x4e: {  	[sflag:s21] =	ssyncset.done $0x0  }
0x4f: {  	[sflag:s21] =	ssyncadd.s32 $0xFFFFC000  }
0x50: {  	[hbm4b:s22+s5] =	stream.linear.scatter [tilespmem:s16], [sflag:$0x6], $0x4000, $0x38;
	[tilespmem:$0xC200] =	vst v63  }
0x51: {  	_ =	swait.ge [sflag:s11], $0x4000  }
0x52: {  	[sflag:s11] =	ssyncset.done $0x0  }
0x53: {  	[sflag:s11] =	ssyncadd.s32 $0xFFFFC000  }
.Ltmp1:
0x54: {  	_ =	swait.ge [sflag:s12], $0x4000;
	(pc) =	sbr.rel @p0 .LBB2_1-.Ltmp1, $4  }
0x55: {  	[sflag:s12] =	ssyncset.done $0x0  }
0x56: {  	[sflag:s12] =	ssyncadd.s32 $0xFFFFC000  }
0x57: {  	_ =	swait.ge [sflag:s13], $0x4000  }
0x58: {  	[sflag:s13] =	ssyncset.done $0x0  }
.LBB2_2:
0x59: {  	[sflag:s13] =	ssyncadd.s32 $0xFFFFC000  }
0x5a: {  	_ =	sfence.sel $0x180000  }
0x5b: {  	[bflag:$0x0] =	sbarrier.arrive $0xFFFF  }
0x5c: {  	p0 =	sne.s32 s0, $0x0;
	_ =	strace $0x9000004A  }
0x5d: {  	s0 =	sadd.s32 @!p0 $0x100000, s3;
	[bflag:$0x2] =	sbarrier.arrive $0xFFFF  }
0x5e: {  	[sflag:s0] =	ssyncadd.tile.s32 @!p0 $0x1;
	_ =	shalt  }
.Lfunc_end2:
_tile_overlayer_lowered:
.L_overlay_start_2:
0x5f: {  	(tag) =	ssettag $0x2  }
0x60: {  	s0 =	rddreg [dreg:$0x0];
	s2 =	stileid.u32  }
0x61: {  	s1 =	rddreg [dreg:$0x1];
	p0 =	sne.s32 s2, $0x0  }
0x62: {  	s3 =	rddreg [dreg:$0x2];
	[bflag:$0x3] =	sbarrier.arrive $0xFFFF;
	s2 =	simm.s32 @!p0 $0x1C07  }
0x63: {  	[timem:s3], [sflag:s2] =	dma.local @!p0 [hbm:s0], s1  }
0x64: {  	s0 =	simm.s32 @!p0 $0x7  }
0x65: {  	_ =	swait.ge @!p0 [sflag:s0], s1  }
0x66: {  	s1 =	ssub.s32 @!p0 $0x0, s1;
	[sflag:s0] =	ssyncset.done @!p0 $0x0  }
0x67: {  	[sflag:s0] =	ssyncadd.s32 @!p0 s1  }
0x68: {  	[bflag:$0x3] =	sbarrier.arrive $0xFFFF  }
0x69: {  	_ =	shalt  }

</sc_bundles>
